<compile_context>
chip_gen: v7x
topology: tpu7x:2x2x1
jax: 0.10.2.dev20260603
libtpu: 0.0.44.dev20260713+nightly
codegen_flags: <defaults>
</compile_context>

<pallas_src>
import functools

import jax
import jax.numpy as jnp
from jax import lax
from jax.experimental import pallas as pl
from jax.experimental.pallas import tpu as pltpu
from jax.experimental.pallas import tpu_sc as plsc

N_NODES = 10000
N_EDGES = 320000
D_IN = 128
D_HID = 128
D_OUT = 64

NC = 2
NS = 16
NW = NC * NS
E_PER_TILE = N_EDGES // NW
N_PAD = 10240
ROWS_PER_TILE = N_PAD // NS

D2P = D_OUT + 8
DDEG = 8

NBUF = 5

_sc_mesh = plsc.VectorSubcoreMesh(core_axis_name="c", subcore_axis_name="s")
_sc_params = pltpu.CompilerParams(use_tc_tiling_on_sc=False)


def _make_sc_agg(d, chunk, nbuf=NBUF):
    n_chunks = E_PER_TILE // chunk
    n_groups = n_chunks // nbuf

    @functools.partial(
        pl.kernel,
        mesh=_sc_mesh,
        compiler_params=_sc_params,
        out_type=jax.ShapeDtypeStruct((NC, N_PAD, d), jnp.bfloat16),
        scratch_types=[
            pltpu.VMEM((n_chunks, chunk), jnp.int32),
            pltpu.VMEM((n_chunks, chunk), jnp.int32),
            pltpu.VMEM((nbuf, chunk, d), jnp.bfloat16),
            pltpu.VMEM_SHARED((N_PAD, d), jnp.bfloat16),
            pltpu.SemaphoreType.DMA((nbuf,)),
            pltpu.SemaphoreType.DMA((nbuf,)),
        ],
    )
    def sc_agg(z_hbm, ei_hbm, zinit_hbm, out_hbm,
               src_v, dst_v, rows_v, acc_sh, gsem, ssem):
        cid = lax.axis_index("c")
        sid = lax.axis_index("s")
        wid = cid * NS + sid

        pltpu.sync_copy(ei_hbm.at[0, wid], src_v)
        pltpu.sync_copy(ei_hbm.at[1, wid], dst_v)
        pltpu.sync_copy(zinit_hbm,
                        acc_sh.at[pl.ds(sid * ROWS_PER_TILE, ROWS_PER_TILE), :])
        plsc.subcore_barrier()

        for t in range(nbuf):
            pltpu.async_copy(z_hbm.at[src_v.at[t]], rows_v.at[t], gsem.at[t])

        def body(g, carry):
            j0 = g * nbuf
            for t in range(nbuf):
                j = j0 + t
                pltpu.make_async_copy(z_hbm.at[src_v.at[j]], rows_v.at[t],
                                      gsem.at[t]).wait()
                pltpu.async_copy(rows_v.at[t], acc_sh.at[dst_v.at[j]],
                                 ssem.at[t], add=True)
            for t in range(nbuf):
                j = j0 + t
                jn = j + nbuf
                pltpu.make_async_copy(rows_v.at[t], acc_sh.at[dst_v.at[j]],
                                      ssem.at[t]).wait()

                @pl.when(jn < n_chunks)
                def _():
                    pltpu.async_copy(z_hbm.at[src_v.at[jn]], rows_v.at[t],
                                     gsem.at[t])
            return carry

        lax.fori_loop(0, n_groups, body, 0)
        plsc.subcore_barrier()

        pltpu.sync_copy(acc_sh.at[pl.ds(sid * ROWS_PER_TILE, ROWS_PER_TILE), :],
                        out_hbm.at[cid, pl.ds(sid * ROWS_PER_TILE, ROWS_PER_TILE), :])

    return sc_agg


_CHUNK = 80
_N_CHUNKS = E_PER_TILE // _CHUNK
_N_GROUPS = _N_CHUNKS // NBUF
_sc_agg1 = _make_sc_agg(D_HID, _CHUNK)
_sc_agg2 = _make_sc_agg(D_OUT, _CHUNK)


@functools.partial(
    pl.kernel,
    mesh=_sc_mesh,
    compiler_params=_sc_params,
    out_type=jax.ShapeDtypeStruct((NC, N_PAD, DDEG), jnp.float32),
    scratch_types=[
        pltpu.VMEM((_N_CHUNKS, _CHUNK), jnp.int32),
        pltpu.VMEM((_CHUNK, DDEG), jnp.float32),
        pltpu.VMEM_SHARED((N_PAD, DDEG), jnp.float32),
        pltpu.SemaphoreType.DMA((NBUF,)),
    ],
)
def _sc_deg(ei_hbm, ones_hbm, zinit_hbm, out_hbm, dst_v, ones_v, acc_sh, ssem):
    cid = lax.axis_index("c")
    sid = lax.axis_index("s")
    wid = cid * NS + sid

    pltpu.sync_copy(ei_hbm.at[1, wid], dst_v)
    pltpu.sync_copy(ones_hbm, ones_v)
    pltpu.sync_copy(zinit_hbm,
                    acc_sh.at[pl.ds(sid * ROWS_PER_TILE, ROWS_PER_TILE), :])
    plsc.subcore_barrier()

    def body(g, carry):
        j0 = g * NBUF
        for t in range(NBUF):
            pltpu.async_copy(ones_v, acc_sh.at[dst_v.at[j0 + t]],
                             ssem.at[t], add=True)
        for t in range(NBUF):
            pltpu.make_async_copy(ones_v, acc_sh.at[dst_v.at[j0 + t]],
                                  ssem.at[t]).wait()
        return carry

    lax.fori_loop(0, _N_GROUPS, body, 0)
    plsc.subcore_barrier()

    pltpu.sync_copy(acc_sh.at[pl.ds(sid * ROWS_PER_TILE, ROWS_PER_TILE), :],
                    out_hbm.at[cid, pl.ds(sid * ROWS_PER_TILE, ROWS_PER_TILE), :])


_RB = 5000
_NRB = N_NODES // _RB


def _tc1a_body(x_ref, w1l_ref, z1_ref):
    z1 = jnp.dot(x_ref[...].astype(jnp.bfloat16),
                 w1l_ref[...].astype(jnp.bfloat16),
                 preferred_element_type=jnp.float32)
    z1_ref[...] = z1.astype(jnp.bfloat16)


def _tc1a(x, w1l):
    return pl.pallas_call(
        _tc1a_body,
        grid=(_NRB,),
        in_specs=[
            pl.BlockSpec((_RB, D_IN), lambda i: (i, 0)),
            pl.BlockSpec((D_IN, D_HID), lambda i: (0, 0)),
        ],
        out_specs=pl.BlockSpec((_RB, D_HID), lambda i: (i, 0)),
        out_shape=jax.ShapeDtypeStruct((N_NODES, D_HID), jnp.bfloat16),
    )(x, w1l)


def _tc1b_body(x_ref, w1r_ref, b1r_ref, r1_ref):
    r1_ref[...] = (jnp.dot(x_ref[...].astype(jnp.bfloat16),
                           w1r_ref[...].astype(jnp.bfloat16),
                           preferred_element_type=jnp.float32) + b1r_ref[...])


def _tc1b(x, w1r, b1r):
    return pl.pallas_call(
        _tc1b_body,
        grid=(_NRB,),
        in_specs=[
            pl.BlockSpec((_RB, D_IN), lambda i: (i, 0)),
            pl.BlockSpec((D_IN, D_HID), lambda i: (0, 0)),
            pl.BlockSpec((1, D_HID), lambda i: (0, 0)),
        ],
        out_specs=pl.BlockSpec((_RB, D_HID), lambda i: (i, 0)),
        out_shape=jax.ShapeDtypeStruct((N_NODES, D_HID), jnp.float32),
    )(x, w1r, b1r)


def _tc2a_body(p1_ref, ds_ref, r1_ref, b1l_ref, w2l_ref, h_ref, z2_ref):
    agg = (p1_ref[0].astype(jnp.float32)
           + p1_ref[1].astype(jnp.float32))
    ds = ds_ref[0] + ds_ref[1]
    deg = ds[:, 0:1]
    invd = 1.0 / jnp.maximum(deg, 1.0)
    h = jnp.maximum(agg * invd + b1l_ref[...] + r1_ref[...], 0.0)
    h_ref[...] = h
    z2 = jnp.dot(h.astype(jnp.bfloat16), w2l_ref[...].astype(jnp.bfloat16),
                 preferred_element_type=jnp.float32)
    z2_ref[...] = z2.astype(jnp.bfloat16)


def _tc2a(p1, dsum, r1, b1l, w2l):
    return pl.pallas_call(
        _tc2a_body,
        grid=(_NRB,),
        in_specs=[
            pl.BlockSpec((NC, _RB, D_HID), lambda i: (0, i, 0)),
            pl.BlockSpec((NC, _RB, DDEG), lambda i: (0, i, 0)),
            pl.BlockSpec((_RB, D_HID), lambda i: (i, 0)),
            pl.BlockSpec((1, D_HID), lambda i: (0, 0)),
            pl.BlockSpec((D_HID, D_OUT), lambda i: (0, 0)),
        ],
        out_specs=[
            pl.BlockSpec((_RB, D_HID), lambda i: (i, 0)),
            pl.BlockSpec((_RB, D_OUT), lambda i: (i, 0)),
        ],
        out_shape=[
            jax.ShapeDtypeStruct((N_NODES, D_HID), jnp.float32),
            jax.ShapeDtypeStruct((N_NODES, D_OUT), jnp.bfloat16),
        ],
    )(p1, dsum, r1, b1l, w2l)


def _tc2b_body(h_ref, ds_ref, w2r_ref, b2c_ref, r2p_ref):
    ds = ds_ref[0] + ds_ref[1]
    deg = ds[:, 0:1]
    invd = 1.0 / jnp.maximum(deg, 1.0)
    r2c = (jnp.dot(h_ref[...].astype(jnp.bfloat16),
                   w2r_ref[...].astype(jnp.bfloat16),
                   preferred_element_type=jnp.float32) + b2c_ref[...])
    pad = jnp.zeros((_RB, D2P - D_OUT - 1), jnp.float32)
    r2p_ref[...] = jnp.concatenate([r2c, invd, pad], axis=1)


def _tc2b(h, dsum, w2r, b2c):
    return pl.pallas_call(
        _tc2b_body,
        grid=(_NRB,),
        in_specs=[
            pl.BlockSpec((_RB, D_HID), lambda i: (i, 0)),
            pl.BlockSpec((NC, _RB, DDEG), lambda i: (0, i, 0)),
            pl.BlockSpec((D_HID, D_OUT), lambda i: (0, 0)),
            pl.BlockSpec((1, D_OUT), lambda i: (0, 0)),
        ],
        out_specs=pl.BlockSpec((_RB, D2P), lambda i: (i, 0)),
        out_shape=jax.ShapeDtypeStruct((N_NODES, D2P), jnp.float32),
    )(h, dsum, w2r, b2c)


def _tc3_body(p2_ref, r2p_ref, y_ref, m_ref, out_ref, num_ref, den_ref):
    i = pl.program_id(0)

    agg2 = (p2_ref[0].astype(jnp.float32)
            + p2_ref[1].astype(jnp.float32))
    r2c = r2p_ref[:, :D_OUT]
    invd = r2p_ref[:, D_OUT:D_OUT + 1]
    logits = agg2 * invd + r2c
    mx = jnp.max(logits, axis=1, keepdims=True)
    lse = jnp.log(jnp.sum(jnp.exp(logits - mx), axis=1, keepdims=True))
    lsm = logits - mx - lse
    onehot = (lax.broadcasted_iota(jnp.int32, (_RB, D_OUT), 1)
              == y_ref[...]).astype(jnp.float32)
    picked = jnp.sum(lsm * onehot, axis=1, keepdims=True)
    m = m_ref[...]
    num_p = jnp.sum(picked * m)
    den_p = jnp.sum(m)

    @pl.when(i == 0)
    def _():
        num_ref[0] = num_p
        den_ref[0] = den_p

    @pl.when(i > 0)
    def _():
        num_ref[0] = num_ref[0] + num_p
        den_ref[0] = den_ref[0] + den_p

    @pl.when(i == _NRB - 1)
    def _():
        loss = -num_ref[0] / jnp.maximum(den_ref[0], 1.0)
        out_ref[...] = jnp.broadcast_to(loss, (1, 1))


def _tc3(p2, r2p, y2d, m2d):
    return pl.pallas_call(
        _tc3_body,
        grid=(_NRB,),
        in_specs=[
            pl.BlockSpec((NC, _RB, D_OUT), lambda i: (0, i, 0)),
            pl.BlockSpec((_RB, D2P), lambda i: (i, 0)),
            pl.BlockSpec((_RB, 1), lambda i: (i, 0)),
            pl.BlockSpec((_RB, 1), lambda i: (i, 0)),
        ],
        out_specs=pl.BlockSpec((1, 1), lambda i: (0, 0)),
        out_shape=jax.ShapeDtypeStruct((1, 1), jnp.float32),
        scratch_shapes=[
            pltpu.SMEM((1,), jnp.float32),
            pltpu.SMEM((1,), jnp.float32),
        ],
    )(p2, r2p, y2d, m2d)


def kernel(x, edge_index, y, train_mask,
           W1_l, b1_l, W1_r, b1_r, W2_l, b2_l, W2_r, b2_r):
    ei = edge_index.reshape(2, NW, _N_CHUNKS, _CHUNK)
    zinit1 = jnp.zeros((ROWS_PER_TILE, D_HID), jnp.bfloat16)
    zinit2 = jnp.zeros((ROWS_PER_TILE, D_OUT), jnp.bfloat16)
    zinitd = jnp.zeros((ROWS_PER_TILE, DDEG), jnp.float32)
    onesd = jnp.ones((_CHUNK, DDEG), jnp.float32)

    dsum = _sc_deg(ei, onesd, zinitd)
    z1 = _tc1a(x, W1_l)
    p1 = _sc_agg1(z1, ei, zinit1)
    r1 = _tc1b(x, W1_r, b1_r.reshape(1, D_HID))
    h, z2 = _tc2a(p1, dsum, r1, b1_l.reshape(1, D_HID), W2_l)
    p2 = _sc_agg2(z2, ei, zinit2)
    b2c = (b2_l + b2_r).reshape(1, D_OUT)
    r2p = _tc2b(h, dsum, W2_r, b2c)
    loss = _tc3(p2, r2p, y.reshape(N_NODES, 1).astype(jnp.int32),
                train_mask.reshape(N_NODES, 1).astype(jnp.float32))
    return loss.reshape(1)

# --- scband reference (transcript-rebuilt; emitter-appended) ---
"""Pipeline reference for scband-sage-84275848282669 (READ-ONLY COPY).

The authoritative reference and input builder live on the scoring server;
editing this copy changes nothing except your own understanding.
"""

import jax, jax.numpy as jnp
import numpy as np

N_NODES = 10000
N_EDGES = 320000
D_IN = 128
D_HID = 128
D_OUT = 64


def setup_inputs(seed: int = 0) -> dict:
    key = jax.random.key(seed)
    ks = jax.random.split(key, 12)
    x = jax.random.normal(ks[0], (N_NODES, D_IN), dtype=jnp.float32)
    edge_index = jax.random.randint(ks[1], (2, N_EDGES), 0, N_NODES, dtype=jnp.int32)
    y = jax.random.randint(ks[2], (N_NODES,), 0, D_OUT, dtype=jnp.int32)
    train_mask = jax.random.bernoulli(ks[3], 0.5, (N_NODES,))
    def glorot(k, fan_in, fan_out):
        lim = (6.0 / (fan_in + fan_out)) ** 0.5
        return jax.random.uniform(k, (fan_in, fan_out), jnp.float32, -lim, lim)
    W1_l = glorot(ks[4], D_IN, D_HID)
    b1_l = jnp.zeros((D_HID,), jnp.float32)
    W1_r = glorot(ks[5], D_IN, D_HID)
    b1_r = jnp.zeros((D_HID,), jnp.float32)
    W2_l = glorot(ks[6], D_HID, D_OUT)
    b2_l = jnp.zeros((D_OUT,), jnp.float32)
    W2_r = glorot(ks[7], D_HID, D_OUT)
    b2_r = jnp.zeros((D_OUT,), jnp.float32)
    return {"x": x, "edge_index": edge_index, "y": y, "train_mask": train_mask,
            "W1_l": W1_l, "b1_l": b1_l, "W1_r": W1_r, "b1_r": b1_r,
            "W2_l": W2_l, "b2_l": b2_l, "W2_r": W2_r, "b2_r": b2_r}


def _sage_conv(h, edge_index, Wl, bl, Wr, br, n_nodes):
    # PyG SAGEConv (normalize=False): out = lin_l(mean_{j in N(i)} x_j) + lin_r(x_i)
    src = edge_index[0]
    dst = edge_index[1]
    msgs = jnp.take(h, src, axis=0)
    agg = jax.ops.segment_sum(msgs, dst, num_segments=n_nodes)
    deg = jax.ops.segment_sum(jnp.ones((edge_index.shape[1],), h.dtype), dst, num_segments=n_nodes)
    mean = agg / jnp.clip(deg, 1.0)[:, None]
    return mean @ Wl + bl + h @ Wr + br


def reference(x, edge_index, y, train_mask, W1_l, b1_l, W1_r, b1_r, W2_l, b2_l, W2_r, b2_r):
    # Single-chunk execution of SAGE.forward in eval mode (dropout = identity).
    n = x.shape[0]
    h = _sage_conv(x, edge_index, W1_l, b1_l, W1_r, b1_r, n)
    h = jax.nn.relu(h)
    logits = _sage_conv(h, edge_index, W2_l, b2_l, W2_r, b2_r, n)
    lsm = jax.nn.log_softmax(logits, axis=1)
    picked = jnp.take_along_axis(lsm, y[:, None].astype(jnp.int32), axis=1)[:, 0]
    m = train_mask.astype(lsm.dtype)
    loss = -(picked * m).sum() / jnp.maximum(m.sum(), 1.0)
    # num_chunks = 1 -> loss / 1
    return loss.reshape(1)

if __name__ == "__main__":
    import jax
    _d = setup_inputs()
    print(jax.jit(kernel)(*tuple(_d.values())))

</pallas_src>

<mosaic_0001>
#map = affine_map<(d0, d1) -> (0, 0)>
#map1 = affine_map<(d0, d1) -> (0, 0, 0, 0)>
#map2 = affine_map<(d0, d1) -> (0, 0, 0)>
module attributes {stable_mosaic.version = 14 : i64} {
  func.func @sc_agg(%arg0: i32, %arg1: i32, %arg2: memref<10000x64xbf16, #tpu.memory_space<hbm>>, %arg3: memref<2x32x125x80xi32, #tpu.memory_space<hbm>>, %arg4: memref<640x64xbf16, #tpu.memory_space<hbm>>, %arg5: memref<2x10240x64xbf16, #tpu.memory_space<hbm>>, %arg6: memref<125x80xi32, #tpu.memory_space<vmem>>, %arg7: memref<125x80xi32, #tpu.memory_space<vmem>>, %arg8: memref<5x80x64xbf16, #tpu.memory_space<vmem>>, %arg9: memref<10240x64xbf16, #tpu.memory_space<vmem_shared>>, %arg10: memref<5x!tpu.dma_semaphore, #tpu.memory_space<semaphore_mem>>, %arg11: memref<5x!tpu.dma_semaphore, #tpu.memory_space<semaphore_mem>>) attributes {dimension_semantics = [#tpu.dimension_semantics<core_parallel>, #tpu.dimension_semantics<subcore_parallel>], iteration_bounds = array<i64: 2, 16>, scalar_prefetch = 0 : i64, scratch_operands = 6 : i64, tpu.core_type = #tpu.core_type<sc_vector_subcore>, window_params = [{transform_indices = #map}, {transform_indices = #map1}, {transform_indices = #map}, {transform_indices = #map2}]} {
    %mul3A = arith.constant 16 : i32
    %mul3A_0 = arith.muli %arg0, %mul3A : i32
    %add3A = arith.addi %mul3A_0, %arg1 : i32
    %run_scoped3A = arith.constant 0 : i32
    "tpu.region"() ({
      %run_scoped3A_88 = tpu.sem_alloc : memref<!tpu.dma_semaphore, #tpu.memory_space<semaphore_mem>>
      %dma_start3A_89 = arith.constant 0 : i32
      %dma_start3A_90 = arith.constant 0 : i32
      %dma_start3A_91 = tpu.memref_slice %arg3[%run_scoped3A, %add3A, %dma_start3A_89, %dma_start3A_90] : memref<2x32x125x80xi32, #tpu.memory_space<hbm>> -> memref<1x1x125x80xi32, #tpu.memory_space<hbm>>
      %dma_start3A_92 = tpu.memref_squeeze %dma_start3A_91 : memref<1x1x125x80xi32, #tpu.memory_space<hbm>> -> memref<125x80xi32, #tpu.memory_space<hbm>>
      %dma_start3A_93 = arith.constant 0 : i32
      %dma_start3A_94 = arith.constant 0 : i32
      %dma_start3A_95 = tpu.memref_slice %arg3[%run_scoped3A, %add3A, %dma_start3A_93, %dma_start3A_94] : memref<2x32x125x80xi32, #tpu.memory_space<hbm>> -> memref<1x1x125x80xi32, #tpu.memory_space<hbm>>
      %dma_start3A_96 = tpu.memref_squeeze %dma_start3A_95 : memref<1x1x125x80xi32, #tpu.memory_space<hbm>> -> memref<125x80xi32, #tpu.memory_space<hbm>>
      tpu.enqueue_dma source(%dma_start3A_96 : memref<125x80xi32, #tpu.memory_space<hbm>>) target(%arg6 : memref<125x80xi32, #tpu.memory_space<vmem>>) target_semaphore(%run_scoped3A_88 : memref<!tpu.dma_semaphore, #tpu.memory_space<semaphore_mem>>)
      %dma_wait3A = arith.constant 0 : i32
      %dma_wait3A_97 = arith.constant 0 : i32
      %dma_wait3A_98 = tpu.memref_slice %arg3[%run_scoped3A, %add3A, %dma_wait3A, %dma_wait3A_97] : memref<2x32x125x80xi32, #tpu.memory_space<hbm>> -> memref<1x1x125x80xi32, #tpu.memory_space<hbm>>
      %dma_wait3A_99 = tpu.memref_squeeze %dma_wait3A_98 : memref<1x1x125x80xi32, #tpu.memory_space<hbm>> -> memref<125x80xi32, #tpu.memory_space<hbm>>
      %dma_wait3A_100 = arith.constant 0 : i32
      %dma_wait3A_101 = arith.constant 0 : i32
      %dma_wait3A_102 = tpu.memref_slice %arg3[%run_scoped3A, %add3A, %dma_wait3A_100, %dma_wait3A_101] : memref<2x32x125x80xi32, #tpu.memory_space<hbm>> -> memref<1x1x125x80xi32, #tpu.memory_space<hbm>>
      %dma_wait3A_103 = tpu.memref_squeeze %dma_wait3A_102 : memref<1x1x125x80xi32, #tpu.memory_space<hbm>> -> memref<125x80xi32, #tpu.memory_space<hbm>>
      tpu.wait_dma2 semaphore(%run_scoped3A_88 : memref<!tpu.dma_semaphore, #tpu.memory_space<semaphore_mem>>) src(%dma_wait3A_103 : memref<125x80xi32, #tpu.memory_space<hbm>>) dst(%arg6 : memref<125x80xi32, #tpu.memory_space<vmem>>)
      tpu.yield
    }) : () -> ()
    %run_scoped3A_1 = arith.constant 1 : i32
    "tpu.region"() ({
      %run_scoped3A_88 = tpu.sem_alloc : memref<!tpu.dma_semaphore, #tpu.memory_space<semaphore_mem>>
      %dma_start3A_89 = arith.constant 0 : i32
      %dma_start3A_90 = arith.constant 0 : i32
      %dma_start3A_91 = tpu.memref_slice %arg3[%run_scoped3A_1, %add3A, %dma_start3A_89, %dma_start3A_90] : memref<2x32x125x80xi32, #tpu.memory_space<hbm>> -> memref<1x1x125x80xi32, #tpu.memory_space<hbm>>
      %dma_start3A_92 = tpu.memref_squeeze %dma_start3A_91 : memref<1x1x125x80xi32, #tpu.memory_space<hbm>> -> memref<125x80xi32, #tpu.memory_space<hbm>>
      %dma_start3A_93 = arith.constant 0 : i32
      %dma_start3A_94 = arith.constant 0 : i32
      %dma_start3A_95 = tpu.memref_slice %arg3[%run_scoped3A_1, %add3A, %dma_start3A_93, %dma_start3A_94] : memref<2x32x125x80xi32, #tpu.memory_space<hbm>> -> memref<1x1x125x80xi32, #tpu.memory_space<hbm>>
      %dma_start3A_96 = tpu.memref_squeeze %dma_start3A_95 : memref<1x1x125x80xi32, #tpu.memory_space<hbm>> -> memref<125x80xi32, #tpu.memory_space<hbm>>
      tpu.enqueue_dma source(%dma_start3A_96 : memref<125x80xi32, #tpu.memory_space<hbm>>) target(%arg7 : memref<125x80xi32, #tpu.memory_space<vmem>>) target_semaphore(%run_scoped3A_88 : memref<!tpu.dma_semaphore, #tpu.memory_space<semaphore_mem>>)
      %dma_wait3A = arith.constant 0 : i32
      %dma_wait3A_97 = arith.constant 0 : i32
      %dma_wait3A_98 = tpu.memref_slice %arg3[%run_scoped3A_1, %add3A, %dma_wait3A, %dma_wait3A_97] : memref<2x32x125x80xi32, #tpu.memory_space<hbm>> -> memref<1x1x125x80xi32, #tpu.memory_space<hbm>>
      %dma_wait3A_99 = tpu.memref_squeeze %dma_wait3A_98 : memref<1x1x125x80xi32, #tpu.memory_space<hbm>> -> memref<125x80xi32, #tpu.memory_space<hbm>>
      %dma_wait3A_100 = arith.constant 0 : i32
      %dma_wait3A_101 = arith.constant 0 : i32
      %dma_wait3A_102 = tpu.memref_slice %arg3[%run_scoped3A_1, %add3A, %dma_wait3A_100, %dma_wait3A_101] : memref<2x32x125x80xi32, #tpu.memory_space<hbm>> -> memref<1x1x125x80xi32, #tpu.memory_space<hbm>>
      %dma_wait3A_103 = tpu.memref_squeeze %dma_wait3A_102 : memref<1x1x125x80xi32, #tpu.memory_space<hbm>> -> memref<125x80xi32, #tpu.memory_space<hbm>>
      tpu.wait_dma2 semaphore(%run_scoped3A_88 : memref<!tpu.dma_semaphore, #tpu.memory_space<semaphore_mem>>) src(%dma_wait3A_103 : memref<125x80xi32, #tpu.memory_space<hbm>>) dst(%arg7 : memref<125x80xi32, #tpu.memory_space<vmem>>)
      tpu.yield
    }) : () -> ()
    %mul3A_2 = arith.constant 640 : i32
    %mul3A_3 = arith.muli %arg1, %mul3A_2 : i32
    "tpu.region"() ({
      %run_scoped3A_88 = tpu.sem_alloc : memref<!tpu.dma_semaphore, #tpu.memory_space<semaphore_mem>>
      %dma_start3A_89 = arith.constant 0 : i32
      %dma_start3A_90 = tpu.memref_slice %arg9[%mul3A_3, %dma_start3A_89] : memref<10240x64xbf16, #tpu.memory_space<vmem_shared>> -> memref<640x64xbf16, #tpu.memory_space<vmem_shared>>
      tpu.enqueue_dma source(%arg4 : memref<640x64xbf16, #tpu.memory_space<hbm>>) target(%dma_start3A_90 : memref<640x64xbf16, #tpu.memory_space<vmem_shared>>) target_semaphore(%run_scoped3A_88 : memref<!tpu.dma_semaphore, #tpu.memory_space<semaphore_mem>>)
      %dma_wait3A = arith.constant 0 : i32
      %dma_wait3A_91 = tpu.memref_slice %arg9[%mul3A_3, %dma_wait3A] : memref<10240x64xbf16, #tpu.memory_space<vmem_shared>> -> memref<640x64xbf16, #tpu.memory_space<vmem_shared>>
      tpu.wait_dma2 semaphore(%run_scoped3A_88 : memref<!tpu.dma_semaphore, #tpu.memory_space<semaphore_mem>>) src(%arg4 : memref<640x64xbf16, #tpu.memory_space<hbm>>) dst(%dma_wait3A_91 : memref<640x64xbf16, #tpu.memory_space<vmem_shared>>)
      tpu.yield
    }) : () -> ()
    %barrier3A = arith.constant 0 : index
    tpu.barrier barrier_id(%barrier3A)
    %dma_start3A = arith.constant 0 : i32
    %dma_start3A_4 = arith.constant 0 : i32
    %dma_start3A_5 = arith.constant 0 : i32
    %dma_start3A_6 = arith.constant 0 : i32
    %dma_start3A_7 = arith.constant 0 : i32
    %dma_start3A_8 = tpu.memref_slice %arg8[%dma_start3A_4, %dma_start3A_6, %dma_start3A_7] : memref<5x80x64xbf16, #tpu.memory_space<vmem>> -> memref<1x80x64xbf16, #tpu.memory_space<vmem>>
    %dma_start3A_9 = tpu.memref_squeeze %dma_start3A_8 : memref<1x80x64xbf16, #tpu.memory_space<vmem>> -> memref<80x64xbf16, #tpu.memory_space<vmem>>
    %dma_start3A_10 = arith.constant 0 : i32
    %dma_start3A_11 = tpu.memref_slice %arg6[%dma_start3A, %dma_start3A_10] : memref<125x80xi32, #tpu.memory_space<vmem>> -> memref<1x80xi32, #tpu.memory_space<vmem>>
    %dma_start3A_12 = tpu.memref_squeeze %dma_start3A_11 : memref<1x80xi32, #tpu.memory_space<vmem>> -> memref<80xi32, #tpu.memory_space<vmem>>
    %dma_start3A_13 = arith.constant 0 : i32
    %dma_start3A_14 = arith.constant 0 : i32
    %dma_start3A_15 = tpu.memref_slice %arg2[%dma_start3A_13, %dma_start3A_14] : memref<10000x64xbf16, #tpu.memory_space<hbm>> -> memref<10000x64xbf16, #tpu.memory_space<hbm>>
    %dma_start3A_16 = tpu.memref_slice %arg10[%dma_start3A_5] : memref<5x!tpu.dma_semaphore, #tpu.memory_space<semaphore_mem>> -> memref<1x!tpu.dma_semaphore, #tpu.memory_space<semaphore_mem>>
    %dma_start3A_17 = tpu.memref_squeeze %dma_start3A_16 : memref<1x!tpu.dma_semaphore, #tpu.memory_space<semaphore_mem>> -> memref<!tpu.dma_semaphore, #tpu.memory_space<semaphore_mem>>
    tpu.enqueue_indirect_dma source(%dma_start3A_15 : memref<10000x64xbf16, #tpu.memory_space<hbm>>) target(%dma_start3A_9 : memref<80x64xbf16, #tpu.memory_space<vmem>>) offsets(%dma_start3A_12 : memref<80xi32, #tpu.memory_space<vmem>>) semaphore(%dma_start3A_17 : memref<!tpu.dma_semaphore, #tpu.memory_space<semaphore_mem>>)
    %dma_start3A_18 = arith.constant 1 : i32
    %dma_start3A_19 = arith.constant 1 : i32
    %dma_start3A_20 = arith.constant 1 : i32
    %dma_start3A_21 = arith.constant 0 : i32
    %dma_start3A_22 = arith.constant 0 : i32
    %dma_start3A_23 = tpu.memref_slice %arg8[%dma_start3A_19, %dma_start3A_21, %dma_start3A_22] : memref<5x80x64xbf16, #tpu.memory_space<vmem>> -> memref<1x80x64xbf16, #tpu.memory_space<vmem>>
    %dma_start3A_24 = tpu.memref_squeeze %dma_start3A_23 : memref<1x80x64xbf16, #tpu.memory_space<vmem>> -> memref<80x64xbf16, #tpu.memory_space<vmem>>
    %dma_start3A_25 = arith.constant 0 : i32
    %dma_start3A_26 = tpu.memref_slice %arg6[%dma_start3A_18, %dma_start3A_25] : memref<125x80xi32, #tpu.memory_space<vmem>> -> memref<1x80xi32, #tpu.memory_space<vmem>>
    %dma_start3A_27 = tpu.memref_squeeze %dma_start3A_26 : memref<1x80xi32, #tpu.memory_space<vmem>> -> memref<80xi32, #tpu.memory_space<vmem>>
    %dma_start3A_28 = arith.constant 0 : i32
    %dma_start3A_29 = arith.constant 0 : i32
    %dma_start3A_30 = tpu.memref_slice %arg2[%dma_start3A_28, %dma_start3A_29] : memref<10000x64xbf16, #tpu.memory_space<hbm>> -> memref<10000x64xbf16, #tpu.memory_space<hbm>>
    %dma_start3A_31 = tpu.memref_slice %arg10[%dma_start3A_20] : memref<5x!tpu.dma_semaphore, #tpu.memory_space<semaphore_mem>> -> memref<1x!tpu.dma_semaphore, #tpu.memory_space<semaphore_mem>>
    %dma_start3A_32 = tpu.memref_squeeze %dma_start3A_31 : memref<1x!tpu.dma_semaphore, #tpu.memory_space<semaphore_mem>> -> memref<!tpu.dma_semaphore, #tpu.memory_space<semaphore_mem>>
    tpu.enqueue_indirect_dma source(%dma_start3A_30 : memref<10000x64xbf16, #tpu.memory_space<hbm>>) target(%dma_start3A_24 : memref<80x64xbf16, #tpu.memory_space<vmem>>) offsets(%dma_start3A_27 : memref<80xi32, #tpu.memory_space<vmem>>) semaphore(%dma_start3A_32 : memref<!tpu.dma_semaphore, #tpu.memory_space<semaphore_mem>>)
    %dma_start3A_33 = arith.constant 2 : i32
    %dma_start3A_34 = arith.constant 2 : i32
    %dma_start3A_35 = arith.constant 2 : i32
    %dma_start3A_36 = arith.constant 0 : i32
    %dma_start3A_37 = arith.constant 0 : i32
    %dma_start3A_38 = tpu.memref_slice %arg8[%dma_start3A_34, %dma_start3A_36, %dma_start3A_37] : memref<5x80x64xbf16, #tpu.memory_space<vmem>> -> memref<1x80x64xbf16, #tpu.memory_space<vmem>>
    %dma_start3A_39 = tpu.memref_squeeze %dma_start3A_38 : memref<1x80x64xbf16, #tpu.memory_space<vmem>> -> memref<80x64xbf16, #tpu.memory_space<vmem>>
    %dma_start3A_40 = arith.constant 0 : i32
    %dma_start3A_41 = tpu.memref_slice %arg6[%dma_start3A_33, %dma_start3A_40] : memref<125x80xi32, #tpu.memory_space<vmem>> -> memref<1x80xi32, #tpu.memory_space<vmem>>
    %dma_start3A_42 = tpu.memref_squeeze %dma_start3A_41 : memref<1x80xi32, #tpu.memory_space<vmem>> -> memref<80xi32, #tpu.memory_space<vmem>>
    %dma_start3A_43 = arith.constant 0 : i32
    %dma_start3A_44 = arith.constant 0 : i32
    %dma_start3A_45 = tpu.memref_slice %arg2[%dma_start3A_43, %dma_start3A_44] : memref<10000x64xbf16, #tpu.memory_space<hbm>> -> memref<10000x64xbf16, #tpu.memory_space<hbm>>
    %dma_start3A_46 = tpu.memref_slice %arg10[%dma_start3A_35] : memref<5x!tpu.dma_semaphore, #tpu.memory_space<semaphore_mem>> -> memref<1x!tpu.dma_semaphore, #tpu.memory_space<semaphore_mem>>
    %dma_start3A_47 = tpu.memref_squeeze %dma_start3A_46 : memref<1x!tpu.dma_semaphore, #tpu.memory_space<semaphore_mem>> -> memref<!tpu.dma_semaphore, #tpu.memory_space<semaphore_mem>>
    tpu.enqueue_indirect_dma source(%dma_start3A_45 : memref<10000x64xbf16, #tpu.memory_space<hbm>>) target(%dma_start3A_39 : memref<80x64xbf16, #tpu.memory_space<vmem>>) offsets(%dma_start3A_42 : memref<80xi32, #tpu.memory_space<vmem>>) semaphore(%dma_start3A_47 : memref<!tpu.dma_semaphore, #tpu.memory_space<semaphore_mem>>)
    %dma_start3A_48 = arith.constant 3 : i32
    %dma_start3A_49 = arith.constant 3 : i32
    %dma_start3A_50 = arith.constant 3 : i32
    %dma_start3A_51 = arith.constant 0 : i32
    %dma_start3A_52 = arith.constant 0 : i32
    %dma_start3A_53 = tpu.memref_slice %arg8[%dma_start3A_49, %dma_start3A_51, %dma_start3A_52] : memref<5x80x64xbf16, #tpu.memory_space<vmem>> -> memref<1x80x64xbf16, #tpu.memory_space<vmem>>
    %dma_start3A_54 = tpu.memref_squeeze %dma_start3A_53 : memref<1x80x64xbf16, #tpu.memory_space<vmem>> -> memref<80x64xbf16, #tpu.memory_space<vmem>>
    %dma_start3A_55 = arith.constant 0 : i32
    %dma_start3A_56 = tpu.memref_slice %arg6[%dma_start3A_48, %dma_start3A_55] : memref<125x80xi32, #tpu.memory_space<vmem>> -> memref<1x80xi32, #tpu.memory_space<vmem>>
    %dma_start3A_57 = tpu.memref_squeeze %dma_start3A_56 : memref<1x80xi32, #tpu.memory_space<vmem>> -> memref<80xi32, #tpu.memory_space<vmem>>
    %dma_start3A_58 = arith.constant 0 : i32
    %dma_start3A_59 = arith.constant 0 : i32
    %dma_start3A_60 = tpu.memref_slice %arg2[%dma_start3A_58, %dma_start3A_59] : memref<10000x64xbf16, #tpu.memory_space<hbm>> -> memref<10000x64xbf16, #tpu.memory_space<hbm>>
    %dma_start3A_61 = tpu.memref_slice %arg10[%dma_start3A_50] : memref<5x!tpu.dma_semaphore, #tpu.memory_space<semaphore_mem>> -> memref<1x!tpu.dma_semaphore, #tpu.memory_space<semaphore_mem>>
    %dma_start3A_62 = tpu.memref_squeeze %dma_start3A_61 : memref<1x!tpu.dma_semaphore, #tpu.memory_space<semaphore_mem>> -> memref<!tpu.dma_semaphore, #tpu.memory_space<semaphore_mem>>
    tpu.enqueue_indirect_dma source(%dma_start3A_60 : memref<10000x64xbf16, #tpu.memory_space<hbm>>) target(%dma_start3A_54 : memref<80x64xbf16, #tpu.memory_space<vmem>>) offsets(%dma_start3A_57 : memref<80xi32, #tpu.memory_space<vmem>>) semaphore(%dma_start3A_62 : memref<!tpu.dma_semaphore, #tpu.memory_space<semaphore_mem>>)
    %dma_start3A_63 = arith.constant 4 : i32
    %dma_start3A_64 = arith.constant 4 : i32
    %dma_start3A_65 = arith.constant 4 : i32
    %dma_start3A_66 = arith.constant 0 : i32
    %dma_start3A_67 = arith.constant 0 : i32
    %dma_start3A_68 = tpu.memref_slice %arg8[%dma_start3A_64, %dma_start3A_66, %dma_start3A_67] : memref<5x80x64xbf16, #tpu.memory_space<vmem>> -> memref<1x80x64xbf16, #tpu.memory_space<vmem>>
    %dma_start3A_69 = tpu.memref_squeeze %dma_start3A_68 : memref<1x80x64xbf16, #tpu.memory_space<vmem>> -> memref<80x64xbf16, #tpu.memory_space<vmem>>
    %dma_start3A_70 = arith.constant 0 : i32
    %dma_start3A_71 = tpu.memref_slice %arg6[%dma_start3A_63, %dma_start3A_70] : memref<125x80xi32, #tpu.memory_space<vmem>> -> memref<1x80xi32, #tpu.memory_space<vmem>>
    %dma_start3A_72 = tpu.memref_squeeze %dma_start3A_71 : memref<1x80xi32, #tpu.memory_space<vmem>> -> memref<80xi32, #tpu.memory_space<vmem>>
    %dma_start3A_73 = arith.constant 0 : i32
    %dma_start3A_74 = arith.constant 0 : i32
    %dma_start3A_75 = tpu.memref_slice %arg2[%dma_start3A_73, %dma_start3A_74] : memref<10000x64xbf16, #tpu.memory_space<hbm>> -> memref<10000x64xbf16, #tpu.memory_space<hbm>>
    %dma_start3A_76 = tpu.memref_slice %arg10[%dma_start3A_65] : memref<5x!tpu.dma_semaphore, #tpu.memory_space<semaphore_mem>> -> memref<1x!tpu.dma_semaphore, #tpu.memory_space<semaphore_mem>>
    %dma_start3A_77 = tpu.memref_squeeze %dma_start3A_76 : memref<1x!tpu.dma_semaphore, #tpu.memory_space<semaphore_mem>> -> memref<!tpu.dma_semaphore, #tpu.memory_space<semaphore_mem>>
    tpu.enqueue_indirect_dma source(%dma_start3A_75 : memref<10000x64xbf16, #tpu.memory_space<hbm>>) target(%dma_start3A_69 : memref<80x64xbf16, #tpu.memory_space<vmem>>) offsets(%dma_start3A_72 : memref<80xi32, #tpu.memory_space<vmem>>) semaphore(%dma_start3A_77 : memref<!tpu.dma_semaphore, #tpu.memory_space<semaphore_mem>>)
    %scan3A = arith.constant 0 : i32
    %scan3A_78 = arith.constant 0 : i32
    %scan3A_79 = arith.constant 25 : i32
    %scan3A_80 = arith.addi %scan3A_78, %scan3A_79 : i32
    %scan3A_81 = arith.constant 1 : i32
    scf.for %scan3A_88 = %scan3A_78 to %scan3A_80 step %scan3A_81  : i32 {
      %mul3A_89 = arith.constant 5 : i32
      %mul3A_90 = arith.muli %scan3A_88, %mul3A_89 : i32
      %add3A_91 = arith.constant 0 : i32
      %add3A_92 = arith.addi %mul3A_90, %add3A_91 : i32
      %dma_wait3A = arith.constant 0 : i32
      %dma_wait3A_93 = arith.constant 0 : i32
      %dma_wait3A_94 = arith.constant 0 : i32
      %dma_wait3A_95 = arith.constant 0 : i32
      %dma_wait3A_96 = tpu.memref_slice %arg8[%dma_wait3A, %dma_wait3A_94, %dma_wait3A_95] : memref<5x80x64xbf16, #tpu.memory_space<vmem>> -> memref<1x80x64xbf16, #tpu.memory_space<vmem>>
      %dma_wait3A_97 = tpu.memref_squeeze %dma_wait3A_96 : memref<1x80x64xbf16, #tpu.memory_space<vmem>> -> memref<80x64xbf16, #tpu.memory_space<vmem>>
      %dma_wait3A_98 = arith.constant 0 : i32
      %dma_wait3A_99 = tpu.memref_slice %arg6[%add3A_92, %dma_wait3A_98] : memref<125x80xi32, #tpu.memory_space<vmem>> -> memref<1x80xi32, #tpu.memory_space<vmem>>
      %dma_wait3A_100 = tpu.memref_squeeze %dma_wait3A_99 : memref<1x80xi32, #tpu.memory_space<vmem>> -> memref<80xi32, #tpu.memory_space<vmem>>
      %dma_wait3A_101 = arith.constant 0 : i32
      %dma_wait3A_102 = arith.constant 0 : i32
      %dma_wait3A_103 = tpu.memref_slice %arg2[%dma_wait3A_101, %dma_wait3A_102] : memref<10000x64xbf16, #tpu.memory_space<hbm>> -> memref<10000x64xbf16, #tpu.memory_space<hbm>>
      %dma_wait3A_104 = tpu.memref_slice %arg10[%dma_wait3A_93] : memref<5x!tpu.dma_semaphore, #tpu.memory_space<semaphore_mem>> -> memref<1x!tpu.dma_semaphore, #tpu.memory_space<semaphore_mem>>
      %dma_wait3A_105 = tpu.memref_squeeze %dma_wait3A_104 : memref<1x!tpu.dma_semaphore, #tpu.memory_space<semaphore_mem>> -> memref<!tpu.dma_semaphore, #tpu.memory_space<semaphore_mem>>
      tpu.wait_indirect_dma semaphore(%dma_wait3A_105 : memref<!tpu.dma_semaphore, #tpu.memory_space<semaphore_mem>>) src(%dma_wait3A_103 : memref<10000x64xbf16, #tpu.memory_space<hbm>>) dst(%dma_wait3A_97 : memref<80x64xbf16, #tpu.memory_space<vmem>>)
      %dma_start3A_106 = arith.constant 0 : i32
      %dma_start3A_107 = arith.constant 0 : i32
      %dma_start3A_108 = arith.constant 0 : i32
      %dma_start3A_109 = arith.constant 0 : i32
      %dma_start3A_110 = tpu.memref_slice %arg8[%dma_start3A_106, %dma_start3A_108, %dma_start3A_109] : memref<5x80x64xbf16, #tpu.memory_space<vmem>> -> memref<1x80x64xbf16, #tpu.memory_space<vmem>>
      %dma_start3A_111 = tpu.memref_squeeze %dma_start3A_110 : memref<1x80x64xbf16, #tpu.memory_space<vmem>> -> memref<80x64xbf16, #tpu.memory_space<vmem>>
      %dma_start3A_112 = arith.constant 0 : i32
      %dma_start3A_113 = tpu.memref_slice %arg7[%add3A_92, %dma_start3A_112] : memref<125x80xi32, #tpu.memory_space<vmem>> -> memref<1x80xi32, #tpu.memory_space<vmem>>
      %dma_start3A_114 = tpu.memref_squeeze %dma_start3A_113 : memref<1x80xi32, #tpu.memory_space<vmem>> -> memref<80xi32, #tpu.memory_space<vmem>>
      %dma_start3A_115 = arith.constant 0 : i32
      %dma_start3A_116 = arith.constant 0 : i32
      %dma_start3A_117 = tpu.memref_slice %arg9[%dma_start3A_115, %dma_start3A_116] : memref<10240x64xbf16, #tpu.memory_space<vmem_shared>> -> memref<10240x64xbf16, #tpu.memory_space<vmem_shared>>
      %dma_start3A_118 = tpu.memref_slice %arg11[%dma_start3A_107] : memref<5x!tpu.dma_semaphore, #tpu.memory_space<semaphore_mem>> -> memref<1x!tpu.dma_semaphore, #tpu.memory_space<semaphore_mem>>
      %dma_start3A_119 = tpu.memref_squeeze %dma_start3A_118 : memref<1x!tpu.dma_semaphore, #tpu.memory_space<semaphore_mem>> -> memref<!tpu.dma_semaphore, #tpu.memory_space<semaphore_mem>>
      tpu.enqueue_indirect_dma source(%dma_start3A_111 : memref<80x64xbf16, #tpu.memory_space<vmem>>) target(%dma_start3A_117 : memref<10240x64xbf16, #tpu.memory_space<vmem_shared>>) offsets(%dma_start3A_114 : memref<80xi32, #tpu.memory_space<vmem>>) semaphore(%dma_start3A_119 : memref<!tpu.dma_semaphore, #tpu.memory_space<semaphore_mem>>) {add = true}
      %add3A_120 = arith.constant 1 : i32
      %add3A_121 = arith.addi %mul3A_90, %add3A_120 : i32
      %dma_wait3A_122 = arith.constant 1 : i32
      %dma_wait3A_123 = arith.constant 1 : i32
      %dma_wait3A_124 = arith.constant 0 : i32
      %dma_wait3A_125 = arith.constant 0 : i32
      %dma_wait3A_126 = tpu.memref_slice %arg8[%dma_wait3A_122, %dma_wait3A_124, %dma_wait3A_125] : memref<5x80x64xbf16, #tpu.memory_space<vmem>> -> memref<1x80x64xbf16, #tpu.memory_space<vmem>>
      %dma_wait3A_127 = tpu.memref_squeeze %dma_wait3A_126 : memref<1x80x64xbf16, #tpu.memory_space<vmem>> -> memref<80x64xbf16, #tpu.memory_space<vmem>>
      %dma_wait3A_128 = arith.constant 0 : i32
      %dma_wait3A_129 = tpu.memref_slice %arg6[%add3A_121, %dma_wait3A_128] : memref<125x80xi32, #tpu.memory_space<vmem>> -> memref<1x80xi32, #tpu.memory_space<vmem>>
      %dma_wait3A_130 = tpu.memref_squeeze %dma_wait3A_129 : memref<1x80xi32, #tpu.memory_space<vmem>> -> memref<80xi32, #tpu.memory_space<vmem>>
      %dma_wait3A_131 = arith.constant 0 : i32
      %dma_wait3A_132 = arith.constant 0 : i32
      %dma_wait3A_133 = tpu.memref_slice %arg2[%dma_wait3A_131, %dma_wait3A_132] : memref<10000x64xbf16, #tpu.memory_space<hbm>> -> memref<10000x64xbf16, #tpu.memory_space<hbm>>
      %dma_wait3A_134 = tpu.memref_slice %arg10[%dma_wait3A_123] : memref<5x!tpu.dma_semaphore, #tpu.memory_space<semaphore_mem>> -> memref<1x!tpu.dma_semaphore, #tpu.memory_space<semaphore_mem>>
      %dma_wait3A_135 = tpu.memref_squeeze %dma_wait3A_134 : memref<1x!tpu.dma_semaphore, #tpu.memory_space<semaphore_mem>> -> memref<!tpu.dma_semaphore, #tpu.memory_space<semaphore_mem>>
      tpu.wait_indirect_dma semaphore(%dma_wait3A_135 : memref<!tpu.dma_semaphore, #tpu.memory_space<semaphore_mem>>) src(%dma_wait3A_133 : memref<10000x64xbf16, #tpu.memory_space<hbm>>) dst(%dma_wait3A_127 : memref<80x64xbf16, #tpu.memory_space<vmem>>)
      %dma_start3A_136 = arith.constant 1 : i32
      %dma_start3A_137 = arith.constant 1 : i32
      %dma_start3A_138 = arith.constant 0 : i32
      %dma_start3A_139 = arith.constant 0 : i32
      %dma_start3A_140 = tpu.memref_slice %arg8[%dma_start3A_136, %dma_start3A_138, %dma_start3A_139] : memref<5x80x64xbf16, #tpu.memory_space<vmem>> -> memref<1x80x64xbf16, #tpu.memory_space<vmem>>
      %dma_start3A_141 = tpu.memref_squeeze %dma_start3A_140 : memref<1x80x64xbf16, #tpu.memory_space<vmem>> -> memref<80x64xbf16, #tpu.memory_space<vmem>>
      %dma_start3A_142 = arith.constant 0 : i32
      %dma_start3A_143 = tpu.memref_slice %arg7[%add3A_121, %dma_start3A_142] : memref<125x80xi32, #tpu.memory_space<vmem>> -> memref<1x80xi32, #tpu.memory_space<vmem>>
      %dma_start3A_144 = tpu.memref_squeeze %dma_start3A_143 : memref<1x80xi32, #tpu.memory_space<vmem>> -> memref<80xi32, #tpu.memory_space<vmem>>
      %dma_start3A_145 = arith.constant 0 : i32
      %dma_start3A_146 = arith.constant 0 : i32
      %dma_start3A_147 = tpu.memref_slice %arg9[%dma_start3A_145, %dma_start3A_146] : memref<10240x64xbf16, #tpu.memory_space<vmem_shared>> -> memref<10240x64xbf16, #tpu.memory_space<vmem_shared>>
      %dma_start3A_148 = tpu.memref_slice %arg11[%dma_start3A_137] : memref<5x!tpu.dma_semaphore, #tpu.memory_space<semaphore_mem>> -> memref<1x!tpu.dma_semaphore, #tpu.memory_space<semaphore_mem>>
      %dma_start3A_149 = tpu.memref_squeeze %dma_start3A_148 : memref<1x!tpu.dma_semaphore, #tpu.memory_space<semaphore_mem>> -> memref<!tpu.dma_semaphore, #tpu.memory_space<semaphore_mem>>
      tpu.enqueue_indirect_dma source(%dma_start3A_141 : memref<80x64xbf16, #tpu.memory_space<vmem>>) target(%dma_start3A_147 : memref<10240x64xbf16, #tpu.memory_space<vmem_shared>>) offsets(%dma_start3A_144 : memref<80xi32, #tpu.memory_space<vmem>>) semaphore(%dma_start3A_149 : memref<!tpu.dma_semaphore, #tpu.memory_space<semaphore_mem>>) {add = true}
      %add3A_150 = arith.constant 2 : i32
      %add3A_151 = arith.addi %mul3A_90, %add3A_150 : i32
      %dma_wait3A_152 = arith.constant 2 : i32
      %dma_wait3A_153 = arith.constant 2 : i32
      %dma_wait3A_154 = arith.constant 0 : i32
      %dma_wait3A_155 = arith.constant 0 : i32
      %dma_wait3A_156 = tpu.memref_slice %arg8[%dma_wait3A_152, %dma_wait3A_154, %dma_wait3A_155] : memref<5x80x64xbf16, #tpu.memory_space<vmem>> -> memref<1x80x64xbf16, #tpu.memory_space<vmem>>
      %dma_wait3A_157 = tpu.memref_squeeze %dma_wait3A_156 : memref<1x80x64xbf16, #tpu.memory_space<vmem>> -> memref<80x64xbf16, #tpu.memory_space<vmem>>
      %dma_wait3A_158 = arith.constant 0 : i32
      %dma_wait3A_159 = tpu.memref_slice %arg6[%add3A_151, %dma_wait3A_158] : memref<125x80xi32, #tpu.memory_space<vmem>> -> memref<1x80xi32, #tpu.memory_space<vmem>>
      %dma_wait3A_160 = tpu.memref_squeeze %dma_wait3A_159 : memref<1x80xi32, #tpu.memory_space<vmem>> -> memref<80xi32, #tpu.memory_space<vmem>>
      %dma_wait3A_161 = arith.constant 0 : i32
      %dma_wait3A_162 = arith.constant 0 : i32
      %dma_wait3A_163 = tpu.memref_slice %arg2[%dma_wait3A_161, %dma_wait3A_162] : memref<10000x64xbf16, #tpu.memory_space<hbm>> -> memref<10000x64xbf16, #tpu.memory_space<hbm>>
      %dma_wait3A_164 = tpu.memref_slice %arg10[%dma_wait3A_153] : memref<5x!tpu.dma_semaphore, #tpu.memory_space<semaphore_mem>> -> memref<1x!tpu.dma_semaphore, #tpu.memory_space<semaphore_mem>>
      %dma_wait3A_165 = tpu.memref_squeeze %dma_wait3A_164 : memref<1x!tpu.dma_semaphore, #tpu.memory_space<semaphore_mem>> -> memref<!tpu.dma_semaphore, #tpu.memory_space<semaphore_mem>>
      tpu.wait_indirect_dma semaphore(%dma_wait3A_165 : memref<!tpu.dma_semaphore, #tpu.memory_space<semaphore_mem>>) src(%dma_wait3A_163 : memref<10000x64xbf16, #tpu.memory_space<hbm>>) dst(%dma_wait3A_157 : memref<80x64xbf16, #tpu.memory_space<vmem>>)
      %dma_start3A_166 = arith.constant 2 : i32
      %dma_start3A_167 = arith.constant 2 : i32
      %dma_start3A_168 = arith.constant 0 : i32
      %dma_start3A_169 = arith.constant 0 : i32
      %dma_start3A_170 = tpu.memref_slice %arg8[%dma_start3A_166, %dma_start3A_168, %dma_start3A_169] : memref<5x80x64xbf16, #tpu.memory_space<vmem>> -> memref<1x80x64xbf16, #tpu.memory_space<vmem>>
      %dma_start3A_171 = tpu.memref_squeeze %dma_start3A_170 : memref<1x80x64xbf16, #tpu.memory_space<vmem>> -> memref<80x64xbf16, #tpu.memory_space<vmem>>
      %dma_start3A_172 = arith.constant 0 : i32
      %dma_start3A_173 = tpu.memref_slice %arg7[%add3A_151, %dma_start3A_172] : memref<125x80xi32, #tpu.memory_space<vmem>> -> memref<1x80xi32, #tpu.memory_space<vmem>>
      %dma_start3A_174 = tpu.memref_squeeze %dma_start3A_173 : memref<1x80xi32, #tpu.memory_space<vmem>> -> memref<80xi32, #tpu.memory_space<vmem>>
      %dma_start3A_175 = arith.constant 0 : i32
      %dma_start3A_176 = arith.constant 0 : i32
      %dma_start3A_177 = tpu.memref_slice %arg9[%dma_start3A_175, %dma_start3A_176] : memref<10240x64xbf16, #tpu.memory_space<vmem_shared>> -> memref<10240x64xbf16, #tpu.memory_space<vmem_shared>>
      %dma_start3A_178 = tpu.memref_slice %arg11[%dma_start3A_167] : memref<5x!tpu.dma_semaphore, #tpu.memory_space<semaphore_mem>> -> memref<1x!tpu.dma_semaphore, #tpu.memory_space<semaphore_mem>>
      %dma_start3A_179 = tpu.memref_squeeze %dma_start3A_178 : memref<1x!tpu.dma_semaphore, #tpu.memory_space<semaphore_mem>> -> memref<!tpu.dma_semaphore, #tpu.memory_space<semaphore_mem>>
      tpu.enqueue_indirect_dma source(%dma_start3A_171 : memref<80x64xbf16, #tpu.memory_space<vmem>>) target(%dma_start3A_177 : memref<10240x64xbf16, #tpu.memory_space<vmem_shared>>) offsets(%dma_start3A_174 : memref<80xi32, #tpu.memory_space<vmem>>) semaphore(%dma_start3A_179 : memref<!tpu.dma_semaphore, #tpu.memory_space<semaphore_mem>>) {add = true}
      %add3A_180 = arith.constant 3 : i32
      %add3A_181 = arith.addi %mul3A_90, %add3A_180 : i32
      %dma_wait3A_182 = arith.constant 3 : i32
      %dma_wait3A_183 = arith.constant 3 : i32
      %dma_wait3A_184 = arith.constant 0 : i32
      %dma_wait3A_185 = arith.constant 0 : i32
      %dma_wait3A_186 = tpu.memref_slice %arg8[%dma_wait3A_182, %dma_wait3A_184, %dma_wait3A_185] : memref<5x80x64xbf16, #tpu.memory_space<vmem>> -> memref<1x80x64xbf16, #tpu.memory_space<vmem>>
      %dma_wait3A_187 = tpu.memref_squeeze %dma_wait3A_186 : memref<1x80x64xbf16, #tpu.memory_space<vmem>> -> memref<80x64xbf16, #tpu.memory_space<vmem>>
      %dma_wait3A_188 = arith.constant 0 : i32
      %dma_wait3A_189 = tpu.memref_slice %arg6[%add3A_181, %dma_wait3A_188] : memref<125x80xi32, #tpu.memory_space<vmem>> -> memref<1x80xi32, #tpu.memory_space<vmem>>
      %dma_wait3A_190 = tpu.memref_squeeze %dma_wait3A_189 : memref<1x80xi32, #tpu.memory_space<vmem>> -> memref<80xi32, #tpu.memory_space<vmem>>
      %dma_wait3A_191 = arith.constant 0 : i32
      %dma_wait3A_192 = arith.constant 0 : i32
      %dma_wait3A_193 = tpu.memref_slice %arg2[%dma_wait3A_191, %dma_wait3A_192] : memref<10000x64xbf16, #tpu.memory_space<hbm>> -> memref<10000x64xbf16, #tpu.memory_space<hbm>>
      %dma_wait3A_194 = tpu.memref_slice %arg10[%dma_wait3A_183] : memref<5x!tpu.dma_semaphore, #tpu.memory_space<semaphore_mem>> -> memref<1x!tpu.dma_semaphore, #tpu.memory_space<semaphore_mem>>
      %dma_wait3A_195 = tpu.memref_squeeze %dma_wait3A_194 : memref<1x!tpu.dma_semaphore, #tpu.memory_space<semaphore_mem>> -> memref<!tpu.dma_semaphore, #tpu.memory_space<semaphore_mem>>
      tpu.wait_indirect_dma semaphore(%dma_wait3A_195 : memref<!tpu.dma_semaphore, #tpu.memory_space<semaphore_mem>>) src(%dma_wait3A_193 : memref<10000x64xbf16, #tpu.memory_space<hbm>>) dst(%dma_wait3A_187 : memref<80x64xbf16, #tpu.memory_space<vmem>>)
      %dma_start3A_196 = arith.constant 3 : i32
      %dma_start3A_197 = arith.constant 3 : i32
      %dma_start3A_198 = arith.constant 0 : i32
      %dma_start3A_199 = arith.constant 0 : i32
      %dma_start3A_200 = tpu.memref_slice %arg8[%dma_start3A_196, %dma_start3A_198, %dma_start3A_199] : memref<5x80x64xbf16, #tpu.memory_space<vmem>> -> memref<1x80x64xbf16, #tpu.memory_space<vmem>>
      %dma_start3A_201 = tpu.memref_squeeze %dma_start3A_200 : memref<1x80x64xbf16, #tpu.memory_space<vmem>> -> memref<80x64xbf16, #tpu.memory_space<vmem>>
      %dma_start3A_202 = arith.constant 0 : i32
      %dma_start3A_203 = tpu.memref_slice %arg7[%add3A_181, %dma_start3A_202] : memref<125x80xi32, #tpu.memory_space<vmem>> -> memref<1x80xi32, #tpu.memory_space<vmem>>
      %dma_start3A_204 = tpu.memref_squeeze %dma_start3A_203 : memref<1x80xi32, #tpu.memory_space<vmem>> -> memref<80xi32, #tpu.memory_space<vmem>>
      %dma_start3A_205 = arith.constant 0 : i32
      %dma_start3A_206 = arith.constant 0 : i32
      %dma_start3A_207 = tpu.memref_slice %arg9[%dma_start3A_205, %dma_start3A_206] : memref<10240x64xbf16, #tpu.memory_space<vmem_shared>> -> memref<10240x64xbf16, #tpu.memory_space<vmem_shared>>
      %dma_start3A_208 = tpu.memref_slice %arg11[%dma_start3A_197] : memref<5x!tpu.dma_semaphore, #tpu.memory_space<semaphore_mem>> -> memref<1x!tpu.dma_semaphore, #tpu.memory_space<semaphore_mem>>
      %dma_start3A_209 = tpu.memref_squeeze %dma_start3A_208 : memref<1x!tpu.dma_semaphore, #tpu.memory_space<semaphore_mem>> -> memref<!tpu.dma_semaphore, #tpu.memory_space<semaphore_mem>>
      tpu.enqueue_indirect_dma source(%dma_start3A_201 : memref<80x64xbf16, #tpu.memory_space<vmem>>) target(%dma_start3A_207 : memref<10240x64xbf16, #tpu.memory_space<vmem_shared>>) offsets(%dma_start3A_204 : memref<80xi32, #tpu.memory_space<vmem>>) semaphore(%dma_start3A_209 : memref<!tpu.dma_semaphore, #tpu.memory_space<semaphore_mem>>) {add = true}
      %add3A_210 = arith.constant 4 : i32
      %add3A_211 = arith.addi %mul3A_90, %add3A_210 : i32
      %dma_wait3A_212 = arith.constant 4 : i32
      %dma_wait3A_213 = arith.constant 4 : i32
      %dma_wait3A_214 = arith.constant 0 : i32
      %dma_wait3A_215 = arith.constant 0 : i32
      %dma_wait3A_216 = tpu.memref_slice %arg8[%dma_wait3A_212, %dma_wait3A_214, %dma_wait3A_215] : memref<5x80x64xbf16, #tpu.memory_space<vmem>> -> memref<1x80x64xbf16, #tpu.memory_space<vmem>>
      %dma_wait3A_217 = tpu.memref_squeeze %dma_wait3A_216 : memref<1x80x64xbf16, #tpu.memory_space<vmem>> -> memref<80x64xbf16, #tpu.memory_space<vmem>>
      %dma_wait3A_218 = arith.constant 0 : i32
      %dma_wait3A_219 = tpu.memref_slice %arg6[%add3A_211, %dma_wait3A_218] : memref<125x80xi32, #tpu.memory_space<vmem>> -> memref<1x80xi32, #tpu.memory_space<vmem>>
      %dma_wait3A_220 = tpu.memref_squeeze %dma_wait3A_219 : memref<1x80xi32, #tpu.memory_space<vmem>> -> memref<80xi32, #tpu.memory_space<vmem>>
      %dma_wait3A_221 = arith.constant 0 : i32
      %dma_wait3A_222 = arith.constant 0 : i32
      %dma_wait3A_223 = tpu.memref_slice %arg2[%dma_wait3A_221, %dma_wait3A_222] : memref<10000x64xbf16, #tpu.memory_space<hbm>> -> memref<10000x64xbf16, #tpu.memory_space<hbm>>
      %dma_wait3A_224 = tpu.memref_slice %arg10[%dma_wait3A_213] : memref<5x!tpu.dma_semaphore, #tpu.memory_space<semaphore_mem>> -> memref<1x!tpu.dma_semaphore, #tpu.memory_space<semaphore_mem>>
      %dma_wait3A_225 = tpu.memref_squeeze %dma_wait3A_224 : memref<1x!tpu.dma_semaphore, #tpu.memory_space<semaphore_mem>> -> memref<!tpu.dma_semaphore, #tpu.memory_space<semaphore_mem>>
      tpu.wait_indirect_dma semaphore(%dma_wait3A_225 : memref<!tpu.dma_semaphore, #tpu.memory_space<semaphore_mem>>) src(%dma_wait3A_223 : memref<10000x64xbf16, #tpu.memory_space<hbm>>) dst(%dma_wait3A_217 : memref<80x64xbf16, #tpu.memory_space<vmem>>)
      %dma_start3A_226 = arith.constant 4 : i32
      %dma_start3A_227 = arith.constant 4 : i32
      %dma_start3A_228 = arith.constant 0 : i32
      %dma_start3A_229 = arith.constant 0 : i32
      %dma_start3A_230 = tpu.memref_slice %arg8[%dma_start3A_226, %dma_start3A_228, %dma_start3A_229] : memref<5x80x64xbf16, #tpu.memory_space<vmem>> -> memref<1x80x64xbf16, #tpu.memory_space<vmem>>
      %dma_start3A_231 = tpu.memref_squeeze %dma_start3A_230 : memref<1x80x64xbf16, #tpu.memory_space<vmem>> -> memref<80x64xbf16, #tpu.memory_space<vmem>>
      %dma_start3A_232 = arith.constant 0 : i32
      %dma_start3A_233 = tpu.memref_slice %arg7[%add3A_211, %dma_start3A_232] : memref<125x80xi32, #tpu.memory_space<vmem>> -> memref<1x80xi32, #tpu.memory_space<vmem>>
      %dma_start3A_234 = tpu.memref_squeeze %dma_start3A_233 : memref<1x80xi32, #tpu.memory_space<vmem>> -> memref<80xi32, #tpu.memory_space<vmem>>
      %dma_start3A_235 = arith.constant 0 : i32
      %dma_start3A_236 = arith.constant 0 : i32
      %dma_start3A_237 = tpu.memref_slice %arg9[%dma_start3A_235, %dma_start3A_236] : memref<10240x64xbf16, #tpu.memory_space<vmem_shared>> -> memref<10240x64xbf16, #tpu.memory_space<vmem_shared>>
      %dma_start3A_238 = tpu.memref_slice %arg11[%dma_start3A_227] : memref<5x!tpu.dma_semaphore, #tpu.memory_space<semaphore_mem>> -> memref<1x!tpu.dma_semaphore, #tpu.memory_space<semaphore_mem>>
      %dma_start3A_239 = tpu.memref_squeeze %dma_start3A_238 : memref<1x!tpu.dma_semaphore, #tpu.memory_space<semaphore_mem>> -> memref<!tpu.dma_semaphore, #tpu.memory_space<semaphore_mem>>
      tpu.enqueue_indirect_dma source(%dma_start3A_231 : memref<80x64xbf16, #tpu.memory_space<vmem>>) target(%dma_start3A_237 : memref<10240x64xbf16, #tpu.memory_space<vmem_shared>>) offsets(%dma_start3A_234 : memref<80xi32, #tpu.memory_space<vmem>>) semaphore(%dma_start3A_239 : memref<!tpu.dma_semaphore, #tpu.memory_space<semaphore_mem>>) {add = true}
      %add3A_240 = arith.constant 0 : i32
      %add3A_241 = arith.addi %mul3A_90, %add3A_240 : i32
      %add3A_242 = arith.constant 5 : i32
      %add3A_243 = arith.addi %add3A_241, %add3A_242 : i32
      %dma_wait3A_244 = arith.constant 0 : i32
      %dma_wait3A_245 = arith.constant 0 : i32
      %dma_wait3A_246 = arith.constant 0 : i32
      %dma_wait3A_247 = arith.constant 0 : i32
      %dma_wait3A_248 = tpu.memref_slice %arg8[%dma_wait3A_244, %dma_wait3A_246, %dma_wait3A_247] : memref<5x80x64xbf16, #tpu.memory_space<vmem>> -> memref<1x80x64xbf16, #tpu.memory_space<vmem>>
      %dma_wait3A_249 = tpu.memref_squeeze %dma_wait3A_248 : memref<1x80x64xbf16, #tpu.memory_space<vmem>> -> memref<80x64xbf16, #tpu.memory_space<vmem>>
      %dma_wait3A_250 = arith.constant 0 : i32
      %dma_wait3A_251 = tpu.memref_slice %arg7[%add3A_241, %dma_wait3A_250] : memref<125x80xi32, #tpu.memory_space<vmem>> -> memref<1x80xi32, #tpu.memory_space<vmem>>
      %dma_wait3A_252 = tpu.memref_squeeze %dma_wait3A_251 : memref<1x80xi32, #tpu.memory_space<vmem>> -> memref<80xi32, #tpu.memory_space<vmem>>
      %dma_wait3A_253 = arith.constant 0 : i32
      %dma_wait3A_254 = arith.constant 0 : i32
      %dma_wait3A_255 = tpu.memref_slice %arg9[%dma_wait3A_253, %dma_wait3A_254] : memref<10240x64xbf16, #tpu.memory_space<vmem_shared>> -> memref<10240x64xbf16, #tpu.memory_space<vmem_shared>>
      %dma_wait3A_256 = tpu.memref_slice %arg11[%dma_wait3A_245] : memref<5x!tpu.dma_semaphore, #tpu.memory_space<semaphore_mem>> -> memref<1x!tpu.dma_semaphore, #tpu.memory_space<semaphore_mem>>
      %dma_wait3A_257 = tpu.memref_squeeze %dma_wait3A_256 : memref<1x!tpu.dma_semaphore, #tpu.memory_space<semaphore_mem>> -> memref<!tpu.dma_semaphore, #tpu.memory_space<semaphore_mem>>
      tpu.wait_indirect_dma semaphore(%dma_wait3A_257 : memref<!tpu.dma_semaphore, #tpu.memory_space<semaphore_mem>>) src(%dma_wait3A_249 : memref<80x64xbf16, #tpu.memory_space<vmem>>) dst(%dma_wait3A_255 : memref<10240x64xbf16, #tpu.memory_space<vmem_shared>>)
      %lt3A = arith.constant 125 : i32
      %lt3A_258 = arith.cmpi slt, %add3A_243, %lt3A : i32
      %convert_element_type3A = arith.extui %lt3A_258 : i1 to i32
      %cond3A = arith.constant 0 : i32
      %cond3A_259 = arith.cmpi ne, %convert_element_type3A, %cond3A : i32
      scf.if %cond3A_259 {
        %dma_start3A_352 = arith.constant 0 : i32
        %dma_start3A_353 = arith.constant 0 : i32
        %dma_start3A_354 = arith.constant 0 : i32
        %dma_start3A_355 = arith.constant 0 : i32
        %dma_start3A_356 = tpu.memref_slice %arg8[%dma_start3A_352, %dma_start3A_354, %dma_start3A_355] : memref<5x80x64xbf16, #tpu.memory_space<vmem>> -> memref<1x80x64xbf16, #tpu.memory_space<vmem>>
        %dma_start3A_357 = tpu.memref_squeeze %dma_start3A_356 : memref<1x80x64xbf16, #tpu.memory_space<vmem>> -> memref<80x64xbf16, #tpu.memory_space<vmem>>
        %dma_start3A_358 = arith.constant 0 : i32
        %dma_start3A_359 = tpu.memref_slice %arg6[%add3A_243, %dma_start3A_358] : memref<125x80xi32, #tpu.memory_space<vmem>> -> memref<1x80xi32, #tpu.memory_space<vmem>>
        %dma_start3A_360 = tpu.memref_squeeze %dma_start3A_359 : memref<1x80xi32, #tpu.memory_space<vmem>> -> memref<80xi32, #tpu.memory_space<vmem>>
        %dma_start3A_361 = arith.constant 0 : i32
        %dma_start3A_362 = arith.constant 0 : i32
        %dma_start3A_363 = tpu.memref_slice %arg2[%dma_start3A_361, %dma_start3A_362] : memref<10000x64xbf16, #tpu.memory_space<hbm>> -> memref<10000x64xbf16, #tpu.memory_space<hbm>>
        %dma_start3A_364 = tpu.memref_slice %arg10[%dma_start3A_353] : memref<5x!tpu.dma_semaphore, #tpu.memory_space<semaphore_mem>> -> memref<1x!tpu.dma_semaphore, #tpu.memory_space<semaphore_mem>>
        %dma_start3A_365 = tpu.memref_squeeze %dma_start3A_364 : memref<1x!tpu.dma_semaphore, #tpu.memory_space<semaphore_mem>> -> memref<!tpu.dma_semaphore, #tpu.memory_space<semaphore_mem>>
        tpu.enqueue_indirect_dma source(%dma_start3A_363 : memref<10000x64xbf16, #tpu.memory_space<hbm>>) target(%dma_start3A_357 : memref<80x64xbf16, #tpu.memory_space<vmem>>) offsets(%dma_start3A_360 : memref<80xi32, #tpu.memory_space<vmem>>) semaphore(%dma_start3A_365 : memref<!tpu.dma_semaphore, #tpu.memory_space<semaphore_mem>>)
      } else {
      }
      %add3A_260 = arith.constant 1 : i32
      %add3A_261 = arith.addi %mul3A_90, %add3A_260 : i32
      %add3A_262 = arith.constant 5 : i32
      %add3A_263 = arith.addi %add3A_261, %add3A_262 : i32
      %dma_wait3A_264 = arith.constant 1 : i32
      %dma_wait3A_265 = arith.constant 1 : i32
      %dma_wait3A_266 = arith.constant 0 : i32
      %dma_wait3A_267 = arith.constant 0 : i32
      %dma_wait3A_268 = tpu.memref_slice %arg8[%dma_wait3A_264, %dma_wait3A_266, %dma_wait3A_267] : memref<5x80x64xbf16, #tpu.memory_space<vmem>> -> memref<1x80x64xbf16, #tpu.memory_space<vmem>>
      %dma_wait3A_269 = tpu.memref_squeeze %dma_wait3A_268 : memref<1x80x64xbf16, #tpu.memory_space<vmem>> -> memref<80x64xbf16, #tpu.memory_space<vmem>>
      %dma_wait3A_270 = arith.constant 0 : i32
      %dma_wait3A_271 = tpu.memref_slice %arg7[%add3A_261, %dma_wait3A_270] : memref<125x80xi32, #tpu.memory_space<vmem>> -> memref<1x80xi32, #tpu.memory_space<vmem>>
      %dma_wait3A_272 = tpu.memref_squeeze %dma_wait3A_271 : memref<1x80xi32, #tpu.memory_space<vmem>> -> memref<80xi32, #tpu.memory_space<vmem>>
      %dma_wait3A_273 = arith.constant 0 : i32
      %dma_wait3A_274 = arith.constant 0 : i32
      %dma_wait3A_275 = tpu.memref_slice %arg9[%dma_wait3A_273, %dma_wait3A_274] : memref<10240x64xbf16, #tpu.memory_space<vmem_shared>> -> memref<10240x64xbf16, #tpu.memory_space<vmem_shared>>
      %dma_wait3A_276 = tpu.memref_slice %arg11[%dma_wait3A_265] : memref<5x!tpu.dma_semaphore, #tpu.memory_space<semaphore_mem>> -> memref<1x!tpu.dma_semaphore, #tpu.memory_space<semaphore_mem>>
      %dma_wait3A_277 = tpu.memref_squeeze %dma_wait3A_276 : memref<1x!tpu.dma_semaphore, #tpu.memory_space<semaphore_mem>> -> memref<!tpu.dma_semaphore, #tpu.memory_space<semaphore_mem>>
      tpu.wait_indirect_dma semaphore(%dma_wait3A_277 : memref<!tpu.dma_semaphore, #tpu.memory_space<semaphore_mem>>) src(%dma_wait3A_269 : memref<80x64xbf16, #tpu.memory_space<vmem>>) dst(%dma_wait3A_275 : memref<10240x64xbf16, #tpu.memory_space<vmem_shared>>)
      %lt3A_278 = arith.constant 125 : i32
      %lt3A_279 = arith.cmpi slt, %add3A_263, %lt3A_278 : i32
      %convert_element_type3A_280 = arith.extui %lt3A_279 : i1 to i32
      %cond3A_281 = arith.constant 0 : i32
      %cond3A_282 = arith.cmpi ne, %convert_element_type3A_280, %cond3A_281 : i32
      scf.if %cond3A_282 {
        %dma_start3A_352 = arith.constant 1 : i32
        %dma_start3A_353 = arith.constant 1 : i32
        %dma_start3A_354 = arith.constant 0 : i32
        %dma_start3A_355 = arith.constant 0 : i32
        %dma_start3A_356 = tpu.memref_slice %arg8[%dma_start3A_352, %dma_start3A_354, %dma_start3A_355] : memref<5x80x64xbf16, #tpu.memory_space<vmem>> -> memref<1x80x64xbf16, #tpu.memory_space<vmem>>
        %dma_start3A_357 = tpu.memref_squeeze %dma_start3A_356 : memref<1x80x64xbf16, #tpu.memory_space<vmem>> -> memref<80x64xbf16, #tpu.memory_space<vmem>>
        %dma_start3A_358 = arith.constant 0 : i32
        %dma_start3A_359 = tpu.memref_slice %arg6[%add3A_263, %dma_start3A_358] : memref<125x80xi32, #tpu.memory_space<vmem>> -> memref<1x80xi32, #tpu.memory_space<vmem>>
        %dma_start3A_360 = tpu.memref_squeeze %dma_start3A_359 : memref<1x80xi32, #tpu.memory_space<vmem>> -> memref<80xi32, #tpu.memory_space<vmem>>
        %dma_start3A_361 = arith.constant 0 : i32
        %dma_start3A_362 = arith.constant 0 : i32
        %dma_start3A_363 = tpu.memref_slice %arg2[%dma_start3A_361, %dma_start3A_362] : memref<10000x64xbf16, #tpu.memory_space<hbm>> -> memref<10000x64xbf16, #tpu.memory_space<hbm>>
        %dma_start3A_364 = tpu.memref_slice %arg10[%dma_start3A_353] : memref<5x!tpu.dma_semaphore, #tpu.memory_space<semaphore_mem>> -> memref<1x!tpu.dma_semaphore, #tpu.memory_space<semaphore_mem>>
        %dma_start3A_365 = tpu.memref_squeeze %dma_start3A_364 : memref<1x!tpu.dma_semaphore, #tpu.memory_space<semaphore_mem>> -> memref<!tpu.dma_semaphore, #tpu.memory_space<semaphore_mem>>
        tpu.enqueue_indirect_dma source(%dma_start3A_363 : memref<10000x64xbf16, #tpu.memory_space<hbm>>) target(%dma_start3A_357 : memref<80x64xbf16, #tpu.memory_space<vmem>>) offsets(%dma_start3A_360 : memref<80xi32, #tpu.memory_space<vmem>>) semaphore(%dma_start3A_365 : memref<!tpu.dma_semaphore, #tpu.memory_space<semaphore_mem>>)
      } else {
      }
      %add3A_283 = arith.constant 2 : i32
      %add3A_284 = arith.addi %mul3A_90, %add3A_283 : i32
      %add3A_285 = arith.constant 5 : i32
      %add3A_286 = arith.addi %add3A_284, %add3A_285 : i32
      %dma_wait3A_287 = arith.constant 2 : i32
      %dma_wait3A_288 = arith.constant 2 : i32
      %dma_wait3A_289 = arith.constant 0 : i32
      %dma_wait3A_290 = arith.constant 0 : i32
      %dma_wait3A_291 = tpu.memref_slice %arg8[%dma_wait3A_287, %dma_wait3A_289, %dma_wait3A_290] : memref<5x80x64xbf16, #tpu.memory_space<vmem>> -> memref<1x80x64xbf16, #tpu.memory_space<vmem>>
      %dma_wait3A_292 = tpu.memref_squeeze %dma_wait3A_291 : memref<1x80x64xbf16, #tpu.memory_space<vmem>> -> memref<80x64xbf16, #tpu.memory_space<vmem>>
      %dma_wait3A_293 = arith.constant 0 : i32
      %dma_wait3A_294 = tpu.memref_slice %arg7[%add3A_284, %dma_wait3A_293] : memref<125x80xi32, #tpu.memory_space<vmem>> -> memref<1x80xi32, #tpu.memory_space<vmem>>
      %dma_wait3A_295 = tpu.memref_squeeze %dma_wait3A_294 : memref<1x80xi32, #tpu.memory_space<vmem>> -> memref<80xi32, #tpu.memory_space<vmem>>
      %dma_wait3A_296 = arith.constant 0 : i32
      %dma_wait3A_297 = arith.constant 0 : i32
      %dma_wait3A_298 = tpu.memref_slice %arg9[%dma_wait3A_296, %dma_wait3A_297] : memref<10240x64xbf16, #tpu.memory_space<vmem_shared>> -> memref<10240x64xbf16, #tpu.memory_space<vmem_shared>>
      %dma_wait3A_299 = tpu.memref_slice %arg11[%dma_wait3A_288] : memref<5x!tpu.dma_semaphore, #tpu.memory_space<semaphore_mem>> -> memref<1x!tpu.dma_semaphore, #tpu.memory_space<semaphore_mem>>
      %dma_wait3A_300 = tpu.memref_squeeze %dma_wait3A_299 : memref<1x!tpu.dma_semaphore, #tpu.memory_space<semaphore_mem>> -> memref<!tpu.dma_semaphore, #tpu.memory_space<semaphore_mem>>
      tpu.wait_indirect_dma semaphore(%dma_wait3A_300 : memref<!tpu.dma_semaphore, #tpu.memory_space<semaphore_mem>>) src(%dma_wait3A_292 : memref<80x64xbf16, #tpu.memory_space<vmem>>) dst(%dma_wait3A_298 : memref<10240x64xbf16, #tpu.memory_space<vmem_shared>>)
      %lt3A_301 = arith.constant 125 : i32
      %lt3A_302 = arith.cmpi slt, %add3A_286, %lt3A_301 : i32
      %convert_element_type3A_303 = arith.extui %lt3A_302 : i1 to i32
      %cond3A_304 = arith.constant 0 : i32
      %cond3A_305 = arith.cmpi ne, %convert_element_type3A_303, %cond3A_304 : i32
      scf.if %cond3A_305 {
        %dma_start3A_352 = arith.constant 2 : i32
        %dma_start3A_353 = arith.constant 2 : i32
        %dma_start3A_354 = arith.constant 0 : i32
        %dma_start3A_355 = arith.constant 0 : i32
        %dma_start3A_356 = tpu.memref_slice %arg8[%dma_start3A_352, %dma_start3A_354, %dma_start3A_355] : memref<5x80x64xbf16, #tpu.memory_space<vmem>> -> memref<1x80x64xbf16, #tpu.memory_space<vmem>>
        %dma_start3A_357 = tpu.memref_squeeze %dma_start3A_356 : memref<1x80x64xbf16, #tpu.memory_space<vmem>> -> memref<80x64xbf16, #tpu.memory_space<vmem>>
        %dma_start3A_358 = arith.constant 0 : i32
        %dma_start3A_359 = tpu.memref_slice %arg6[%add3A_286, %dma_start3A_358] : memref<125x80xi32, #tpu.memory_space<vmem>> -> memref<1x80xi32, #tpu.memory_space<vmem>>
        %dma_start3A_360 = tpu.memref_squeeze %dma_start3A_359 : memref<1x80xi32, #tpu.memory_space<vmem>> -> memref<80xi32, #tpu.memory_space<vmem>>
        %dma_start3A_361 = arith.constant 0 : i32
        %dma_start3A_362 = arith.constant 0 : i32
        %dma_start3A_363 = tpu.memref_slice %arg2[%dma_start3A_361, %dma_start3A_362] : memref<10000x64xbf16, #tpu.memory_space<hbm>> -> memref<10000x64xbf16, #tpu.memory_space<hbm>>
        %dma_start3A_364 = tpu.memref_slice %arg10[%dma_start3A_353] : memref<5x!tpu.dma_semaphore, #tpu.memory_space<semaphore_mem>> -> memref<1x!tpu.dma_semaphore, #tpu.memory_space<semaphore_mem>>
        %dma_start3A_365 = tpu.memref_squeeze %dma_start3A_364 : memref<1x!tpu.dma_semaphore, #tpu.memory_space<semaphore_mem>> -> memref<!tpu.dma_semaphore, #tpu.memory_space<semaphore_mem>>
        tpu.enqueue_indirect_dma source(%dma_start3A_363 : memref<10000x64xbf16, #tpu.memory_space<hbm>>) target(%dma_start3A_357 : memref<80x64xbf16, #tpu.memory_space<vmem>>) offsets(%dma_start3A_360 : memref<80xi32, #tpu.memory_space<vmem>>) semaphore(%dma_start3A_365 : memref<!tpu.dma_semaphore, #tpu.memory_space<semaphore_mem>>)
      } else {
      }
      %add3A_306 = arith.constant 3 : i32
      %add3A_307 = arith.addi %mul3A_90, %add3A_306 : i32
      %add3A_308 = arith.constant 5 : i32
      %add3A_309 = arith.addi %add3A_307, %add3A_308 : i32
      %dma_wait3A_310 = arith.constant 3 : i32
      %dma_wait3A_311 = arith.constant 3 : i32
      %dma_wait3A_312 = arith.constant 0 : i32
      %dma_wait3A_313 = arith.constant 0 : i32
      %dma_wait3A_314 = tpu.memref_slice %arg8[%dma_wait3A_310, %dma_wait3A_312, %dma_wait3A_313] : memref<5x80x64xbf16, #tpu.memory_space<vmem>> -> memref<1x80x64xbf16, #tpu.memory_space<vmem>>
      %dma_wait3A_315 = tpu.memref_squeeze %dma_wait3A_314 : memref<1x80x64xbf16, #tpu.memory_space<vmem>> -> memref<80x64xbf16, #tpu.memory_space<vmem>>
      %dma_wait3A_316 = arith.constant 0 : i32
      %dma_wait3A_317 = tpu.memref_slice %arg7[%add3A_307, %dma_wait3A_316] : memref<125x80xi32, #tpu.memory_space<vmem>> -> memref<1x80xi32, #tpu.memory_space<vmem>>
      %dma_wait3A_318 = tpu.memref_squeeze %dma_wait3A_317 : memref<1x80xi32, #tpu.memory_space<vmem>> -> memref<80xi32, #tpu.memory_space<vmem>>
      %dma_wait3A_319 = arith.constant 0 : i32
      %dma_wait3A_320 = arith.constant 0 : i32
      %dma_wait3A_321 = tpu.memref_slice %arg9[%dma_wait3A_319, %dma_wait3A_320] : memref<10240x64xbf16, #tpu.memory_space<vmem_shared>> -> memref<10240x64xbf16, #tpu.memory_space<vmem_shared>>
      %dma_wait3A_322 = tpu.memref_slice %arg11[%dma_wait3A_311] : memref<5x!tpu.dma_semaphore, #tpu.memory_space<semaphore_mem>> -> memref<1x!tpu.dma_semaphore, #tpu.memory_space<semaphore_mem>>
      %dma_wait3A_323 = tpu.memref_squeeze %dma_wait3A_322 : memref<1x!tpu.dma_semaphore, #tpu.memory_space<semaphore_mem>> -> memref<!tpu.dma_semaphore, #tpu.memory_space<semaphore_mem>>
      tpu.wait_indirect_dma semaphore(%dma_wait3A_323 : memref<!tpu.dma_semaphore, #tpu.memory_space<semaphore_mem>>) src(%dma_wait3A_315 : memref<80x64xbf16, #tpu.memory_space<vmem>>) dst(%dma_wait3A_321 : memref<10240x64xbf16, #tpu.memory_space<vmem_shared>>)
      %lt3A_324 = arith.constant 125 : i32
      %lt3A_325 = arith.cmpi slt, %add3A_309, %lt3A_324 : i32
      %convert_element_type3A_326 = arith.extui %lt3A_325 : i1 to i32
      %cond3A_327 = arith.constant 0 : i32
      %cond3A_328 = arith.cmpi ne, %convert_element_type3A_326, %cond3A_327 : i32
      scf.if %cond3A_328 {
        %dma_start3A_352 = arith.constant 3 : i32
        %dma_start3A_353 = arith.constant 3 : i32
        %dma_start3A_354 = arith.constant 0 : i32
        %dma_start3A_355 = arith.constant 0 : i32
        %dma_start3A_356 = tpu.memref_slice %arg8[%dma_start3A_352, %dma_start3A_354, %dma_start3A_355] : memref<5x80x64xbf16, #tpu.memory_space<vmem>> -> memref<1x80x64xbf16, #tpu.memory_space<vmem>>
        %dma_start3A_357 = tpu.memref_squeeze %dma_start3A_356 : memref<1x80x64xbf16, #tpu.memory_space<vmem>> -> memref<80x64xbf16, #tpu.memory_space<vmem>>
        %dma_start3A_358 = arith.constant 0 : i32
        %dma_start3A_359 = tpu.memref_slice %arg6[%add3A_309, %dma_start3A_358] : memref<125x80xi32, #tpu.memory_space<vmem>> -> memref<1x80xi32, #tpu.memory_space<vmem>>
        %dma_start3A_360 = tpu.memref_squeeze %dma_start3A_359 : memref<1x80xi32, #tpu.memory_space<vmem>> -> memref<80xi32, #tpu.memory_space<vmem>>
        %dma_start3A_361 = arith.constant 0 : i32
        %dma_start3A_362 = arith.constant 0 : i32
        %dma_start3A_363 = tpu.memref_slice %arg2[%dma_start3A_361, %dma_start3A_362] : memref<10000x64xbf16, #tpu.memory_space<hbm>> -> memref<10000x64xbf16, #tpu.memory_space<hbm>>
        %dma_start3A_364 = tpu.memref_slice %arg10[%dma_start3A_353] : memref<5x!tpu.dma_semaphore, #tpu.memory_space<semaphore_mem>> -> memref<1x!tpu.dma_semaphore, #tpu.memory_space<semaphore_mem>>
        %dma_start3A_365 = tpu.memref_squeeze %dma_start3A_364 : memref<1x!tpu.dma_semaphore, #tpu.memory_space<semaphore_mem>> -> memref<!tpu.dma_semaphore, #tpu.memory_space<semaphore_mem>>
        tpu.enqueue_indirect_dma source(%dma_start3A_363 : memref<10000x64xbf16, #tpu.memory_space<hbm>>) target(%dma_start3A_357 : memref<80x64xbf16, #tpu.memory_space<vmem>>) offsets(%dma_start3A_360 : memref<80xi32, #tpu.memory_space<vmem>>) semaphore(%dma_start3A_365 : memref<!tpu.dma_semaphore, #tpu.memory_space<semaphore_mem>>)
      } else {
      }
      %add3A_329 = arith.constant 4 : i32
      %add3A_330 = arith.addi %mul3A_90, %add3A_329 : i32
      %add3A_331 = arith.constant 5 : i32
      %add3A_332 = arith.addi %add3A_330, %add3A_331 : i32
      %dma_wait3A_333 = arith.constant 4 : i32
      %dma_wait3A_334 = arith.constant 4 : i32
      %dma_wait3A_335 = arith.constant 0 : i32
      %dma_wait3A_336 = arith.constant 0 : i32
      %dma_wait3A_337 = tpu.memref_slice %arg8[%dma_wait3A_333, %dma_wait3A_335, %dma_wait3A_336] : memref<5x80x64xbf16, #tpu.memory_space<vmem>> -> memref<1x80x64xbf16, #tpu.memory_space<vmem>>
      %dma_wait3A_338 = tpu.memref_squeeze %dma_wait3A_337 : memref<1x80x64xbf16, #tpu.memory_space<vmem>> -> memref<80x64xbf16, #tpu.memory_space<vmem>>
      %dma_wait3A_339 = arith.constant 0 : i32
      %dma_wait3A_340 = tpu.memref_slice %arg7[%add3A_330, %dma_wait3A_339] : memref<125x80xi32, #tpu.memory_space<vmem>> -> memref<1x80xi32, #tpu.memory_space<vmem>>
      %dma_wait3A_341 = tpu.memref_squeeze %dma_wait3A_340 : memref<1x80xi32, #tpu.memory_space<vmem>> -> memref<80xi32, #tpu.memory_space<vmem>>
      %dma_wait3A_342 = arith.constant 0 : i32
      %dma_wait3A_343 = arith.constant 0 : i32
      %dma_wait3A_344 = tpu.memref_slice %arg9[%dma_wait3A_342, %dma_wait3A_343] : memref<10240x64xbf16, #tpu.memory_space<vmem_shared>> -> memref<10240x64xbf16, #tpu.memory_space<vmem_shared>>
      %dma_wait3A_345 = tpu.memref_slice %arg11[%dma_wait3A_334] : memref<5x!tpu.dma_semaphore, #tpu.memory_space<semaphore_mem>> -> memref<1x!tpu.dma_semaphore, #tpu.memory_space<semaphore_mem>>
      %dma_wait3A_346 = tpu.memref_squeeze %dma_wait3A_345 : memref<1x!tpu.dma_semaphore, #tpu.memory_space<semaphore_mem>> -> memref<!tpu.dma_semaphore, #tpu.memory_space<semaphore_mem>>
      tpu.wait_indirect_dma semaphore(%dma_wait3A_346 : memref<!tpu.dma_semaphore, #tpu.memory_space<semaphore_mem>>) src(%dma_wait3A_338 : memref<80x64xbf16, #tpu.memory_space<vmem>>) dst(%dma_wait3A_344 : memref<10240x64xbf16, #tpu.memory_space<vmem_shared>>)
      %lt3A_347 = arith.constant 125 : i32
      %lt3A_348 = arith.cmpi slt, %add3A_332, %lt3A_347 : i32
      %convert_element_type3A_349 = arith.extui %lt3A_348 : i1 to i32
      %cond3A_350 = arith.constant 0 : i32
      %cond3A_351 = arith.cmpi ne, %convert_element_type3A_349, %cond3A_350 : i32
      scf.if %cond3A_351 {
        %dma_start3A_352 = arith.constant 4 : i32
        %dma_start3A_353 = arith.constant 4 : i32
        %dma_start3A_354 = arith.constant 0 : i32
        %dma_start3A_355 = arith.constant 0 : i32
        %dma_start3A_356 = tpu.memref_slice %arg8[%dma_start3A_352, %dma_start3A_354, %dma_start3A_355] : memref<5x80x64xbf16, #tpu.memory_space<vmem>> -> memref<1x80x64xbf16, #tpu.memory_space<vmem>>
        %dma_start3A_357 = tpu.memref_squeeze %dma_start3A_356 : memref<1x80x64xbf16, #tpu.memory_space<vmem>> -> memref<80x64xbf16, #tpu.memory_space<vmem>>
        %dma_start3A_358 = arith.constant 0 : i32
        %dma_start3A_359 = tpu.memref_slice %arg6[%add3A_332, %dma_start3A_358] : memref<125x80xi32, #tpu.memory_space<vmem>> -> memref<1x80xi32, #tpu.memory_space<vmem>>
        %dma_start3A_360 = tpu.memref_squeeze %dma_start3A_359 : memref<1x80xi32, #tpu.memory_space<vmem>> -> memref<80xi32, #tpu.memory_space<vmem>>
        %dma_start3A_361 = arith.constant 0 : i32
        %dma_start3A_362 = arith.constant 0 : i32
        %dma_start3A_363 = tpu.memref_slice %arg2[%dma_start3A_361, %dma_start3A_362] : memref<10000x64xbf16, #tpu.memory_space<hbm>> -> memref<10000x64xbf16, #tpu.memory_space<hbm>>
        %dma_start3A_364 = tpu.memref_slice %arg10[%dma_start3A_353] : memref<5x!tpu.dma_semaphore, #tpu.memory_space<semaphore_mem>> -> memref<1x!tpu.dma_semaphore, #tpu.memory_space<semaphore_mem>>
        %dma_start3A_365 = tpu.memref_squeeze %dma_start3A_364 : memref<1x!tpu.dma_semaphore, #tpu.memory_space<semaphore_mem>> -> memref<!tpu.dma_semaphore, #tpu.memory_space<semaphore_mem>>
        tpu.enqueue_indirect_dma source(%dma_start3A_363 : memref<10000x64xbf16, #tpu.memory_space<hbm>>) target(%dma_start3A_357 : memref<80x64xbf16, #tpu.memory_space<vmem>>) offsets(%dma_start3A_360 : memref<80xi32, #tpu.memory_space<vmem>>) semaphore(%dma_start3A_365 : memref<!tpu.dma_semaphore, #tpu.memory_space<semaphore_mem>>)
      } else {
      }
    }
    %scan3A_82 = arith.constant 25 : i32
    %barrier3A_83 = arith.constant 0 : index
    tpu.barrier barrier_id(%barrier3A_83)
    %mul3A_84 = arith.constant 640 : i32
    %mul3A_85 = arith.muli %arg1, %mul3A_84 : i32
    %mul3A_86 = arith.constant 640 : i32
    %mul3A_87 = arith.muli %arg1, %mul3A_86 : i32
    "tpu.region"() ({
      %run_scoped3A_88 = tpu.sem_alloc : memref<!tpu.dma_semaphore, #tpu.memory_space<semaphore_mem>>
      %dma_start3A_89 = arith.constant 0 : i32
      %dma_start3A_90 = tpu.memref_slice %arg5[%arg0, %mul3A_87, %dma_start3A_89] : memref<2x10240x64xbf16, #tpu.memory_space<hbm>> -> memref<1x640x64xbf16, #tpu.memory_space<hbm>>
      %dma_start3A_91 = tpu.memref_squeeze %dma_start3A_90 : memref<1x640x64xbf16, #tpu.memory_space<hbm>> -> memref<640x64xbf16, #tpu.memory_space<hbm>>
      %dma_start3A_92 = arith.constant 0 : i32
      %dma_start3A_93 = tpu.memref_slice %arg9[%mul3A_85, %dma_start3A_92] : memref<10240x64xbf16, #tpu.memory_space<vmem_shared>> -> memref<640x64xbf16, #tpu.memory_space<vmem_shared>>
      tpu.enqueue_dma source(%dma_start3A_93 : memref<640x64xbf16, #tpu.memory_space<vmem_shared>>) target(%dma_start3A_91 : memref<640x64xbf16, #tpu.memory_space<hbm>>) target_semaphore(%run_scoped3A_88 : memref<!tpu.dma_semaphore, #tpu.memory_space<semaphore_mem>>)
      %dma_wait3A = arith.constant 0 : i32
      %dma_wait3A_94 = tpu.memref_slice %arg5[%arg0, %mul3A_87, %dma_wait3A] : memref<2x10240x64xbf16, #tpu.memory_space<hbm>> -> memref<1x640x64xbf16, #tpu.memory_space<hbm>>
      %dma_wait3A_95 = tpu.memref_squeeze %dma_wait3A_94 : memref<1x640x64xbf16, #tpu.memory_space<hbm>> -> memref<640x64xbf16, #tpu.memory_space<hbm>>
      %dma_wait3A_96 = arith.constant 0 : i32
      %dma_wait3A_97 = tpu.memref_slice %arg9[%mul3A_85, %dma_wait3A_96] : memref<10240x64xbf16, #tpu.memory_space<vmem_shared>> -> memref<640x64xbf16, #tpu.memory_space<vmem_shared>>
      tpu.wait_dma2 semaphore(%run_scoped3A_88 : memref<!tpu.dma_semaphore, #tpu.memory_space<semaphore_mem>>) src(%dma_wait3A_97 : memref<640x64xbf16, #tpu.memory_space<vmem_shared>>) dst(%dma_wait3A_95 : memref<640x64xbf16, #tpu.memory_space<hbm>>)
      tpu.yield
    }) : () -> ()
    return
  }
}

#map = affine_map<(d0, d1) -> (0, 0)>
#map1 = affine_map<(d0, d1) -> (0, 0, 0, 0)>
#map2 = affine_map<(d0, d1) -> (0, 0, 0)>
module attributes {stable_mosaic.version = 14 : i64} {
  func.func @sc_agg(%arg0: i32, %arg1: i32, %arg2: memref<10000x128xbf16, #tpu.memory_space<hbm>>, %arg3: memref<2x32x125x80xi32, #tpu.memory_space<hbm>>, %arg4: memref<640x128xbf16, #tpu.memory_space<hbm>>, %arg5: memref<2x10240x128xbf16, #tpu.memory_space<hbm>>, %arg6: memref<125x80xi32, #tpu.memory_space<vmem>>, %arg7: memref<125x80xi32, #tpu.memory_space<vmem>>, %arg8: memref<5x80x128xbf16, #tpu.memory_space<vmem>>, %arg9: memref<10240x128xbf16, #tpu.memory_space<vmem_shared>>, %arg10: memref<5x!tpu.dma_semaphore, #tpu.memory_space<semaphore_mem>>, %arg11: memref<5x!tpu.dma_semaphore, #tpu.memory_space<semaphore_mem>>) attributes {dimension_semantics = [#tpu.dimension_semantics<core_parallel>, #tpu.dimension_semantics<subcore_parallel>], iteration_bounds = array<i64: 2, 16>, scalar_prefetch = 0 : i64, scratch_operands = 6 : i64, tpu.core_type = #tpu.core_type<sc_vector_subcore>, window_params = [{transform_indices = #map}, {transform_indices = #map1}, {transform_indices = #map}, {transform_indices = #map2}]} {
    %mul3A = arith.constant 16 : i32
    %mul3A_0 = arith.muli %arg0, %mul3A : i32
    %add3A = arith.addi %mul3A_0, %arg1 : i32
    %run_scoped3A = arith.constant 0 : i32
    "tpu.region"() ({
      %run_scoped3A_88 = tpu.sem_alloc : memref<!tpu.dma_semaphore, #tpu.memory_space<semaphore_mem>>
      %dma_start3A_89 = arith.constant 0 : i32
      %dma_start3A_90 = arith.constant 0 : i32
      %dma_start3A_91 = tpu.memref_slice %arg3[%run_scoped3A, %add3A, %dma_start3A_89, %dma_start3A_90] : memref<2x32x125x80xi32, #tpu.memory_space<hbm>> -> memref<1x1x125x80xi32, #tpu.memory_space<hbm>>
      %dma_start3A_92 = tpu.memref_squeeze %dma_start3A_91 : memref<1x1x125x80xi32, #tpu.memory_space<hbm>> -> memref<125x80xi32, #tpu.memory_space<hbm>>
      %dma_start3A_93 = arith.constant 0 : i32
      %dma_start3A_94 = arith.constant 0 : i32
      %dma_start3A_95 = tpu.memref_slice %arg3[%run_scoped3A, %add3A, %dma_start3A_93, %dma_start3A_94] : memref<2x32x125x80xi32, #tpu.memory_space<hbm>> -> memref<1x1x125x80xi32, #tpu.memory_space<hbm>>
      %dma_start3A_96 = tpu.memref_squeeze %dma_start3A_95 : memref<1x1x125x80xi32, #tpu.memory_space<hbm>> -> memref<125x80xi32, #tpu.memory_space<hbm>>
      tpu.enqueue_dma source(%dma_start3A_96 : memref<125x80xi32, #tpu.memory_space<hbm>>) target(%arg6 : memref<125x80xi32, #tpu.memory_space<vmem>>) target_semaphore(%run_scoped3A_88 : memref<!tpu.dma_semaphore, #tpu.memory_space<semaphore_mem>>)
      %dma_wait3A = arith.constant 0 : i32
      %dma_wait3A_97 = arith.constant 0 : i32
      %dma_wait3A_98 = tpu.memref_slice %arg3[%run_scoped3A, %add3A, %dma_wait3A, %dma_wait3A_97] : memref<2x32x125x80xi32, #tpu.memory_space<hbm>> -> memref<1x1x125x80xi32, #tpu.memory_space<hbm>>
      %dma_wait3A_99 = tpu.memref_squeeze %dma_wait3A_98 : memref<1x1x125x80xi32, #tpu.memory_space<hbm>> -> memref<125x80xi32, #tpu.memory_space<hbm>>
      %dma_wait3A_100 = arith.constant 0 : i32
      %dma_wait3A_101 = arith.constant 0 : i32
      %dma_wait3A_102 = tpu.memref_slice %arg3[%run_scoped3A, %add3A, %dma_wait3A_100, %dma_wait3A_101] : memref<2x32x125x80xi32, #tpu.memory_space<hbm>> -> memref<1x1x125x80xi32, #tpu.memory_space<hbm>>
      %dma_wait3A_103 = tpu.memref_squeeze %dma_wait3A_102 : memref<1x1x125x80xi32, #tpu.memory_space<hbm>> -> memref<125x80xi32, #tpu.memory_space<hbm>>
      tpu.wait_dma2 semaphore(%run_scoped3A_88 : memref<!tpu.dma_semaphore, #tpu.memory_space<semaphore_mem>>) src(%dma_wait3A_103 : memref<125x80xi32, #tpu.memory_space<hbm>>) dst(%arg6 : memref<125x80xi32, #tpu.memory_space<vmem>>)
      tpu.yield
    }) : () -> ()
    %run_scoped3A_1 = arith.constant 1 : i32
    "tpu.region"() ({
      %run_scoped3A_88 = tpu.sem_alloc : memref<!tpu.dma_semaphore, #tpu.memory_space<semaphore_mem>>
      %dma_start3A_89 = arith.constant 0 : i32
      %dma_start3A_90 = arith.constant 0 : i32
      %dma_start3A_91 = tpu.memref_slice %arg3[%run_scoped3A_1, %add3A, %dma_start3A_89, %dma_start3A_90] : memref<2x32x125x80xi32, #tpu.memory_space<hbm>> -> memref<1x1x125x80xi32, #tpu.memory_space<hbm>>
      %dma_start3A_92 = tpu.memref_squeeze %dma_start3A_91 : memref<1x1x125x80xi32, #tpu.memory_space<hbm>> -> memref<125x80xi32, #tpu.memory_space<hbm>>
      %dma_start3A_93 = arith.constant 0 : i32
      %dma_start3A_94 = arith.constant 0 : i32
      %dma_start3A_95 = tpu.memref_slice %arg3[%run_scoped3A_1, %add3A, %dma_start3A_93, %dma_start3A_94] : memref<2x32x125x80xi32, #tpu.memory_space<hbm>> -> memref<1x1x125x80xi32, #tpu.memory_space<hbm>>
      %dma_start3A_96 = tpu.memref_squeeze %dma_start3A_95 : memref<1x1x125x80xi32, #tpu.memory_space<hbm>> -> memref<125x80xi32, #tpu.memory_space<hbm>>
      tpu.enqueue_dma source(%dma_start3A_96 : memref<125x80xi32, #tpu.memory_space<hbm>>) target(%arg7 : memref<125x80xi32, #tpu.memory_space<vmem>>) target_semaphore(%run_scoped3A_88 : memref<!tpu.dma_semaphore, #tpu.memory_space<semaphore_mem>>)
      %dma_wait3A = arith.constant 0 : i32
      %dma_wait3A_97 = arith.constant 0 : i32
      %dma_wait3A_98 = tpu.memref_slice %arg3[%run_scoped3A_1, %add3A, %dma_wait3A, %dma_wait3A_97] : memref<2x32x125x80xi32, #tpu.memory_space<hbm>> -> memref<1x1x125x80xi32, #tpu.memory_space<hbm>>
      %dma_wait3A_99 = tpu.memref_squeeze %dma_wait3A_98 : memref<1x1x125x80xi32, #tpu.memory_space<hbm>> -> memref<125x80xi32, #tpu.memory_space<hbm>>
      %dma_wait3A_100 = arith.constant 0 : i32
      %dma_wait3A_101 = arith.constant 0 : i32
      %dma_wait3A_102 = tpu.memref_slice %arg3[%run_scoped3A_1, %add3A, %dma_wait3A_100, %dma_wait3A_101] : memref<2x32x125x80xi32, #tpu.memory_space<hbm>> -> memref<1x1x125x80xi32, #tpu.memory_space<hbm>>
      %dma_wait3A_103 = tpu.memref_squeeze %dma_wait3A_102 : memref<1x1x125x80xi32, #tpu.memory_space<hbm>> -> memref<125x80xi32, #tpu.memory_space<hbm>>
      tpu.wait_dma2 semaphore(%run_scoped3A_88 : memref<!tpu.dma_semaphore, #tpu.memory_space<semaphore_mem>>) src(%dma_wait3A_103 : memref<125x80xi32, #tpu.memory_space<hbm>>) dst(%arg7 : memref<125x80xi32, #tpu.memory_space<vmem>>)
      tpu.yield
    }) : () -> ()
    %mul3A_2 = arith.constant 640 : i32
    %mul3A_3 = arith.muli %arg1, %mul3A_2 : i32
    "tpu.region"() ({
      %run_scoped3A_88 = tpu.sem_alloc : memref<!tpu.dma_semaphore, #tpu.memory_space<semaphore_mem>>
      %dma_start3A_89 = arith.constant 0 : i32
      %dma_start3A_90 = tpu.memref_slice %arg9[%mul3A_3, %dma_start3A_89] : memref<10240x128xbf16, #tpu.memory_space<vmem_shared>> -> memref<640x128xbf16, #tpu.memory_space<vmem_shared>>
      tpu.enqueue_dma source(%arg4 : memref<640x128xbf16, #tpu.memory_space<hbm>>) target(%dma_start3A_90 : memref<640x128xbf16, #tpu.memory_space<vmem_shared>>) target_semaphore(%run_scoped3A_88 : memref<!tpu.dma_semaphore, #tpu.memory_space<semaphore_mem>>)
      %dma_wait3A = arith.constant 0 : i32
      %dma_wait3A_91 = tpu.memref_slice %arg9[%mul3A_3, %dma_wait3A] : memref<10240x128xbf16, #tpu.memory_space<vmem_shared>> -> memref<640x128xbf16, #tpu.memory_space<vmem_shared>>
      tpu.wait_dma2 semaphore(%run_scoped3A_88 : memref<!tpu.dma_semaphore, #tpu.memory_space<semaphore_mem>>) src(%arg4 : memref<640x128xbf16, #tpu.memory_space<hbm>>) dst(%dma_wait3A_91 : memref<640x128xbf16, #tpu.memory_space<vmem_shared>>)
      tpu.yield
    }) : () -> ()
    %barrier3A = arith.constant 0 : index
    tpu.barrier barrier_id(%barrier3A)
    %dma_start3A = arith.constant 0 : i32
    %dma_start3A_4 = arith.constant 0 : i32
    %dma_start3A_5 = arith.constant 0 : i32
    %dma_start3A_6 = arith.constant 0 : i32
    %dma_start3A_7 = arith.constant 0 : i32
    %dma_start3A_8 = tpu.memref_slice %arg8[%dma_start3A_4, %dma_start3A_6, %dma_start3A_7] : memref<5x80x128xbf16, #tpu.memory_space<vmem>> -> memref<1x80x128xbf16, #tpu.memory_space<vmem>>
    %dma_start3A_9 = tpu.memref_squeeze %dma_start3A_8 : memref<1x80x128xbf16, #tpu.memory_space<vmem>> -> memref<80x128xbf16, #tpu.memory_space<vmem>>
    %dma_start3A_10 = arith.constant 0 : i32
    %dma_start3A_11 = tpu.memref_slice %arg6[%dma_start3A, %dma_start3A_10] : memref<125x80xi32, #tpu.memory_space<vmem>> -> memref<1x80xi32, #tpu.memory_space<vmem>>
    %dma_start3A_12 = tpu.memref_squeeze %dma_start3A_11 : memref<1x80xi32, #tpu.memory_space<vmem>> -> memref<80xi32, #tpu.memory_space<vmem>>
    %dma_start3A_13 = arith.constant 0 : i32
    %dma_start3A_14 = arith.constant 0 : i32
    %dma_start3A_15 = tpu.memref_slice %arg2[%dma_start3A_13, %dma_start3A_14] : memref<10000x128xbf16, #tpu.memory_space<hbm>> -> memref<10000x128xbf16, #tpu.memory_space<hbm>>
    %dma_start3A_16 = tpu.memref_slice %arg10[%dma_start3A_5] : memref<5x!tpu.dma_semaphore, #tpu.memory_space<semaphore_mem>> -> memref<1x!tpu.dma_semaphore, #tpu.memory_space<semaphore_mem>>
    %dma_start3A_17 = tpu.memref_squeeze %dma_start3A_16 : memref<1x!tpu.dma_semaphore, #tpu.memory_space<semaphore_mem>> -> memref<!tpu.dma_semaphore, #tpu.memory_space<semaphore_mem>>
    tpu.enqueue_indirect_dma source(%dma_start3A_15 : memref<10000x128xbf16, #tpu.memory_space<hbm>>) target(%dma_start3A_9 : memref<80x128xbf16, #tpu.memory_space<vmem>>) offsets(%dma_start3A_12 : memref<80xi32, #tpu.memory_space<vmem>>) semaphore(%dma_start3A_17 : memref<!tpu.dma_semaphore, #tpu.memory_space<semaphore_mem>>)
    %dma_start3A_18 = arith.constant 1 : i32
    %dma_start3A_19 = arith.constant 1 : i32
    %dma_start3A_20 = arith.constant 1 : i32
    %dma_start3A_21 = arith.constant 0 : i32
    %dma_start3A_22 = arith.constant 0 : i32
    %dma_start3A_23 = tpu.memref_slice %arg8[%dma_start3A_19, %dma_start3A_21, %dma_start3A_22] : memref<5x80x128xbf16, #tpu.memory_space<vmem>> -> memref<1x80x128xbf16, #tpu.memory_space<vmem>>
    %dma_start3A_24 = tpu.memref_squeeze %dma_start3A_23 : memref<1x80x128xbf16, #tpu.memory_space<vmem>> -> memref<80x128xbf16, #tpu.memory_space<vmem>>
    %dma_start3A_25 = arith.constant 0 : i32
    %dma_start3A_26 = tpu.memref_slice %arg6[%dma_start3A_18, %dma_start3A_25] : memref<125x80xi32, #tpu.memory_space<vmem>> -> memref<1x80xi32, #tpu.memory_space<vmem>>
    %dma_start3A_27 = tpu.memref_squeeze %dma_start3A_26 : memref<1x80xi32, #tpu.memory_space<vmem>> -> memref<80xi32, #tpu.memory_space<vmem>>
    %dma_start3A_28 = arith.constant 0 : i32
    %dma_start3A_29 = arith.constant 0 : i32
    %dma_start3A_30 = tpu.memref_slice %arg2[%dma_start3A_28, %dma_start3A_29] : memref<10000x128xbf16, #tpu.memory_space<hbm>> -> memref<10000x128xbf16, #tpu.memory_space<hbm>>
    %dma_start3A_31 = tpu.memref_slice %arg10[%dma_start3A_20] : memref<5x!tpu.dma_semaphore, #tpu.memory_space<semaphore_mem>> -> memref<1x!tpu.dma_semaphore, #tpu.memory_space<semaphore_mem>>
    %dma_start3A_32 = tpu.memref_squeeze %dma_start3A_31 : memref<1x!tpu.dma_semaphore, #tpu.memory_space<semaphore_mem>> -> memref<!tpu.dma_semaphore, #tpu.memory_space<semaphore_mem>>
    tpu.enqueue_indirect_dma source(%dma_start3A_30 : memref<10000x128xbf16, #tpu.memory_space<hbm>>) target(%dma_start3A_24 : memref<80x128xbf16, #tpu.memory_space<vmem>>) offsets(%dma_start3A_27 : memref<80xi32, #tpu.memory_space<vmem>>) semaphore(%dma_start3A_32 : memref<!tpu.dma_semaphore, #tpu.memory_space<semaphore_mem>>)
    %dma_start3A_33 = arith.constant 2 : i32
    %dma_start3A_34 = arith.constant 2 : i32
    %dma_start3A_35 = arith.constant 2 : i32
    %dma_start3A_36 = arith.constant 0 : i32
    %dma_start3A_37 = arith.constant 0 : i32
    %dma_start3A_38 = tpu.memref_slice %arg8[%dma_start3A_34, %dma_start3A_36, %dma_start3A_37] : memref<5x80x128xbf16, #tpu.memory_space<vmem>> -> memref<1x80x128xbf16, #tpu.memory_space<vmem>>
    %dma_start3A_39 = tpu.memref_squeeze %dma_start3A_38 : memref<1x80x128xbf16, #tpu.memory_space<vmem>> -> memref<80x128xbf16, #tpu.memory_space<vmem>>
    %dma_start3A_40 = arith.constant 0 : i32
    %dma_start3A_41 = tpu.memref_slice %arg6[%dma_start3A_33, %dma_start3A_40] : memref<125x80xi32, #tpu.memory_space<vmem>> -> memref<1x80xi32, #tpu.memory_space<vmem>>
    %dma_start3A_42 = tpu.memref_squeeze %dma_start3A_41 : memref<1x80xi32, #tpu.memory_space<vmem>> -> memref<80xi32, #tpu.memory_space<vmem>>
    %dma_start3A_43 = arith.constant 0 : i32
    %dma_start3A_44 = arith.constant 0 : i32
    %dma_start3A_45 = tpu.memref_slice %arg2[%dma_start3A_43, %dma_start3A_44] : memref<10000x128xbf16, #tpu.memory_space<hbm>> -> memref<10000x128xbf16, #tpu.memory_space<hbm>>
    %dma_start3A_46 = tpu.memref_slice %arg10[%dma_start3A_35] : memref<5x!tpu.dma_semaphore, #tpu.memory_space<semaphore_mem>> -> memref<1x!tpu.dma_semaphore, #tpu.memory_space<semaphore_mem>>
    %dma_start3A_47 = tpu.memref_squeeze %dma_start3A_46 : memref<1x!tpu.dma_semaphore, #tpu.memory_space<semaphore_mem>> -> memref<!tpu.dma_semaphore, #tpu.memory_space<semaphore_mem>>
    tpu.enqueue_indirect_dma source(%dma_start3A_45 : memref<10000x128xbf16, #tpu.memory_space<hbm>>) target(%dma_start3A_39 : memref<80x128xbf16, #tpu.memory_space<vmem>>) offsets(%dma_start3A_42 : memref<80xi32, #tpu.memory_space<vmem>>) semaphore(%dma_start3A_47 : memref<!tpu.dma_semaphore, #tpu.memory_space<semaphore_mem>>)
    %dma_start3A_48 = arith.constant 3 : i32
    %dma_start3A_49 = arith.constant 3 : i32
    %dma_start3A_50 = arith.constant 3 : i32
    %dma_start3A_51 = arith.constant 0 : i32
    %dma_start3A_52 = arith.constant 0 : i32
    %dma_start3A_53 = tpu.memref_slice %arg8[%dma_start3A_49, %dma_start3A_51, %dma_start3A_52] : memref<5x80x128xbf16, #tpu.memory_space<vmem>> -> memref<1x80x128xbf16, #tpu.memory_space<vmem>>
    %dma_start3A_54 = tpu.memref_squeeze %dma_start3A_53 : memref<1x80x128xbf16, #tpu.memory_space<vmem>> -> memref<80x128xbf16, #tpu.memory_space<vmem>>
    %dma_start3A_55 = arith.constant 0 : i32
    %dma_start3A_56 = tpu.memref_slice %arg6[%dma_start3A_48, %dma_start3A_55] : memref<125x80xi32, #tpu.memory_space<vmem>> -> memref<1x80xi32, #tpu.memory_space<vmem>>
    %dma_start3A_57 = tpu.memref_squeeze %dma_start3A_56 : memref<1x80xi32, #tpu.memory_space<vmem>> -> memref<80xi32, #tpu.memory_space<vmem>>
    %dma_start3A_58 = arith.constant 0 : i32
    %dma_start3A_59 = arith.constant 0 : i32
    %dma_start3A_60 = tpu.memref_slice %arg2[%dma_start3A_58, %dma_start3A_59] : memref<10000x128xbf16, #tpu.memory_space<hbm>> -> memref<10000x128xbf16, #tpu.memory_space<hbm>>
    %dma_start3A_61 = tpu.memref_slice %arg10[%dma_start3A_50] : memref<5x!tpu.dma_semaphore, #tpu.memory_space<semaphore_mem>> -> memref<1x!tpu.dma_semaphore, #tpu.memory_space<semaphore_mem>>
    %dma_start3A_62 = tpu.memref_squeeze %dma_start3A_61 : memref<1x!tpu.dma_semaphore, #tpu.memory_space<semaphore_mem>> -> memref<!tpu.dma_semaphore, #tpu.memory_space<semaphore_mem>>
    tpu.enqueue_indirect_dma source(%dma_start3A_60 : memref<10000x128xbf16, #tpu.memory_space<hbm>>) target(%dma_start3A_54 : memref<80x128xbf16, #tpu.memory_space<vmem>>) offsets(%dma_start3A_57 : memref<80xi32, #tpu.memory_space<vmem>>) semaphore(%dma_start3A_62 : memref<!tpu.dma_semaphore, #tpu.memory_space<semaphore_mem>>)
    %dma_start3A_63 = arith.constant 4 : i32
    %dma_start3A_64 = arith.constant 4 : i32
    %dma_start3A_65 = arith.constant 4 : i32
    %dma_start3A_66 = arith.constant 0 : i32
    %dma_start3A_67 = arith.constant 0 : i32
    %dma_start3A_68 = tpu.memref_slice %arg8[%dma_start3A_64, %dma_start3A_66, %dma_start3A_67] : memref<5x80x128xbf16, #tpu.memory_space<vmem>> -> memref<1x80x128xbf16, #tpu.memory_space<vmem>>
    %dma_start3A_69 = tpu.memref_squeeze %dma_start3A_68 : memref<1x80x128xbf16, #tpu.memory_space<vmem>> -> memref<80x128xbf16, #tpu.memory_space<vmem>>
    %dma_start3A_70 = arith.constant 0 : i32
    %dma_start3A_71 = tpu.memref_slice %arg6[%dma_start3A_63, %dma_start3A_70] : memref<125x80xi32, #tpu.memory_space<vmem>> -> memref<1x80xi32, #tpu.memory_space<vmem>>
    %dma_start3A_72 = tpu.memref_squeeze %dma_start3A_71 : memref<1x80xi32, #tpu.memory_space<vmem>> -> memref<80xi32, #tpu.memory_space<vmem>>
    %dma_start3A_73 = arith.constant 0 : i32
    %dma_start3A_74 = arith.constant 0 : i32
    %dma_start3A_75 = tpu.memref_slice %arg2[%dma_start3A_73, %dma_start3A_74] : memref<10000x128xbf16, #tpu.memory_space<hbm>> -> memref<10000x128xbf16, #tpu.memory_space<hbm>>
    %dma_start3A_76 = tpu.memref_slice %arg10[%dma_start3A_65] : memref<5x!tpu.dma_semaphore, #tpu.memory_space<semaphore_mem>> -> memref<1x!tpu.dma_semaphore, #tpu.memory_space<semaphore_mem>>
    %dma_start3A_77 = tpu.memref_squeeze %dma_start3A_76 : memref<1x!tpu.dma_semaphore, #tpu.memory_space<semaphore_mem>> -> memref<!tpu.dma_semaphore, #tpu.memory_space<semaphore_mem>>
    tpu.enqueue_indirect_dma source(%dma_start3A_75 : memref<10000x128xbf16, #tpu.memory_space<hbm>>) target(%dma_start3A_69 : memref<80x128xbf16, #tpu.memory_space<vmem>>) offsets(%dma_start3A_72 : memref<80xi32, #tpu.memory_space<vmem>>) semaphore(%dma_start3A_77 : memref<!tpu.dma_semaphore, #tpu.memory_space<semaphore_mem>>)
    %scan3A = arith.constant 0 : i32
    %scan3A_78 = arith.constant 0 : i32
    %scan3A_79 = arith.constant 25 : i32
    %scan3A_80 = arith.addi %scan3A_78, %scan3A_79 : i32
    %scan3A_81 = arith.constant 1 : i32
    scf.for %scan3A_88 = %scan3A_78 to %scan3A_80 step %scan3A_81  : i32 {
      %mul3A_89 = arith.constant 5 : i32
      %mul3A_90 = arith.muli %scan3A_88, %mul3A_89 : i32
      %add3A_91 = arith.constant 0 : i32
      %add3A_92 = arith.addi %mul3A_90, %add3A_91 : i32
      %dma_wait3A = arith.constant 0 : i32
      %dma_wait3A_93 = arith.constant 0 : i32
      %dma_wait3A_94 = arith.constant 0 : i32
      %dma_wait3A_95 = arith.constant 0 : i32
      %dma_wait3A_96 = tpu.memref_slice %arg8[%dma_wait3A, %dma_wait3A_94, %dma_wait3A_95] : memref<5x80x128xbf16, #tpu.memory_space<vmem>> -> memref<1x80x128xbf16, #tpu.memory_space<vmem>>
      %dma_wait3A_97 = tpu.memref_squeeze %dma_wait3A_96 : memref<1x80x128xbf16, #tpu.memory_space<vmem>> -> memref<80x128xbf16, #tpu.memory_space<vmem>>
      %dma_wait3A_98 = arith.constant 0 : i32
      %dma_wait3A_99 = tpu.memref_slice %arg6[%add3A_92, %dma_wait3A_98] : memref<125x80xi32, #tpu.memory_space<vmem>> -> memref<1x80xi32, #tpu.memory_space<vmem>>
      %dma_wait3A_100 = tpu.memref_squeeze %dma_wait3A_99 : memref<1x80xi32, #tpu.memory_space<vmem>> -> memref<80xi32, #tpu.memory_space<vmem>>
      %dma_wait3A_101 = arith.constant 0 : i32
      %dma_wait3A_102 = arith.constant 0 : i32
      %dma_wait3A_103 = tpu.memref_slice %arg2[%dma_wait3A_101, %dma_wait3A_102] : memref<10000x128xbf16, #tpu.memory_space<hbm>> -> memref<10000x128xbf16, #tpu.memory_space<hbm>>
      %dma_wait3A_104 = tpu.memref_slice %arg10[%dma_wait3A_93] : memref<5x!tpu.dma_semaphore, #tpu.memory_space<semaphore_mem>> -> memref<1x!tpu.dma_semaphore, #tpu.memory_space<semaphore_mem>>
      %dma_wait3A_105 = tpu.memref_squeeze %dma_wait3A_104 : memref<1x!tpu.dma_semaphore, #tpu.memory_space<semaphore_mem>> -> memref<!tpu.dma_semaphore, #tpu.memory_space<semaphore_mem>>
      tpu.wait_indirect_dma semaphore(%dma_wait3A_105 : memref<!tpu.dma_semaphore, #tpu.memory_space<semaphore_mem>>) src(%dma_wait3A_103 : memref<10000x128xbf16, #tpu.memory_space<hbm>>) dst(%dma_wait3A_97 : memref<80x128xbf16, #tpu.memory_space<vmem>>)
      %dma_start3A_106 = arith.constant 0 : i32
      %dma_start3A_107 = arith.constant 0 : i32
      %dma_start3A_108 = arith.constant 0 : i32
      %dma_start3A_109 = arith.constant 0 : i32
      %dma_start3A_110 = tpu.memref_slice %arg8[%dma_start3A_106, %dma_start3A_108, %dma_start3A_109] : memref<5x80x128xbf16, #tpu.memory_space<vmem>> -> memref<1x80x128xbf16, #tpu.memory_space<vmem>>
      %dma_start3A_111 = tpu.memref_squeeze %dma_start3A_110 : memref<1x80x128xbf16, #tpu.memory_space<vmem>> -> memref<80x128xbf16, #tpu.memory_space<vmem>>
      %dma_start3A_112 = arith.constant 0 : i32
      %dma_start3A_113 = tpu.memref_slice %arg7[%add3A_92, %dma_start3A_112] : memref<125x80xi32, #tpu.memory_space<vmem>> -> memref<1x80xi32, #tpu.memory_space<vmem>>
      %dma_start3A_114 = tpu.memref_squeeze %dma_start3A_113 : memref<1x80xi32, #tpu.memory_space<vmem>> -> memref<80xi32, #tpu.memory_space<vmem>>
      %dma_start3A_115 = arith.constant 0 : i32
      %dma_start3A_116 = arith.constant 0 : i32
      %dma_start3A_117 = tpu.memref_slice %arg9[%dma_start3A_115, %dma_start3A_116] : memref<10240x128xbf16, #tpu.memory_space<vmem_shared>> -> memref<10240x128xbf16, #tpu.memory_space<vmem_shared>>
      %dma_start3A_118 = tpu.memref_slice %arg11[%dma_start3A_107] : memref<5x!tpu.dma_semaphore, #tpu.memory_space<semaphore_mem>> -> memref<1x!tpu.dma_semaphore, #tpu.memory_space<semaphore_mem>>
      %dma_start3A_119 = tpu.memref_squeeze %dma_start3A_118 : memref<1x!tpu.dma_semaphore, #tpu.memory_space<semaphore_mem>> -> memref<!tpu.dma_semaphore, #tpu.memory_space<semaphore_mem>>
      tpu.enqueue_indirect_dma source(%dma_start3A_111 : memref<80x128xbf16, #tpu.memory_space<vmem>>) target(%dma_start3A_117 : memref<10240x128xbf16, #tpu.memory_space<vmem_shared>>) offsets(%dma_start3A_114 : memref<80xi32, #tpu.memory_space<vmem>>) semaphore(%dma_start3A_119 : memref<!tpu.dma_semaphore, #tpu.memory_space<semaphore_mem>>) {add = true}
      %add3A_120 = arith.constant 1 : i32
      %add3A_121 = arith.addi %mul3A_90, %add3A_120 : i32
      %dma_wait3A_122 = arith.constant 1 : i32
      %dma_wait3A_123 = arith.constant 1 : i32
      %dma_wait3A_124 = arith.constant 0 : i32
      %dma_wait3A_125 = arith.constant 0 : i32
      %dma_wait3A_126 = tpu.memref_slice %arg8[%dma_wait3A_122, %dma_wait3A_124, %dma_wait3A_125] : memref<5x80x128xbf16, #tpu.memory_space<vmem>> -> memref<1x80x128xbf16, #tpu.memory_space<vmem>>
      %dma_wait3A_127 = tpu.memref_squeeze %dma_wait3A_126 : memref<1x80x128xbf16, #tpu.memory_space<vmem>> -> memref<80x128xbf16, #tpu.memory_space<vmem>>
      %dma_wait3A_128 = arith.constant 0 : i32
      %dma_wait3A_129 = tpu.memref_slice %arg6[%add3A_121, %dma_wait3A_128] : memref<125x80xi32, #tpu.memory_space<vmem>> -> memref<1x80xi32, #tpu.memory_space<vmem>>
      %dma_wait3A_130 = tpu.memref_squeeze %dma_wait3A_129 : memref<1x80xi32, #tpu.memory_space<vmem>> -> memref<80xi32, #tpu.memory_space<vmem>>
      %dma_wait3A_131 = arith.constant 0 : i32
      %dma_wait3A_132 = arith.constant 0 : i32
      %dma_wait3A_133 = tpu.memref_slice %arg2[%dma_wait3A_131, %dma_wait3A_132] : memref<10000x128xbf16, #tpu.memory_space<hbm>> -> memref<10000x128xbf16, #tpu.memory_space<hbm>>
      %dma_wait3A_134 = tpu.memref_slice %arg10[%dma_wait3A_123] : memref<5x!tpu.dma_semaphore, #tpu.memory_space<semaphore_mem>> -> memref<1x!tpu.dma_semaphore, #tpu.memory_space<semaphore_mem>>
      %dma_wait3A_135 = tpu.memref_squeeze %dma_wait3A_134 : memref<1x!tpu.dma_semaphore, #tpu.memory_space<semaphore_mem>> -> memref<!tpu.dma_semaphore, #tpu.memory_space<semaphore_mem>>
      tpu.wait_indirect_dma semaphore(%dma_wait3A_135 : memref<!tpu.dma_semaphore, #tpu.memory_space<semaphore_mem>>) src(%dma_wait3A_133 : memref<10000x128xbf16, #tpu.memory_space<hbm>>) dst(%dma_wait3A_127 : memref<80x128xbf16, #tpu.memory_space<vmem>>)
      %dma_start3A_136 = arith.constant 1 : i32
      %dma_start3A_137 = arith.constant 1 : i32
      %dma_start3A_138 = arith.constant 0 : i32
      %dma_start3A_139 = arith.constant 0 : i32
      %dma_start3A_140 = tpu.memref_slice %arg8[%dma_start3A_136, %dma_start3A_138, %dma_start3A_139] : memref<5x80x128xbf16, #tpu.memory_space<vmem>> -> memref<1x80x128xbf16, #tpu.memory_space<vmem>>
      %dma_start3A_141 = tpu.memref_squeeze %dma_start3A_140 : memref<1x80x128xbf16, #tpu.memory_space<vmem>> -> memref<80x128xbf16, #tpu.memory_space<vmem>>
      %dma_start3A_142 = arith.constant 0 : i32
      %dma_start3A_143 = tpu.memref_slice %arg7[%add3A_121, %dma_start3A_142] : memref<125x80xi32, #tpu.memory_space<vmem>> -> memref<1x80xi32, #tpu.memory_space<vmem>>
      %dma_start3A_144 = tpu.memref_squeeze %dma_start3A_143 : memref<1x80xi32, #tpu.memory_space<vmem>> -> memref<80xi32, #tpu.memory_space<vmem>>
      %dma_start3A_145 = arith.constant 0 : i32
      %dma_start3A_146 = arith.constant 0 : i32
      %dma_start3A_147 = tpu.memref_slice %arg9[%dma_start3A_145, %dma_start3A_146] : memref<10240x128xbf16, #tpu.memory_space<vmem_shared>> -> memref<10240x128xbf16, #tpu.memory_space<vmem_shared>>
      %dma_start3A_148 = tpu.memref_slice %arg11[%dma_start3A_137] : memref<5x!tpu.dma_semaphore, #tpu.memory_space<semaphore_mem>> -> memref<1x!tpu.dma_semaphore, #tpu.memory_space<semaphore_mem>>
      %dma_start3A_149 = tpu.memref_squeeze %dma_start3A_148 : memref<1x!tpu.dma_semaphore, #tpu.memory_space<semaphore_mem>> -> memref<!tpu.dma_semaphore, #tpu.memory_space<semaphore_mem>>
      tpu.enqueue_indirect_dma source(%dma_start3A_141 : memref<80x128xbf16, #tpu.memory_space<vmem>>) target(%dma_start3A_147 : memref<10240x128xbf16, #tpu.memory_space<vmem_shared>>) offsets(%dma_start3A_144 : memref<80xi32, #tpu.memory_space<vmem>>) semaphore(%dma_start3A_149 : memref<!tpu.dma_semaphore, #tpu.memory_space<semaphore_mem>>) {add = true}
      %add3A_150 = arith.constant 2 : i32
      %add3A_151 = arith.addi %mul3A_90, %add3A_150 : i32
      %dma_wait3A_152 = arith.constant 2 : i32
      %dma_wait3A_153 = arith.constant 2 : i32
      %dma_wait3A_154 = arith.constant 0 : i32
      %dma_wait3A_155 = arith.constant 0 : i32
      %dma_wait3A_156 = tpu.memref_slice %arg8[%dma_wait3A_152, %dma_wait3A_154, %dma_wait3A_155] : memref<5x80x128xbf16, #tpu.memory_space<vmem>> -> memref<1x80x128xbf16, #tpu.memory_space<vmem>>
      %dma_wait3A_157 = tpu.memref_squeeze %dma_wait3A_156 : memref<1x80x128xbf16, #tpu.memory_space<vmem>> -> memref<80x128xbf16, #tpu.memory_space<vmem>>
      %dma_wait3A_158 = arith.constant 0 : i32
      %dma_wait3A_159 = tpu.memref_slice %arg6[%add3A_151, %dma_wait3A_158] : memref<125x80xi32, #tpu.memory_space<vmem>> -> memref<1x80xi32, #tpu.memory_space<vmem>>
      %dma_wait3A_160 = tpu.memref_squeeze %dma_wait3A_159 : memref<1x80xi32, #tpu.memory_space<vmem>> -> memref<80xi32, #tpu.memory_space<vmem>>
      %dma_wait3A_161 = arith.constant 0 : i32
      %dma_wait3A_162 = arith.constant 0 : i32
      %dma_wait3A_163 = tpu.memref_slice %arg2[%dma_wait3A_161, %dma_wait3A_162] : memref<10000x128xbf16, #tpu.memory_space<hbm>> -> memref<10000x128xbf16, #tpu.memory_space<hbm>>
      %dma_wait3A_164 = tpu.memref_slice %arg10[%dma_wait3A_153] : memref<5x!tpu.dma_semaphore, #tpu.memory_space<semaphore_mem>> -> memref<1x!tpu.dma_semaphore, #tpu.memory_space<semaphore_mem>>
      %dma_wait3A_165 = tpu.memref_squeeze %dma_wait3A_164 : memref<1x!tpu.dma_semaphore, #tpu.memory_space<semaphore_mem>> -> memref<!tpu.dma_semaphore, #tpu.memory_space<semaphore_mem>>
      tpu.wait_indirect_dma semaphore(%dma_wait3A_165 : memref<!tpu.dma_semaphore, #tpu.memory_space<semaphore_mem>>) src(%dma_wait3A_163 : memref<10000x128xbf16, #tpu.memory_space<hbm>>) dst(%dma_wait3A_157 : memref<80x128xbf16, #tpu.memory_space<vmem>>)
      %dma_start3A_166 = arith.constant 2 : i32
      %dma_start3A_167 = arith.constant 2 : i32
      %dma_start3A_168 = arith.constant 0 : i32
      %dma_start3A_169 = arith.constant 0 : i32
      %dma_start3A_170 = tpu.memref_slice %arg8[%dma_start3A_166, %dma_start3A_168, %dma_start3A_169] : memref<5x80x128xbf16, #tpu.memory_space<vmem>> -> memref<1x80x128xbf16, #tpu.memory_space<vmem>>
      %dma_start3A_171 = tpu.memref_squeeze %dma_start3A_170 : memref<1x80x128xbf16, #tpu.memory_space<vmem>> -> memref<80x128xbf16, #tpu.memory_space<vmem>>
      %dma_start3A_172 = arith.constant 0 : i32
      %dma_start3A_173 = tpu.memref_slice %arg7[%add3A_151, %dma_start3A_172] : memref<125x80xi32, #tpu.memory_space<vmem>> -> memref<1x80xi32, #tpu.memory_space<vmem>>
      %dma_start3A_174 = tpu.memref_squeeze %dma_start3A_173 : memref<1x80xi32, #tpu.memory_space<vmem>> -> memref<80xi32, #tpu.memory_space<vmem>>
      %dma_start3A_175 = arith.constant 0 : i32
      %dma_start3A_176 = arith.constant 0 : i32
      %dma_start3A_177 = tpu.memref_slice %arg9[%dma_start3A_175, %dma_start3A_176] : memref<10240x128xbf16, #tpu.memory_space<vmem_shared>> -> memref<10240x128xbf16, #tpu.memory_space<vmem_shared>>
      %dma_start3A_178 = tpu.memref_slice %arg11[%dma_start3A_167] : memref<5x!tpu.dma_semaphore, #tpu.memory_space<semaphore_mem>> -> memref<1x!tpu.dma_semaphore, #tpu.memory_space<semaphore_mem>>
      %dma_start3A_179 = tpu.memref_squeeze %dma_start3A_178 : memref<1x!tpu.dma_semaphore, #tpu.memory_space<semaphore_mem>> -> memref<!tpu.dma_semaphore, #tpu.memory_space<semaphore_mem>>
      tpu.enqueue_indirect_dma source(%dma_start3A_171 : memref<80x128xbf16, #tpu.memory_space<vmem>>) target(%dma_start3A_177 : memref<10240x128xbf16, #tpu.memory_space<vmem_shared>>) offsets(%dma_start3A_174 : memref<80xi32, #tpu.memory_space<vmem>>) semaphore(%dma_start3A_179 : memref<!tpu.dma_semaphore, #tpu.memory_space<semaphore_mem>>) {add = true}
      %add3A_180 = arith.constant 3 : i32
      %add3A_181 = arith.addi %mul3A_90, %add3A_180 : i32
      %dma_wait3A_182 = arith.constant 3 : i32
      %dma_wait3A_183 = arith.constant 3 : i32
      %dma_wait3A_184 = arith.constant 0 : i32
      %dma_wait3A_185 = arith.constant 0 : i32
      %dma_wait3A_186 = tpu.memref_slice %arg8[%dma_wait3A_182, %dma_wait3A_184, %dma_wait3A_185] : memref<5x80x128xbf16, #tpu.memory_space<vmem>> -> memref<1x80x128xbf16, #tpu.memory_space<vmem>>
      %dma_wait3A_187 = tpu.memref_squeeze %dma_wait3A_186 : memref<1x80x128xbf16, #tpu.memory_space<vmem>> -> memref<80x128xbf16, #tpu.memory_space<vmem>>
      %dma_wait3A_188 = arith.constant 0 : i32
      %dma_wait3A_189 = tpu.memref_slice %arg6[%add3A_181, %dma_wait3A_188] : memref<125x80xi32, #tpu.memory_space<vmem>> -> memref<1x80xi32, #tpu.memory_space<vmem>>
      %dma_wait3A_190 = tpu.memref_squeeze %dma_wait3A_189 : memref<1x80xi32, #tpu.memory_space<vmem>> -> memref<80xi32, #tpu.memory_space<vmem>>
      %dma_wait3A_191 = arith.constant 0 : i32
      %dma_wait3A_192 = arith.constant 0 : i32
      %dma_wait3A_193 = tpu.memref_slice %arg2[%dma_wait3A_191, %dma_wait3A_192] : memref<10000x128xbf16, #tpu.memory_space<hbm>> -> memref<10000x128xbf16, #tpu.memory_space<hbm>>
      %dma_wait3A_194 = tpu.memref_slice %arg10[%dma_wait3A_183] : memref<5x!tpu.dma_semaphore, #tpu.memory_space<semaphore_mem>> -> memref<1x!tpu.dma_semaphore, #tpu.memory_space<semaphore_mem>>
      %dma_wait3A_195 = tpu.memref_squeeze %dma_wait3A_194 : memref<1x!tpu.dma_semaphore, #tpu.memory_space<semaphore_mem>> -> memref<!tpu.dma_semaphore, #tpu.memory_space<semaphore_mem>>
      tpu.wait_indirect_dma semaphore(%dma_wait3A_195 : memref<!tpu.dma_semaphore, #tpu.memory_space<semaphore_mem>>) src(%dma_wait3A_193 : memref<10000x128xbf16, #tpu.memory_space<hbm>>) dst(%dma_wait3A_187 : memref<80x128xbf16, #tpu.memory_space<vmem>>)
      %dma_start3A_196 = arith.constant 3 : i32
      %dma_start3A_197 = arith.constant 3 : i32
      %dma_start3A_198 = arith.constant 0 : i32
      %dma_start3A_199 = arith.constant 0 : i32
      %dma_start3A_200 = tpu.memref_slice %arg8[%dma_start3A_196, %dma_start3A_198, %dma_start3A_199] : memref<5x80x128xbf16, #tpu.memory_space<vmem>> -> memref<1x80x128xbf16, #tpu.memory_space<vmem>>
      %dma_start3A_201 = tpu.memref_squeeze %dma_start3A_200 : memref<1x80x128xbf16, #tpu.memory_space<vmem>> -> memref<80x128xbf16, #tpu.memory_space<vmem>>
      %dma_start3A_202 = arith.constant 0 : i32
      %dma_start3A_203 = tpu.memref_slice %arg7[%add3A_181, %dma_start3A_202] : memref<125x80xi32, #tpu.memory_space<vmem>> -> memref<1x80xi32, #tpu.memory_space<vmem>>
      %dma_start3A_204 = tpu.memref_squeeze %dma_start3A_203 : memref<1x80xi32, #tpu.memory_space<vmem>> -> memref<80xi32, #tpu.memory_space<vmem>>
      %dma_start3A_205 = arith.constant 0 : i32
      %dma_start3A_206 = arith.constant 0 : i32
      %dma_start3A_207 = tpu.memref_slice %arg9[%dma_start3A_205, %dma_start3A_206] : memref<10240x128xbf16, #tpu.memory_space<vmem_shared>> -> memref<10240x128xbf16, #tpu.memory_space<vmem_shared>>
      %dma_start3A_208 = tpu.memref_slice %arg11[%dma_start3A_197] : memref<5x!tpu.dma_semaphore, #tpu.memory_space<semaphore_mem>> -> memref<1x!tpu.dma_semaphore, #tpu.memory_space<semaphore_mem>>
      %dma_start3A_209 = tpu.memref_squeeze %dma_start3A_208 : memref<1x!tpu.dma_semaphore, #tpu.memory_space<semaphore_mem>> -> memref<!tpu.dma_semaphore, #tpu.memory_space<semaphore_mem>>
      tpu.enqueue_indirect_dma source(%dma_start3A_201 : memref<80x128xbf16, #tpu.memory_space<vmem>>) target(%dma_start3A_207 : memref<10240x128xbf16, #tpu.memory_space<vmem_shared>>) offsets(%dma_start3A_204 : memref<80xi32, #tpu.memory_space<vmem>>) semaphore(%dma_start3A_209 : memref<!tpu.dma_semaphore, #tpu.memory_space<semaphore_mem>>) {add = true}
      %add3A_210 = arith.constant 4 : i32
      %add3A_211 = arith.addi %mul3A_90, %add3A_210 : i32
      %dma_wait3A_212 = arith.constant 4 : i32
      %dma_wait3A_213 = arith.constant 4 : i32
      %dma_wait3A_214 = arith.constant 0 : i32
      %dma_wait3A_215 = arith.constant 0 : i32
      %dma_wait3A_216 = tpu.memref_slice %arg8[%dma_wait3A_212, %dma_wait3A_214, %dma_wait3A_215] : memref<5x80x128xbf16, #tpu.memory_space<vmem>> -> memref<1x80x128xbf16, #tpu.memory_space<vmem>>
      %dma_wait3A_217 = tpu.memref_squeeze %dma_wait3A_216 : memref<1x80x128xbf16, #tpu.memory_space<vmem>> -> memref<80x128xbf16, #tpu.memory_space<vmem>>
      %dma_wait3A_218 = arith.constant 0 : i32
      %dma_wait3A_219 = tpu.memref_slice %arg6[%add3A_211, %dma_wait3A_218] : memref<125x80xi32, #tpu.memory_space<vmem>> -> memref<1x80xi32, #tpu.memory_space<vmem>>
      %dma_wait3A_220 = tpu.memref_squeeze %dma_wait3A_219 : memref<1x80xi32, #tpu.memory_space<vmem>> -> memref<80xi32, #tpu.memory_space<vmem>>
      %dma_wait3A_221 = arith.constant 0 : i32
      %dma_wait3A_222 = arith.constant 0 : i32
      %dma_wait3A_223 = tpu.memref_slice %arg2[%dma_wait3A_221, %dma_wait3A_222] : memref<10000x128xbf16, #tpu.memory_space<hbm>> -> memref<10000x128xbf16, #tpu.memory_space<hbm>>
      %dma_wait3A_224 = tpu.memref_slice %arg10[%dma_wait3A_213] : memref<5x!tpu.dma_semaphore, #tpu.memory_space<semaphore_mem>> -> memref<1x!tpu.dma_semaphore, #tpu.memory_space<semaphore_mem>>
      %dma_wait3A_225 = tpu.memref_squeeze %dma_wait3A_224 : memref<1x!tpu.dma_semaphore, #tpu.memory_space<semaphore_mem>> -> memref<!tpu.dma_semaphore, #tpu.memory_space<semaphore_mem>>
      tpu.wait_indirect_dma semaphore(%dma_wait3A_225 : memref<!tpu.dma_semaphore, #tpu.memory_space<semaphore_mem>>) src(%dma_wait3A_223 : memref<10000x128xbf16, #tpu.memory_space<hbm>>) dst(%dma_wait3A_217 : memref<80x128xbf16, #tpu.memory_space<vmem>>)
      %dma_start3A_226 = arith.constant 4 : i32
      %dma_start3A_227 = arith.constant 4 : i32
      %dma_start3A_228 = arith.constant 0 : i32
      %dma_start3A_229 = arith.constant 0 : i32
      %dma_start3A_230 = tpu.memref_slice %arg8[%dma_start3A_226, %dma_start3A_228, %dma_start3A_229] : memref<5x80x128xbf16, #tpu.memory_space<vmem>> -> memref<1x80x128xbf16, #tpu.memory_space<vmem>>
      %dma_start3A_231 = tpu.memref_squeeze %dma_start3A_230 : memref<1x80x128xbf16, #tpu.memory_space<vmem>> -> memref<80x128xbf16, #tpu.memory_space<vmem>>
      %dma_start3A_232 = arith.constant 0 : i32
      %dma_start3A_233 = tpu.memref_slice %arg7[%add3A_211, %dma_start3A_232] : memref<125x80xi32, #tpu.memory_space<vmem>> -> memref<1x80xi32, #tpu.memory_space<vmem>>
      %dma_start3A_234 = tpu.memref_squeeze %dma_start3A_233 : memref<1x80xi32, #tpu.memory_space<vmem>> -> memref<80xi32, #tpu.memory_space<vmem>>
      %dma_start3A_235 = arith.constant 0 : i32
      %dma_start3A_236 = arith.constant 0 : i32
      %dma_start3A_237 = tpu.memref_slice %arg9[%dma_start3A_235, %dma_start3A_236] : memref<10240x128xbf16, #tpu.memory_space<vmem_shared>> -> memref<10240x128xbf16, #tpu.memory_space<vmem_shared>>
      %dma_start3A_238 = tpu.memref_slice %arg11[%dma_start3A_227] : memref<5x!tpu.dma_semaphore, #tpu.memory_space<semaphore_mem>> -> memref<1x!tpu.dma_semaphore, #tpu.memory_space<semaphore_mem>>
      %dma_start3A_239 = tpu.memref_squeeze %dma_start3A_238 : memref<1x!tpu.dma_semaphore, #tpu.memory_space<semaphore_mem>> -> memref<!tpu.dma_semaphore, #tpu.memory_space<semaphore_mem>>
      tpu.enqueue_indirect_dma source(%dma_start3A_231 : memref<80x128xbf16, #tpu.memory_space<vmem>>) target(%dma_start3A_237 : memref<10240x128xbf16, #tpu.memory_space<vmem_shared>>) offsets(%dma_start3A_234 : memref<80xi32, #tpu.memory_space<vmem>>) semaphore(%dma_start3A_239 : memref<!tpu.dma_semaphore, #tpu.memory_space<semaphore_mem>>) {add = true}
      %add3A_240 = arith.constant 0 : i32
      %add3A_241 = arith.addi %mul3A_90, %add3A_240 : i32
      %add3A_242 = arith.constant 5 : i32
      %add3A_243 = arith.addi %add3A_241, %add3A_242 : i32
      %dma_wait3A_244 = arith.constant 0 : i32
      %dma_wait3A_245 = arith.constant 0 : i32
      %dma_wait3A_246 = arith.constant 0 : i32
      %dma_wait3A_247 = arith.constant 0 : i32
      %dma_wait3A_248 = tpu.memref_slice %arg8[%dma_wait3A_244, %dma_wait3A_246, %dma_wait3A_247] : memref<5x80x128xbf16, #tpu.memory_space<vmem>> -> memref<1x80x128xbf16, #tpu.memory_space<vmem>>
      %dma_wait3A_249 = tpu.memref_squeeze %dma_wait3A_248 : memref<1x80x128xbf16, #tpu.memory_space<vmem>> -> memref<80x128xbf16, #tpu.memory_space<vmem>>
      %dma_wait3A_250 = arith.constant 0 : i32
      %dma_wait3A_251 = tpu.memref_slice %arg7[%add3A_241, %dma_wait3A_250] : memref<125x80xi32, #tpu.memory_space<vmem>> -> memref<1x80xi32, #tpu.memory_space<vmem>>
      %dma_wait3A_252 = tpu.memref_squeeze %dma_wait3A_251 : memref<1x80xi32, #tpu.memory_space<vmem>> -> memref<80xi32, #tpu.memory_space<vmem>>
      %dma_wait3A_253 = arith.constant 0 : i32
      %dma_wait3A_254 = arith.constant 0 : i32
      %dma_wait3A_255 = tpu.memref_slice %arg9[%dma_wait3A_253, %dma_wait3A_254] : memref<10240x128xbf16, #tpu.memory_space<vmem_shared>> -> memref<10240x128xbf16, #tpu.memory_space<vmem_shared>>
      %dma_wait3A_256 = tpu.memref_slice %arg11[%dma_wait3A_245] : memref<5x!tpu.dma_semaphore, #tpu.memory_space<semaphore_mem>> -> memref<1x!tpu.dma_semaphore, #tpu.memory_space<semaphore_mem>>
      %dma_wait3A_257 = tpu.memref_squeeze %dma_wait3A_256 : memref<1x!tpu.dma_semaphore, #tpu.memory_space<semaphore_mem>> -> memref<!tpu.dma_semaphore, #tpu.memory_space<semaphore_mem>>
      tpu.wait_indirect_dma semaphore(%dma_wait3A_257 : memref<!tpu.dma_semaphore, #tpu.memory_space<semaphore_mem>>) src(%dma_wait3A_249 : memref<80x128xbf16, #tpu.memory_space<vmem>>) dst(%dma_wait3A_255 : memref<10240x128xbf16, #tpu.memory_space<vmem_shared>>)
      %lt3A = arith.constant 125 : i32
      %lt3A_258 = arith.cmpi slt, %add3A_243, %lt3A : i32
      %convert_element_type3A = arith.extui %lt3A_258 : i1 to i32
      %cond3A = arith.constant 0 : i32
      %cond3A_259 = arith.cmpi ne, %convert_element_type3A, %cond3A : i32
      scf.if %cond3A_259 {
        %dma_start3A_352 = arith.constant 0 : i32
        %dma_start3A_353 = arith.constant 0 : i32
        %dma_start3A_354 = arith.constant 0 : i32
        %dma_start3A_355 = arith.constant 0 : i32
        %dma_start3A_356 = tpu.memref_slice %arg8[%dma_start3A_352, %dma_start3A_354, %dma_start3A_355] : memref<5x80x128xbf16, #tpu.memory_space<vmem>> -> memref<1x80x128xbf16, #tpu.memory_space<vmem>>
        %dma_start3A_357 = tpu.memref_squeeze %dma_start3A_356 : memref<1x80x128xbf16, #tpu.memory_space<vmem>> -> memref<80x128xbf16, #tpu.memory_space<vmem>>
        %dma_start3A_358 = arith.constant 0 : i32
        %dma_start3A_359 = tpu.memref_slice %arg6[%add3A_243, %dma_start3A_358] : memref<125x80xi32, #tpu.memory_space<vmem>> -> memref<1x80xi32, #tpu.memory_space<vmem>>
        %dma_start3A_360 = tpu.memref_squeeze %dma_start3A_359 : memref<1x80xi32, #tpu.memory_space<vmem>> -> memref<80xi32, #tpu.memory_space<vmem>>
        %dma_start3A_361 = arith.constant 0 : i32
        %dma_start3A_362 = arith.constant 0 : i32
        %dma_start3A_363 = tpu.memref_slice %arg2[%dma_start3A_361, %dma_start3A_362] : memref<10000x128xbf16, #tpu.memory_space<hbm>> -> memref<10000x128xbf16, #tpu.memory_space<hbm>>
        %dma_start3A_364 = tpu.memref_slice %arg10[%dma_start3A_353] : memref<5x!tpu.dma_semaphore, #tpu.memory_space<semaphore_mem>> -> memref<1x!tpu.dma_semaphore, #tpu.memory_space<semaphore_mem>>
        %dma_start3A_365 = tpu.memref_squeeze %dma_start3A_364 : memref<1x!tpu.dma_semaphore, #tpu.memory_space<semaphore_mem>> -> memref<!tpu.dma_semaphore, #tpu.memory_space<semaphore_mem>>
        tpu.enqueue_indirect_dma source(%dma_start3A_363 : memref<10000x128xbf16, #tpu.memory_space<hbm>>) target(%dma_start3A_357 : memref<80x128xbf16, #tpu.memory_space<vmem>>) offsets(%dma_start3A_360 : memref<80xi32, #tpu.memory_space<vmem>>) semaphore(%dma_start3A_365 : memref<!tpu.dma_semaphore, #tpu.memory_space<semaphore_mem>>)
      } else {
      }
      %add3A_260 = arith.constant 1 : i32
      %add3A_261 = arith.addi %mul3A_90, %add3A_260 : i32
      %add3A_262 = arith.constant 5 : i32
      %add3A_263 = arith.addi %add3A_261, %add3A_262 : i32
      %dma_wait3A_264 = arith.constant 1 : i32
      %dma_wait3A_265 = arith.constant 1 : i32
      %dma_wait3A_266 = arith.constant 0 : i32
      %dma_wait3A_267 = arith.constant 0 : i32
      %dma_wait3A_268 = tpu.memref_slice %arg8[%dma_wait3A_264, %dma_wait3A_266, %dma_wait3A_267] : memref<5x80x128xbf16, #tpu.memory_space<vmem>> -> memref<1x80x128xbf16, #tpu.memory_space<vmem>>
      %dma_wait3A_269 = tpu.memref_squeeze %dma_wait3A_268 : memref<1x80x128xbf16, #tpu.memory_space<vmem>> -> memref<80x128xbf16, #tpu.memory_space<vmem>>
      %dma_wait3A_270 = arith.constant 0 : i32
      %dma_wait3A_271 = tpu.memref_slice %arg7[%add3A_261, %dma_wait3A_270] : memref<125x80xi32, #tpu.memory_space<vmem>> -> memref<1x80xi32, #tpu.memory_space<vmem>>
      %dma_wait3A_272 = tpu.memref_squeeze %dma_wait3A_271 : memref<1x80xi32, #tpu.memory_space<vmem>> -> memref<80xi32, #tpu.memory_space<vmem>>
      %dma_wait3A_273 = arith.constant 0 : i32
      %dma_wait3A_274 = arith.constant 0 : i32
      %dma_wait3A_275 = tpu.memref_slice %arg9[%dma_wait3A_273, %dma_wait3A_274] : memref<10240x128xbf16, #tpu.memory_space<vmem_shared>> -> memref<10240x128xbf16, #tpu.memory_space<vmem_shared>>
      %dma_wait3A_276 = tpu.memref_slice %arg11[%dma_wait3A_265] : memref<5x!tpu.dma_semaphore, #tpu.memory_space<semaphore_mem>> -> memref<1x!tpu.dma_semaphore, #tpu.memory_space<semaphore_mem>>
      %dma_wait3A_277 = tpu.memref_squeeze %dma_wait3A_276 : memref<1x!tpu.dma_semaphore, #tpu.memory_space<semaphore_mem>> -> memref<!tpu.dma_semaphore, #tpu.memory_space<semaphore_mem>>
      tpu.wait_indirect_dma semaphore(%dma_wait3A_277 : memref<!tpu.dma_semaphore, #tpu.memory_space<semaphore_mem>>) src(%dma_wait3A_269 : memref<80x128xbf16, #tpu.memory_space<vmem>>) dst(%dma_wait3A_275 : memref<10240x128xbf16, #tpu.memory_space<vmem_shared>>)
      %lt3A_278 = arith.constant 125 : i32
      %lt3A_279 = arith.cmpi slt, %add3A_263, %lt3A_278 : i32
      %convert_element_type3A_280 = arith.extui %lt3A_279 : i1 to i32
      %cond3A_281 = arith.constant 0 : i32
      %cond3A_282 = arith.cmpi ne, %convert_element_type3A_280, %cond3A_281 : i32
      scf.if %cond3A_282 {
        %dma_start3A_352 = arith.constant 1 : i32
        %dma_start3A_353 = arith.constant 1 : i32
        %dma_start3A_354 = arith.constant 0 : i32
        %dma_start3A_355 = arith.constant 0 : i32
        %dma_start3A_356 = tpu.memref_slice %arg8[%dma_start3A_352, %dma_start3A_354, %dma_start3A_355] : memref<5x80x128xbf16, #tpu.memory_space<vmem>> -> memref<1x80x128xbf16, #tpu.memory_space<vmem>>
        %dma_start3A_357 = tpu.memref_squeeze %dma_start3A_356 : memref<1x80x128xbf16, #tpu.memory_space<vmem>> -> memref<80x128xbf16, #tpu.memory_space<vmem>>
        %dma_start3A_358 = arith.constant 0 : i32
        %dma_start3A_359 = tpu.memref_slice %arg6[%add3A_263, %dma_start3A_358] : memref<125x80xi32, #tpu.memory_space<vmem>> -> memref<1x80xi32, #tpu.memory_space<vmem>>
        %dma_start3A_360 = tpu.memref_squeeze %dma_start3A_359 : memref<1x80xi32, #tpu.memory_space<vmem>> -> memref<80xi32, #tpu.memory_space<vmem>>
        %dma_start3A_361 = arith.constant 0 : i32
        %dma_start3A_362 = arith.constant 0 : i32
        %dma_start3A_363 = tpu.memref_slice %arg2[%dma_start3A_361, %dma_start3A_362] : memref<10000x128xbf16, #tpu.memory_space<hbm>> -> memref<10000x128xbf16, #tpu.memory_space<hbm>>
        %dma_start3A_364 = tpu.memref_slice %arg10[%dma_start3A_353] : memref<5x!tpu.dma_semaphore, #tpu.memory_space<semaphore_mem>> -> memref<1x!tpu.dma_semaphore, #tpu.memory_space<semaphore_mem>>
        %dma_start3A_365 = tpu.memref_squeeze %dma_start3A_364 : memref<1x!tpu.dma_semaphore, #tpu.memory_space<semaphore_mem>> -> memref<!tpu.dma_semaphore, #tpu.memory_space<semaphore_mem>>
        tpu.enqueue_indirect_dma source(%dma_start3A_363 : memref<10000x128xbf16, #tpu.memory_space<hbm>>) target(%dma_start3A_357 : memref<80x128xbf16, #tpu.memory_space<vmem>>) offsets(%dma_start3A_360 : memref<80xi32, #tpu.memory_space<vmem>>) semaphore(%dma_start3A_365 : memref<!tpu.dma_semaphore, #tpu.memory_space<semaphore_mem>>)
      } else {
      }
      %add3A_283 = arith.constant 2 : i32
      %add3A_284 = arith.addi %mul3A_90, %add3A_283 : i32
      %add3A_285 = arith.constant 5 : i32
      %add3A_286 = arith.addi %add3A_284, %add3A_285 : i32
      %dma_wait3A_287 = arith.constant 2 : i32
      %dma_wait3A_288 = arith.constant 2 : i32
      %dma_wait3A_289 = arith.constant 0 : i32
      %dma_wait3A_290 = arith.constant 0 : i32
      %dma_wait3A_291 = tpu.memref_slice %arg8[%dma_wait3A_287, %dma_wait3A_289, %dma_wait3A_290] : memref<5x80x128xbf16, #tpu.memory_space<vmem>> -> memref<1x80x128xbf16, #tpu.memory_space<vmem>>
      %dma_wait3A_292 = tpu.memref_squeeze %dma_wait3A_291 : memref<1x80x128xbf16, #tpu.memory_space<vmem>> -> memref<80x128xbf16, #tpu.memory_space<vmem>>
      %dma_wait3A_293 = arith.constant 0 : i32
      %dma_wait3A_294 = tpu.memref_slice %arg7[%add3A_284, %dma_wait3A_293] : memref<125x80xi32, #tpu.memory_space<vmem>> -> memref<1x80xi32, #tpu.memory_space<vmem>>
      %dma_wait3A_295 = tpu.memref_squeeze %dma_wait3A_294 : memref<1x80xi32, #tpu.memory_space<vmem>> -> memref<80xi32, #tpu.memory_space<vmem>>
      %dma_wait3A_296 = arith.constant 0 : i32
      %dma_wait3A_297 = arith.constant 0 : i32
      %dma_wait3A_298 = tpu.memref_slice %arg9[%dma_wait3A_296, %dma_wait3A_297] : memref<10240x128xbf16, #tpu.memory_space<vmem_shared>> -> memref<10240x128xbf16, #tpu.memory_space<vmem_shared>>
      %dma_wait3A_299 = tpu.memref_slice %arg11[%dma_wait3A_288] : memref<5x!tpu.dma_semaphore, #tpu.memory_space<semaphore_mem>> -> memref<1x!tpu.dma_semaphore, #tpu.memory_space<semaphore_mem>>
      %dma_wait3A_300 = tpu.memref_squeeze %dma_wait3A_299 : memref<1x!tpu.dma_semaphore, #tpu.memory_space<semaphore_mem>> -> memref<!tpu.dma_semaphore, #tpu.memory_space<semaphore_mem>>
      tpu.wait_indirect_dma semaphore(%dma_wait3A_300 : memref<!tpu.dma_semaphore, #tpu.memory_space<semaphore_mem>>) src(%dma_wait3A_292 : memref<80x128xbf16, #tpu.memory_space<vmem>>) dst(%dma_wait3A_298 : memref<10240x128xbf16, #tpu.memory_space<vmem_shared>>)
      %lt3A_301 = arith.constant 125 : i32
      %lt3A_302 = arith.cmpi slt, %add3A_286, %lt3A_301 : i32
      %convert_element_type3A_303 = arith.extui %lt3A_302 : i1 to i32
      %cond3A_304 = arith.constant 0 : i32
      %cond3A_305 = arith.cmpi ne, %convert_element_type3A_303, %cond3A_304 : i32
      scf.if %cond3A_305 {
        %dma_start3A_352 = arith.constant 2 : i32
        %dma_start3A_353 = arith.constant 2 : i32
        %dma_start3A_354 = arith.constant 0 : i32
        %dma_start3A_355 = arith.constant 0 : i32
        %dma_start3A_356 = tpu.memref_slice %arg8[%dma_start3A_352, %dma_start3A_354, %dma_start3A_355] : memref<5x80x128xbf16, #tpu.memory_space<vmem>> -> memref<1x80x128xbf16, #tpu.memory_space<vmem>>
        %dma_start3A_357 = tpu.memref_squeeze %dma_start3A_356 : memref<1x80x128xbf16, #tpu.memory_space<vmem>> -> memref<80x128xbf16, #tpu.memory_space<vmem>>
        %dma_start3A_358 = arith.constant 0 : i32
        %dma_start3A_359 = tpu.memref_slice %arg6[%add3A_286, %dma_start3A_358] : memref<125x80xi32, #tpu.memory_space<vmem>> -> memref<1x80xi32, #tpu.memory_space<vmem>>
        %dma_start3A_360 = tpu.memref_squeeze %dma_start3A_359 : memref<1x80xi32, #tpu.memory_space<vmem>> -> memref<80xi32, #tpu.memory_space<vmem>>
        %dma_start3A_361 = arith.constant 0 : i32
        %dma_start3A_362 = arith.constant 0 : i32
        %dma_start3A_363 = tpu.memref_slice %arg2[%dma_start3A_361, %dma_start3A_362] : memref<10000x128xbf16, #tpu.memory_space<hbm>> -> memref<10000x128xbf16, #tpu.memory_space<hbm>>
        %dma_start3A_364 = tpu.memref_slice %arg10[%dma_start3A_353] : memref<5x!tpu.dma_semaphore, #tpu.memory_space<semaphore_mem>> -> memref<1x!tpu.dma_semaphore, #tpu.memory_space<semaphore_mem>>
        %dma_start3A_365 = tpu.memref_squeeze %dma_start3A_364 : memref<1x!tpu.dma_semaphore, #tpu.memory_space<semaphore_mem>> -> memref<!tpu.dma_semaphore, #tpu.memory_space<semaphore_mem>>
        tpu.enqueue_indirect_dma source(%dma_start3A_363 : memref<10000x128xbf16, #tpu.memory_space<hbm>>) target(%dma_start3A_357 : memref<80x128xbf16, #tpu.memory_space<vmem>>) offsets(%dma_start3A_360 : memref<80xi32, #tpu.memory_space<vmem>>) semaphore(%dma_start3A_365 : memref<!tpu.dma_semaphore, #tpu.memory_space<semaphore_mem>>)
      } else {
      }
      %add3A_306 = arith.constant 3 : i32
      %add3A_307 = arith.addi %mul3A_90, %add3A_306 : i32
      %add3A_308 = arith.constant 5 : i32
      %add3A_309 = arith.addi %add3A_307, %add3A_308 : i32
      %dma_wait3A_310 = arith.constant 3 : i32
      %dma_wait3A_311 = arith.constant 3 : i32
      %dma_wait3A_312 = arith.constant 0 : i32
      %dma_wait3A_313 = arith.constant 0 : i32
      %dma_wait3A_314 = tpu.memref_slice %arg8[%dma_wait3A_310, %dma_wait3A_312, %dma_wait3A_313] : memref<5x80x128xbf16, #tpu.memory_space<vmem>> -> memref<1x80x128xbf16, #tpu.memory_space<vmem>>
      %dma_wait3A_315 = tpu.memref_squeeze %dma_wait3A_314 : memref<1x80x128xbf16, #tpu.memory_space<vmem>> -> memref<80x128xbf16, #tpu.memory_space<vmem>>
      %dma_wait3A_316 = arith.constant 0 : i32
      %dma_wait3A_317 = tpu.memref_slice %arg7[%add3A_307, %dma_wait3A_316] : memref<125x80xi32, #tpu.memory_space<vmem>> -> memref<1x80xi32, #tpu.memory_space<vmem>>
      %dma_wait3A_318 = tpu.memref_squeeze %dma_wait3A_317 : memref<1x80xi32, #tpu.memory_space<vmem>> -> memref<80xi32, #tpu.memory_space<vmem>>
      %dma_wait3A_319 = arith.constant 0 : i32
      %dma_wait3A_320 = arith.constant 0 : i32
      %dma_wait3A_321 = tpu.memref_slice %arg9[%dma_wait3A_319, %dma_wait3A_320] : memref<10240x128xbf16, #tpu.memory_space<vmem_shared>> -> memref<10240x128xbf16, #tpu.memory_space<vmem_shared>>
      %dma_wait3A_322 = tpu.memref_slice %arg11[%dma_wait3A_311] : memref<5x!tpu.dma_semaphore, #tpu.memory_space<semaphore_mem>> -> memref<1x!tpu.dma_semaphore, #tpu.memory_space<semaphore_mem>>
      %dma_wait3A_323 = tpu.memref_squeeze %dma_wait3A_322 : memref<1x!tpu.dma_semaphore, #tpu.memory_space<semaphore_mem>> -> memref<!tpu.dma_semaphore, #tpu.memory_space<semaphore_mem>>
      tpu.wait_indirect_dma semaphore(%dma_wait3A_323 : memref<!tpu.dma_semaphore, #tpu.memory_space<semaphore_mem>>) src(%dma_wait3A_315 : memref<80x128xbf16, #tpu.memory_space<vmem>>) dst(%dma_wait3A_321 : memref<10240x128xbf16, #tpu.memory_space<vmem_shared>>)
      %lt3A_324 = arith.constant 125 : i32
      %lt3A_325 = arith.cmpi slt, %add3A_309, %lt3A_324 : i32
      %convert_element_type3A_326 = arith.extui %lt3A_325 : i1 to i32
      %cond3A_327 = arith.constant 0 : i32
      %cond3A_328 = arith.cmpi ne, %convert_element_type3A_326, %cond3A_327 : i32
      scf.if %cond3A_328 {
        %dma_start3A_352 = arith.constant 3 : i32
        %dma_start3A_353 = arith.constant 3 : i32
        %dma_start3A_354 = arith.constant 0 : i32
        %dma_start3A_355 = arith.constant 0 : i32
        %dma_start3A_356 = tpu.memref_slice %arg8[%dma_start3A_352, %dma_start3A_354, %dma_start3A_355] : memref<5x80x128xbf16, #tpu.memory_space<vmem>> -> memref<1x80x128xbf16, #tpu.memory_space<vmem>>
        %dma_start3A_357 = tpu.memref_squeeze %dma_start3A_356 : memref<1x80x128xbf16, #tpu.memory_space<vmem>> -> memref<80x128xbf16, #tpu.memory_space<vmem>>
        %dma_start3A_358 = arith.constant 0 : i32
        %dma_start3A_359 = tpu.memref_slice %arg6[%add3A_309, %dma_start3A_358] : memref<125x80xi32, #tpu.memory_space<vmem>> -> memref<1x80xi32, #tpu.memory_space<vmem>>
        %dma_start3A_360 = tpu.memref_squeeze %dma_start3A_359 : memref<1x80xi32, #tpu.memory_space<vmem>> -> memref<80xi32, #tpu.memory_space<vmem>>
        %dma_start3A_361 = arith.constant 0 : i32
        %dma_start3A_362 = arith.constant 0 : i32
        %dma_start3A_363 = tpu.memref_slice %arg2[%dma_start3A_361, %dma_start3A_362] : memref<10000x128xbf16, #tpu.memory_space<hbm>> -> memref<10000x128xbf16, #tpu.memory_space<hbm>>
        %dma_start3A_364 = tpu.memref_slice %arg10[%dma_start3A_353] : memref<5x!tpu.dma_semaphore, #tpu.memory_space<semaphore_mem>> -> memref<1x!tpu.dma_semaphore, #tpu.memory_space<semaphore_mem>>
        %dma_start3A_365 = tpu.memref_squeeze %dma_start3A_364 : memref<1x!tpu.dma_semaphore, #tpu.memory_space<semaphore_mem>> -> memref<!tpu.dma_semaphore, #tpu.memory_space<semaphore_mem>>
        tpu.enqueue_indirect_dma source(%dma_start3A_363 : memref<10000x128xbf16, #tpu.memory_space<hbm>>) target(%dma_start3A_357 : memref<80x128xbf16, #tpu.memory_space<vmem>>) offsets(%dma_start3A_360 : memref<80xi32, #tpu.memory_space<vmem>>) semaphore(%dma_start3A_365 : memref<!tpu.dma_semaphore, #tpu.memory_space<semaphore_mem>>)
      } else {
      }
      %add3A_329 = arith.constant 4 : i32
      %add3A_330 = arith.addi %mul3A_90, %add3A_329 : i32
      %add3A_331 = arith.constant 5 : i32
      %add3A_332 = arith.addi %add3A_330, %add3A_331 : i32
      %dma_wait3A_333 = arith.constant 4 : i32
      %dma_wait3A_334 = arith.constant 4 : i32
      %dma_wait3A_335 = arith.constant 0 : i32
      %dma_wait3A_336 = arith.constant 0 : i32
      %dma_wait3A_337 = tpu.memref_slice %arg8[%dma_wait3A_333, %dma_wait3A_335, %dma_wait3A_336] : memref<5x80x128xbf16, #tpu.memory_space<vmem>> -> memref<1x80x128xbf16, #tpu.memory_space<vmem>>
      %dma_wait3A_338 = tpu.memref_squeeze %dma_wait3A_337 : memref<1x80x128xbf16, #tpu.memory_space<vmem>> -> memref<80x128xbf16, #tpu.memory_space<vmem>>
      %dma_wait3A_339 = arith.constant 0 : i32
      %dma_wait3A_340 = tpu.memref_slice %arg7[%add3A_330, %dma_wait3A_339] : memref<125x80xi32, #tpu.memory_space<vmem>> -> memref<1x80xi32, #tpu.memory_space<vmem>>
      %dma_wait3A_341 = tpu.memref_squeeze %dma_wait3A_340 : memref<1x80xi32, #tpu.memory_space<vmem>> -> memref<80xi32, #tpu.memory_space<vmem>>
      %dma_wait3A_342 = arith.constant 0 : i32
      %dma_wait3A_343 = arith.constant 0 : i32
      %dma_wait3A_344 = tpu.memref_slice %arg9[%dma_wait3A_342, %dma_wait3A_343] : memref<10240x128xbf16, #tpu.memory_space<vmem_shared>> -> memref<10240x128xbf16, #tpu.memory_space<vmem_shared>>
      %dma_wait3A_345 = tpu.memref_slice %arg11[%dma_wait3A_334] : memref<5x!tpu.dma_semaphore, #tpu.memory_space<semaphore_mem>> -> memref<1x!tpu.dma_semaphore, #tpu.memory_space<semaphore_mem>>
      %dma_wait3A_346 = tpu.memref_squeeze %dma_wait3A_345 : memref<1x!tpu.dma_semaphore, #tpu.memory_space<semaphore_mem>> -> memref<!tpu.dma_semaphore, #tpu.memory_space<semaphore_mem>>
      tpu.wait_indirect_dma semaphore(%dma_wait3A_346 : memref<!tpu.dma_semaphore, #tpu.memory_space<semaphore_mem>>) src(%dma_wait3A_338 : memref<80x128xbf16, #tpu.memory_space<vmem>>) dst(%dma_wait3A_344 : memref<10240x128xbf16, #tpu.memory_space<vmem_shared>>)
      %lt3A_347 = arith.constant 125 : i32
      %lt3A_348 = arith.cmpi slt, %add3A_332, %lt3A_347 : i32
      %convert_element_type3A_349 = arith.extui %lt3A_348 : i1 to i32
      %cond3A_350 = arith.constant 0 : i32
      %cond3A_351 = arith.cmpi ne, %convert_element_type3A_349, %cond3A_350 : i32
      scf.if %cond3A_351 {
        %dma_start3A_352 = arith.constant 4 : i32
        %dma_start3A_353 = arith.constant 4 : i32
        %dma_start3A_354 = arith.constant 0 : i32
        %dma_start3A_355 = arith.constant 0 : i32
        %dma_start3A_356 = tpu.memref_slice %arg8[%dma_start3A_352, %dma_start3A_354, %dma_start3A_355] : memref<5x80x128xbf16, #tpu.memory_space<vmem>> -> memref<1x80x128xbf16, #tpu.memory_space<vmem>>
        %dma_start3A_357 = tpu.memref_squeeze %dma_start3A_356 : memref<1x80x128xbf16, #tpu.memory_space<vmem>> -> memref<80x128xbf16, #tpu.memory_space<vmem>>
        %dma_start3A_358 = arith.constant 0 : i32
        %dma_start3A_359 = tpu.memref_slice %arg6[%add3A_332, %dma_start3A_358] : memref<125x80xi32, #tpu.memory_space<vmem>> -> memref<1x80xi32, #tpu.memory_space<vmem>>
        %dma_start3A_360 = tpu.memref_squeeze %dma_start3A_359 : memref<1x80xi32, #tpu.memory_space<vmem>> -> memref<80xi32, #tpu.memory_space<vmem>>
        %dma_start3A_361 = arith.constant 0 : i32
        %dma_start3A_362 = arith.constant 0 : i32
        %dma_start3A_363 = tpu.memref_slice %arg2[%dma_start3A_361, %dma_start3A_362] : memref<10000x128xbf16, #tpu.memory_space<hbm>> -> memref<10000x128xbf16, #tpu.memory_space<hbm>>
        %dma_start3A_364 = tpu.memref_slice %arg10[%dma_start3A_353] : memref<5x!tpu.dma_semaphore, #tpu.memory_space<semaphore_mem>> -> memref<1x!tpu.dma_semaphore, #tpu.memory_space<semaphore_mem>>
        %dma_start3A_365 = tpu.memref_squeeze %dma_start3A_364 : memref<1x!tpu.dma_semaphore, #tpu.memory_space<semaphore_mem>> -> memref<!tpu.dma_semaphore, #tpu.memory_space<semaphore_mem>>
        tpu.enqueue_indirect_dma source(%dma_start3A_363 : memref<10000x128xbf16, #tpu.memory_space<hbm>>) target(%dma_start3A_357 : memref<80x128xbf16, #tpu.memory_space<vmem>>) offsets(%dma_start3A_360 : memref<80xi32, #tpu.memory_space<vmem>>) semaphore(%dma_start3A_365 : memref<!tpu.dma_semaphore, #tpu.memory_space<semaphore_mem>>)
      } else {
      }
    }
    %scan3A_82 = arith.constant 25 : i32
    %barrier3A_83 = arith.constant 0 : index
    tpu.barrier barrier_id(%barrier3A_83)
    %mul3A_84 = arith.constant 640 : i32
    %mul3A_85 = arith.muli %arg1, %mul3A_84 : i32
    %mul3A_86 = arith.constant 640 : i32
    %mul3A_87 = arith.muli %arg1, %mul3A_86 : i32
    "tpu.region"() ({
      %run_scoped3A_88 = tpu.sem_alloc : memref<!tpu.dma_semaphore, #tpu.memory_space<semaphore_mem>>
      %dma_start3A_89 = arith.constant 0 : i32
      %dma_start3A_90 = tpu.memref_slice %arg5[%arg0, %mul3A_87, %dma_start3A_89] : memref<2x10240x128xbf16, #tpu.memory_space<hbm>> -> memref<1x640x128xbf16, #tpu.memory_space<hbm>>
      %dma_start3A_91 = tpu.memref_squeeze %dma_start3A_90 : memref<1x640x128xbf16, #tpu.memory_space<hbm>> -> memref<640x128xbf16, #tpu.memory_space<hbm>>
      %dma_start3A_92 = arith.constant 0 : i32
      %dma_start3A_93 = tpu.memref_slice %arg9[%mul3A_85, %dma_start3A_92] : memref<10240x128xbf16, #tpu.memory_space<vmem_shared>> -> memref<640x128xbf16, #tpu.memory_space<vmem_shared>>
      tpu.enqueue_dma source(%dma_start3A_93 : memref<640x128xbf16, #tpu.memory_space<vmem_shared>>) target(%dma_start3A_91 : memref<640x128xbf16, #tpu.memory_space<hbm>>) target_semaphore(%run_scoped3A_88 : memref<!tpu.dma_semaphore, #tpu.memory_space<semaphore_mem>>)
      %dma_wait3A = arith.constant 0 : i32
      %dma_wait3A_94 = tpu.memref_slice %arg5[%arg0, %mul3A_87, %dma_wait3A] : memref<2x10240x128xbf16, #tpu.memory_space<hbm>> -> memref<1x640x128xbf16, #tpu.memory_space<hbm>>
      %dma_wait3A_95 = tpu.memref_squeeze %dma_wait3A_94 : memref<1x640x128xbf16, #tpu.memory_space<hbm>> -> memref<640x128xbf16, #tpu.memory_space<hbm>>
      %dma_wait3A_96 = arith.constant 0 : i32
      %dma_wait3A_97 = tpu.memref_slice %arg9[%mul3A_85, %dma_wait3A_96] : memref<10240x128xbf16, #tpu.memory_space<vmem_shared>> -> memref<640x128xbf16, #tpu.memory_space<vmem_shared>>
      tpu.wait_dma2 semaphore(%run_scoped3A_88 : memref<!tpu.dma_semaphore, #tpu.memory_space<semaphore_mem>>) src(%dma_wait3A_97 : memref<640x128xbf16, #tpu.memory_space<vmem_shared>>) dst(%dma_wait3A_95 : memref<640x128xbf16, #tpu.memory_space<hbm>>)
      tpu.yield
    }) : () -> ()
    return
  }
}

#map = affine_map<(d0, d1) -> (0, 0, 0, 0)>
#map1 = affine_map<(d0, d1) -> (0, 0)>
#map2 = affine_map<(d0, d1) -> (0, 0, 0)>
module attributes {stable_mosaic.version = 14 : i64} {
  func.func @_sc_deg(%arg0: i32, %arg1: i32, %arg2: memref<2x32x125x80xi32, #tpu.memory_space<hbm>>, %arg3: memref<80x8xf32, #tpu.memory_space<hbm>>, %arg4: memref<640x8xf32, #tpu.memory_space<hbm>>, %arg5: memref<2x10240x8xf32, #tpu.memory_space<hbm>>, %arg6: memref<125x80xi32, #tpu.memory_space<vmem>>, %arg7: memref<80x8xf32, #tpu.memory_space<vmem>>, %arg8: memref<10240x8xf32, #tpu.memory_space<vmem_shared>>, %arg9: memref<5x!tpu.dma_semaphore, #tpu.memory_space<semaphore_mem>>) attributes {dimension_semantics = [#tpu.dimension_semantics<core_parallel>, #tpu.dimension_semantics<subcore_parallel>], iteration_bounds = array<i64: 2, 16>, scalar_prefetch = 0 : i64, scratch_operands = 4 : i64, tpu.core_type = #tpu.core_type<sc_vector_subcore>, window_params = [{transform_indices = #map}, {transform_indices = #map1}, {transform_indices = #map1}, {transform_indices = #map2}]} {
    %mul3A = arith.constant 16 : i32
    %mul3A_0 = arith.muli %arg0, %mul3A : i32
    %add3A = arith.addi %mul3A_0, %arg1 : i32
    %run_scoped3A = arith.constant 1 : i32
    "tpu.region"() ({
      %run_scoped3A_13 = tpu.sem_alloc : memref<!tpu.dma_semaphore, #tpu.memory_space<semaphore_mem>>
      %dma_start3A = arith.constant 0 : i32
      %dma_start3A_14 = arith.constant 0 : i32
      %dma_start3A_15 = tpu.memref_slice %arg2[%run_scoped3A, %add3A, %dma_start3A, %dma_start3A_14] : memref<2x32x125x80xi32, #tpu.memory_space<hbm>> -> memref<1x1x125x80xi32, #tpu.memory_space<hbm>>
      %dma_start3A_16 = tpu.memref_squeeze %dma_start3A_15 : memref<1x1x125x80xi32, #tpu.memory_space<hbm>> -> memref<125x80xi32, #tpu.memory_space<hbm>>
      %dma_start3A_17 = arith.constant 0 : i32
      %dma_start3A_18 = arith.constant 0 : i32
      %dma_start3A_19 = tpu.memref_slice %arg2[%run_scoped3A, %add3A, %dma_start3A_17, %dma_start3A_18] : memref<2x32x125x80xi32, #tpu.memory_space<hbm>> -> memref<1x1x125x80xi32, #tpu.memory_space<hbm>>
      %dma_start3A_20 = tpu.memref_squeeze %dma_start3A_19 : memref<1x1x125x80xi32, #tpu.memory_space<hbm>> -> memref<125x80xi32, #tpu.memory_space<hbm>>
      tpu.enqueue_dma source(%dma_start3A_20 : memref<125x80xi32, #tpu.memory_space<hbm>>) target(%arg6 : memref<125x80xi32, #tpu.memory_space<vmem>>) target_semaphore(%run_scoped3A_13 : memref<!tpu.dma_semaphore, #tpu.memory_space<semaphore_mem>>)
      %dma_wait3A = arith.constant 0 : i32
      %dma_wait3A_21 = arith.constant 0 : i32
      %dma_wait3A_22 = tpu.memref_slice %arg2[%run_scoped3A, %add3A, %dma_wait3A, %dma_wait3A_21] : memref<2x32x125x80xi32, #tpu.memory_space<hbm>> -> memref<1x1x125x80xi32, #tpu.memory_space<hbm>>
      %dma_wait3A_23 = tpu.memref_squeeze %dma_wait3A_22 : memref<1x1x125x80xi32, #tpu.memory_space<hbm>> -> memref<125x80xi32, #tpu.memory_space<hbm>>
      %dma_wait3A_24 = arith.constant 0 : i32
      %dma_wait3A_25 = arith.constant 0 : i32
      %dma_wait3A_26 = tpu.memref_slice %arg2[%run_scoped3A, %add3A, %dma_wait3A_24, %dma_wait3A_25] : memref<2x32x125x80xi32, #tpu.memory_space<hbm>> -> memref<1x1x125x80xi32, #tpu.memory_space<hbm>>
      %dma_wait3A_27 = tpu.memref_squeeze %dma_wait3A_26 : memref<1x1x125x80xi32, #tpu.memory_space<hbm>> -> memref<125x80xi32, #tpu.memory_space<hbm>>
      tpu.wait_dma2 semaphore(%run_scoped3A_13 : memref<!tpu.dma_semaphore, #tpu.memory_space<semaphore_mem>>) src(%dma_wait3A_27 : memref<125x80xi32, #tpu.memory_space<hbm>>) dst(%arg6 : memref<125x80xi32, #tpu.memory_space<vmem>>)
      tpu.yield
    }) : () -> ()
    "tpu.region"() ({
      %run_scoped3A_13 = tpu.sem_alloc : memref<!tpu.dma_semaphore, #tpu.memory_space<semaphore_mem>>
      tpu.enqueue_dma source(%arg3 : memref<80x8xf32, #tpu.memory_space<hbm>>) target(%arg7 : memref<80x8xf32, #tpu.memory_space<vmem>>) target_semaphore(%run_scoped3A_13 : memref<!tpu.dma_semaphore, #tpu.memory_space<semaphore_mem>>)
      tpu.wait_dma2 semaphore(%run_scoped3A_13 : memref<!tpu.dma_semaphore, #tpu.memory_space<semaphore_mem>>) src(%arg3 : memref<80x8xf32, #tpu.memory_space<hbm>>) dst(%arg7 : memref<80x8xf32, #tpu.memory_space<vmem>>)
      tpu.yield
    }) : () -> ()
    %mul3A_1 = arith.constant 640 : i32
    %mul3A_2 = arith.muli %arg1, %mul3A_1 : i32
    "tpu.region"() ({
      %run_scoped3A_13 = tpu.sem_alloc : memref<!tpu.dma_semaphore, #tpu.memory_space<semaphore_mem>>
      %dma_start3A = arith.constant 0 : i32
      %dma_start3A_14 = tpu.memref_slice %arg8[%mul3A_2, %dma_start3A] : memref<10240x8xf32, #tpu.memory_space<vmem_shared>> -> memref<640x8xf32, #tpu.memory_space<vmem_shared>>
      tpu.enqueue_dma source(%arg4 : memref<640x8xf32, #tpu.memory_space<hbm>>) target(%dma_start3A_14 : memref<640x8xf32, #tpu.memory_space<vmem_shared>>) target_semaphore(%run_scoped3A_13 : memref<!tpu.dma_semaphore, #tpu.memory_space<semaphore_mem>>)
      %dma_wait3A = arith.constant 0 : i32
      %dma_wait3A_15 = tpu.memref_slice %arg8[%mul3A_2, %dma_wait3A] : memref<10240x8xf32, #tpu.memory_space<vmem_shared>> -> memref<640x8xf32, #tpu.memory_space<vmem_shared>>
      tpu.wait_dma2 semaphore(%run_scoped3A_13 : memref<!tpu.dma_semaphore, #tpu.memory_space<semaphore_mem>>) src(%arg4 : memref<640x8xf32, #tpu.memory_space<hbm>>) dst(%dma_wait3A_15 : memref<640x8xf32, #tpu.memory_space<vmem_shared>>)
      tpu.yield
    }) : () -> ()
    %barrier3A = arith.constant 0 : index
    tpu.barrier barrier_id(%barrier3A)
    %scan3A = arith.constant 0 : i32
    %scan3A_3 = arith.constant 0 : i32
    %scan3A_4 = arith.constant 25 : i32
    %scan3A_5 = arith.addi %scan3A_3, %scan3A_4 : i32
    %scan3A_6 = arith.constant 1 : i32
    scf.for %scan3A_13 = %scan3A_3 to %scan3A_5 step %scan3A_6  : i32 {
      %mul3A_14 = arith.constant 5 : i32
      %mul3A_15 = arith.muli %scan3A_13, %mul3A_14 : i32
      %add3A_16 = arith.constant 0 : i32
      %add3A_17 = arith.addi %mul3A_15, %add3A_16 : i32
      %dma_start3A = arith.constant 0 : i32
      %dma_start3A_18 = arith.constant 0 : i32
      %dma_start3A_19 = tpu.memref_slice %arg6[%add3A_17, %dma_start3A_18] : memref<125x80xi32, #tpu.memory_space<vmem>> -> memref<1x80xi32, #tpu.memory_space<vmem>>
      %dma_start3A_20 = tpu.memref_squeeze %dma_start3A_19 : memref<1x80xi32, #tpu.memory_space<vmem>> -> memref<80xi32, #tpu.memory_space<vmem>>
      %dma_start3A_21 = arith.constant 0 : i32
      %dma_start3A_22 = arith.constant 0 : i32
      %dma_start3A_23 = tpu.memref_slice %arg8[%dma_start3A_21, %dma_start3A_22] : memref<10240x8xf32, #tpu.memory_space<vmem_shared>> -> memref<10240x8xf32, #tpu.memory_space<vmem_shared>>
      %dma_start3A_24 = tpu.memref_slice %arg9[%dma_start3A] : memref<5x!tpu.dma_semaphore, #tpu.memory_space<semaphore_mem>> -> memref<1x!tpu.dma_semaphore, #tpu.memory_space<semaphore_mem>>
      %dma_start3A_25 = tpu.memref_squeeze %dma_start3A_24 : memref<1x!tpu.dma_semaphore, #tpu.memory_space<semaphore_mem>> -> memref<!tpu.dma_semaphore, #tpu.memory_space<semaphore_mem>>
      tpu.enqueue_indirect_dma source(%arg7 : memref<80x8xf32, #tpu.memory_space<vmem>>) target(%dma_start3A_23 : memref<10240x8xf32, #tpu.memory_space<vmem_shared>>) offsets(%dma_start3A_20 : memref<80xi32, #tpu.memory_space<vmem>>) semaphore(%dma_start3A_25 : memref<!tpu.dma_semaphore, #tpu.memory_space<semaphore_mem>>) {add = true}
      %add3A_26 = arith.constant 1 : i32
      %add3A_27 = arith.addi %mul3A_15, %add3A_26 : i32
      %dma_start3A_28 = arith.constant 1 : i32
      %dma_start3A_29 = arith.constant 0 : i32
      %dma_start3A_30 = tpu.memref_slice %arg6[%add3A_27, %dma_start3A_29] : memref<125x80xi32, #tpu.memory_space<vmem>> -> memref<1x80xi32, #tpu.memory_space<vmem>>
      %dma_start3A_31 = tpu.memref_squeeze %dma_start3A_30 : memref<1x80xi32, #tpu.memory_space<vmem>> -> memref<80xi32, #tpu.memory_space<vmem>>
      %dma_start3A_32 = arith.constant 0 : i32
      %dma_start3A_33 = arith.constant 0 : i32
      %dma_start3A_34 = tpu.memref_slice %arg8[%dma_start3A_32, %dma_start3A_33] : memref<10240x8xf32, #tpu.memory_space<vmem_shared>> -> memref<10240x8xf32, #tpu.memory_space<vmem_shared>>
      %dma_start3A_35 = tpu.memref_slice %arg9[%dma_start3A_28] : memref<5x!tpu.dma_semaphore, #tpu.memory_space<semaphore_mem>> -> memref<1x!tpu.dma_semaphore, #tpu.memory_space<semaphore_mem>>
      %dma_start3A_36 = tpu.memref_squeeze %dma_start3A_35 : memref<1x!tpu.dma_semaphore, #tpu.memory_space<semaphore_mem>> -> memref<!tpu.dma_semaphore, #tpu.memory_space<semaphore_mem>>
      tpu.enqueue_indirect_dma source(%arg7 : memref<80x8xf32, #tpu.memory_space<vmem>>) target(%dma_start3A_34 : memref<10240x8xf32, #tpu.memory_space<vmem_shared>>) offsets(%dma_start3A_31 : memref<80xi32, #tpu.memory_space<vmem>>) semaphore(%dma_start3A_36 : memref<!tpu.dma_semaphore, #tpu.memory_space<semaphore_mem>>) {add = true}
      %add3A_37 = arith.constant 2 : i32
      %add3A_38 = arith.addi %mul3A_15, %add3A_37 : i32
      %dma_start3A_39 = arith.constant 2 : i32
      %dma_start3A_40 = arith.constant 0 : i32
      %dma_start3A_41 = tpu.memref_slice %arg6[%add3A_38, %dma_start3A_40] : memref<125x80xi32, #tpu.memory_space<vmem>> -> memref<1x80xi32, #tpu.memory_space<vmem>>
      %dma_start3A_42 = tpu.memref_squeeze %dma_start3A_41 : memref<1x80xi32, #tpu.memory_space<vmem>> -> memref<80xi32, #tpu.memory_space<vmem>>
      %dma_start3A_43 = arith.constant 0 : i32
      %dma_start3A_44 = arith.constant 0 : i32
      %dma_start3A_45 = tpu.memref_slice %arg8[%dma_start3A_43, %dma_start3A_44] : memref<10240x8xf32, #tpu.memory_space<vmem_shared>> -> memref<10240x8xf32, #tpu.memory_space<vmem_shared>>
      %dma_start3A_46 = tpu.memref_slice %arg9[%dma_start3A_39] : memref<5x!tpu.dma_semaphore, #tpu.memory_space<semaphore_mem>> -> memref<1x!tpu.dma_semaphore, #tpu.memory_space<semaphore_mem>>
      %dma_start3A_47 = tpu.memref_squeeze %dma_start3A_46 : memref<1x!tpu.dma_semaphore, #tpu.memory_space<semaphore_mem>> -> memref<!tpu.dma_semaphore, #tpu.memory_space<semaphore_mem>>
      tpu.enqueue_indirect_dma source(%arg7 : memref<80x8xf32, #tpu.memory_space<vmem>>) target(%dma_start3A_45 : memref<10240x8xf32, #tpu.memory_space<vmem_shared>>) offsets(%dma_start3A_42 : memref<80xi32, #tpu.memory_space<vmem>>) semaphore(%dma_start3A_47 : memref<!tpu.dma_semaphore, #tpu.memory_space<semaphore_mem>>) {add = true}
      %add3A_48 = arith.constant 3 : i32
      %add3A_49 = arith.addi %mul3A_15, %add3A_48 : i32
      %dma_start3A_50 = arith.constant 3 : i32
      %dma_start3A_51 = arith.constant 0 : i32
      %dma_start3A_52 = tpu.memref_slice %arg6[%add3A_49, %dma_start3A_51] : memref<125x80xi32, #tpu.memory_space<vmem>> -> memref<1x80xi32, #tpu.memory_space<vmem>>
      %dma_start3A_53 = tpu.memref_squeeze %dma_start3A_52 : memref<1x80xi32, #tpu.memory_space<vmem>> -> memref<80xi32, #tpu.memory_space<vmem>>
      %dma_start3A_54 = arith.constant 0 : i32
      %dma_start3A_55 = arith.constant 0 : i32
      %dma_start3A_56 = tpu.memref_slice %arg8[%dma_start3A_54, %dma_start3A_55] : memref<10240x8xf32, #tpu.memory_space<vmem_shared>> -> memref<10240x8xf32, #tpu.memory_space<vmem_shared>>
      %dma_start3A_57 = tpu.memref_slice %arg9[%dma_start3A_50] : memref<5x!tpu.dma_semaphore, #tpu.memory_space<semaphore_mem>> -> memref<1x!tpu.dma_semaphore, #tpu.memory_space<semaphore_mem>>
      %dma_start3A_58 = tpu.memref_squeeze %dma_start3A_57 : memref<1x!tpu.dma_semaphore, #tpu.memory_space<semaphore_mem>> -> memref<!tpu.dma_semaphore, #tpu.memory_space<semaphore_mem>>
      tpu.enqueue_indirect_dma source(%arg7 : memref<80x8xf32, #tpu.memory_space<vmem>>) target(%dma_start3A_56 : memref<10240x8xf32, #tpu.memory_space<vmem_shared>>) offsets(%dma_start3A_53 : memref<80xi32, #tpu.memory_space<vmem>>) semaphore(%dma_start3A_58 : memref<!tpu.dma_semaphore, #tpu.memory_space<semaphore_mem>>) {add = true}
      %add3A_59 = arith.constant 4 : i32
      %add3A_60 = arith.addi %mul3A_15, %add3A_59 : i32
      %dma_start3A_61 = arith.constant 4 : i32
      %dma_start3A_62 = arith.constant 0 : i32
      %dma_start3A_63 = tpu.memref_slice %arg6[%add3A_60, %dma_start3A_62] : memref<125x80xi32, #tpu.memory_space<vmem>> -> memref<1x80xi32, #tpu.memory_space<vmem>>
      %dma_start3A_64 = tpu.memref_squeeze %dma_start3A_63 : memref<1x80xi32, #tpu.memory_space<vmem>> -> memref<80xi32, #tpu.memory_space<vmem>>
      %dma_start3A_65 = arith.constant 0 : i32
      %dma_start3A_66 = arith.constant 0 : i32
      %dma_start3A_67 = tpu.memref_slice %arg8[%dma_start3A_65, %dma_start3A_66] : memref<10240x8xf32, #tpu.memory_space<vmem_shared>> -> memref<10240x8xf32, #tpu.memory_space<vmem_shared>>
      %dma_start3A_68 = tpu.memref_slice %arg9[%dma_start3A_61] : memref<5x!tpu.dma_semaphore, #tpu.memory_space<semaphore_mem>> -> memref<1x!tpu.dma_semaphore, #tpu.memory_space<semaphore_mem>>
      %dma_start3A_69 = tpu.memref_squeeze %dma_start3A_68 : memref<1x!tpu.dma_semaphore, #tpu.memory_space<semaphore_mem>> -> memref<!tpu.dma_semaphore, #tpu.memory_space<semaphore_mem>>
      tpu.enqueue_indirect_dma source(%arg7 : memref<80x8xf32, #tpu.memory_space<vmem>>) target(%dma_start3A_67 : memref<10240x8xf32, #tpu.memory_space<vmem_shared>>) offsets(%dma_start3A_64 : memref<80xi32, #tpu.memory_space<vmem>>) semaphore(%dma_start3A_69 : memref<!tpu.dma_semaphore, #tpu.memory_space<semaphore_mem>>) {add = true}
      %add3A_70 = arith.constant 0 : i32
      %add3A_71 = arith.addi %mul3A_15, %add3A_70 : i32
      %dma_wait3A = arith.constant 0 : i32
      %dma_wait3A_72 = arith.constant 0 : i32
      %dma_wait3A_73 = tpu.memref_slice %arg6[%add3A_71, %dma_wait3A_72] : memref<125x80xi32, #tpu.memory_space<vmem>> -> memref<1x80xi32, #tpu.memory_space<vmem>>
      %dma_wait3A_74 = tpu.memref_squeeze %dma_wait3A_73 : memref<1x80xi32, #tpu.memory_space<vmem>> -> memref<80xi32, #tpu.memory_space<vmem>>
      %dma_wait3A_75 = arith.constant 0 : i32
      %dma_wait3A_76 = arith.constant 0 : i32
      %dma_wait3A_77 = tpu.memref_slice %arg8[%dma_wait3A_75, %dma_wait3A_76] : memref<10240x8xf32, #tpu.memory_space<vmem_shared>> -> memref<10240x8xf32, #tpu.memory_space<vmem_shared>>
      %dma_wait3A_78 = tpu.memref_slice %arg9[%dma_wait3A] : memref<5x!tpu.dma_semaphore, #tpu.memory_space<semaphore_mem>> -> memref<1x!tpu.dma_semaphore, #tpu.memory_space<semaphore_mem>>
      %dma_wait3A_79 = tpu.memref_squeeze %dma_wait3A_78 : memref<1x!tpu.dma_semaphore, #tpu.memory_space<semaphore_mem>> -> memref<!tpu.dma_semaphore, #tpu.memory_space<semaphore_mem>>
      tpu.wait_indirect_dma semaphore(%dma_wait3A_79 : memref<!tpu.dma_semaphore, #tpu.memory_space<semaphore_mem>>) src(%arg7 : memref<80x8xf32, #tpu.memory_space<vmem>>) dst(%dma_wait3A_77 : memref<10240x8xf32, #tpu.memory_space<vmem_shared>>)
      %add3A_80 = arith.constant 1 : i32
      %add3A_81 = arith.addi %mul3A_15, %add3A_80 : i32
      %dma_wait3A_82 = arith.constant 1 : i32
      %dma_wait3A_83 = arith.constant 0 : i32
      %dma_wait3A_84 = tpu.memref_slice %arg6[%add3A_81, %dma_wait3A_83] : memref<125x80xi32, #tpu.memory_space<vmem>> -> memref<1x80xi32, #tpu.memory_space<vmem>>
      %dma_wait3A_85 = tpu.memref_squeeze %dma_wait3A_84 : memref<1x80xi32, #tpu.memory_space<vmem>> -> memref<80xi32, #tpu.memory_space<vmem>>
      %dma_wait3A_86 = arith.constant 0 : i32
      %dma_wait3A_87 = arith.constant 0 : i32
      %dma_wait3A_88 = tpu.memref_slice %arg8[%dma_wait3A_86, %dma_wait3A_87] : memref<10240x8xf32, #tpu.memory_space<vmem_shared>> -> memref<10240x8xf32, #tpu.memory_space<vmem_shared>>
      %dma_wait3A_89 = tpu.memref_slice %arg9[%dma_wait3A_82] : memref<5x!tpu.dma_semaphore, #tpu.memory_space<semaphore_mem>> -> memref<1x!tpu.dma_semaphore, #tpu.memory_space<semaphore_mem>>
      %dma_wait3A_90 = tpu.memref_squeeze %dma_wait3A_89 : memref<1x!tpu.dma_semaphore, #tpu.memory_space<semaphore_mem>> -> memref<!tpu.dma_semaphore, #tpu.memory_space<semaphore_mem>>
      tpu.wait_indirect_dma semaphore(%dma_wait3A_90 : memref<!tpu.dma_semaphore, #tpu.memory_space<semaphore_mem>>) src(%arg7 : memref<80x8xf32, #tpu.memory_space<vmem>>) dst(%dma_wait3A_88 : memref<10240x8xf32, #tpu.memory_space<vmem_shared>>)
      %add3A_91 = arith.constant 2 : i32
      %add3A_92 = arith.addi %mul3A_15, %add3A_91 : i32
      %dma_wait3A_93 = arith.constant 2 : i32
      %dma_wait3A_94 = arith.constant 0 : i32
      %dma_wait3A_95 = tpu.memref_slice %arg6[%add3A_92, %dma_wait3A_94] : memref<125x80xi32, #tpu.memory_space<vmem>> -> memref<1x80xi32, #tpu.memory_space<vmem>>
      %dma_wait3A_96 = tpu.memref_squeeze %dma_wait3A_95 : memref<1x80xi32, #tpu.memory_space<vmem>> -> memref<80xi32, #tpu.memory_space<vmem>>
      %dma_wait3A_97 = arith.constant 0 : i32
      %dma_wait3A_98 = arith.constant 0 : i32
      %dma_wait3A_99 = tpu.memref_slice %arg8[%dma_wait3A_97, %dma_wait3A_98] : memref<10240x8xf32, #tpu.memory_space<vmem_shared>> -> memref<10240x8xf32, #tpu.memory_space<vmem_shared>>
      %dma_wait3A_100 = tpu.memref_slice %arg9[%dma_wait3A_93] : memref<5x!tpu.dma_semaphore, #tpu.memory_space<semaphore_mem>> -> memref<1x!tpu.dma_semaphore, #tpu.memory_space<semaphore_mem>>
      %dma_wait3A_101 = tpu.memref_squeeze %dma_wait3A_100 : memref<1x!tpu.dma_semaphore, #tpu.memory_space<semaphore_mem>> -> memref<!tpu.dma_semaphore, #tpu.memory_space<semaphore_mem>>
      tpu.wait_indirect_dma semaphore(%dma_wait3A_101 : memref<!tpu.dma_semaphore, #tpu.memory_space<semaphore_mem>>) src(%arg7 : memref<80x8xf32, #tpu.memory_space<vmem>>) dst(%dma_wait3A_99 : memref<10240x8xf32, #tpu.memory_space<vmem_shared>>)
      %add3A_102 = arith.constant 3 : i32
      %add3A_103 = arith.addi %mul3A_15, %add3A_102 : i32
      %dma_wait3A_104 = arith.constant 3 : i32
      %dma_wait3A_105 = arith.constant 0 : i32
      %dma_wait3A_106 = tpu.memref_slice %arg6[%add3A_103, %dma_wait3A_105] : memref<125x80xi32, #tpu.memory_space<vmem>> -> memref<1x80xi32, #tpu.memory_space<vmem>>
      %dma_wait3A_107 = tpu.memref_squeeze %dma_wait3A_106 : memref<1x80xi32, #tpu.memory_space<vmem>> -> memref<80xi32, #tpu.memory_space<vmem>>
      %dma_wait3A_108 = arith.constant 0 : i32
      %dma_wait3A_109 = arith.constant 0 : i32
      %dma_wait3A_110 = tpu.memref_slice %arg8[%dma_wait3A_108, %dma_wait3A_109] : memref<10240x8xf32, #tpu.memory_space<vmem_shared>> -> memref<10240x8xf32, #tpu.memory_space<vmem_shared>>
      %dma_wait3A_111 = tpu.memref_slice %arg9[%dma_wait3A_104] : memref<5x!tpu.dma_semaphore, #tpu.memory_space<semaphore_mem>> -> memref<1x!tpu.dma_semaphore, #tpu.memory_space<semaphore_mem>>
      %dma_wait3A_112 = tpu.memref_squeeze %dma_wait3A_111 : memref<1x!tpu.dma_semaphore, #tpu.memory_space<semaphore_mem>> -> memref<!tpu.dma_semaphore, #tpu.memory_space<semaphore_mem>>
      tpu.wait_indirect_dma semaphore(%dma_wait3A_112 : memref<!tpu.dma_semaphore, #tpu.memory_space<semaphore_mem>>) src(%arg7 : memref<80x8xf32, #tpu.memory_space<vmem>>) dst(%dma_wait3A_110 : memref<10240x8xf32, #tpu.memory_space<vmem_shared>>)
      %add3A_113 = arith.constant 4 : i32
      %add3A_114 = arith.addi %mul3A_15, %add3A_113 : i32
      %dma_wait3A_115 = arith.constant 4 : i32
      %dma_wait3A_116 = arith.constant 0 : i32
      %dma_wait3A_117 = tpu.memref_slice %arg6[%add3A_114, %dma_wait3A_116] : memref<125x80xi32, #tpu.memory_space<vmem>> -> memref<1x80xi32, #tpu.memory_space<vmem>>
      %dma_wait3A_118 = tpu.memref_squeeze %dma_wait3A_117 : memref<1x80xi32, #tpu.memory_space<vmem>> -> memref<80xi32, #tpu.memory_space<vmem>>
      %dma_wait3A_119 = arith.constant 0 : i32
      %dma_wait3A_120 = arith.constant 0 : i32
      %dma_wait3A_121 = tpu.memref_slice %arg8[%dma_wait3A_119, %dma_wait3A_120] : memref<10240x8xf32, #tpu.memory_space<vmem_shared>> -> memref<10240x8xf32, #tpu.memory_space<vmem_shared>>
      %dma_wait3A_122 = tpu.memref_slice %arg9[%dma_wait3A_115] : memref<5x!tpu.dma_semaphore, #tpu.memory_space<semaphore_mem>> -> memref<1x!tpu.dma_semaphore, #tpu.memory_space<semaphore_mem>>
      %dma_wait3A_123 = tpu.memref_squeeze %dma_wait3A_122 : memref<1x!tpu.dma_semaphore, #tpu.memory_space<semaphore_mem>> -> memref<!tpu.dma_semaphore, #tpu.memory_space<semaphore_mem>>
      tpu.wait_indirect_dma semaphore(%dma_wait3A_123 : memref<!tpu.dma_semaphore, #tpu.memory_space<semaphore_mem>>) src(%arg7 : memref<80x8xf32, #tpu.memory_space<vmem>>) dst(%dma_wait3A_121 : memref<10240x8xf32, #tpu.memory_space<vmem_shared>>)
    }
    %scan3A_7 = arith.constant 25 : i32
    %barrier3A_8 = arith.constant 0 : index
    tpu.barrier barrier_id(%barrier3A_8)
    %mul3A_9 = arith.constant 640 : i32
    %mul3A_10 = arith.muli %arg1, %mul3A_9 : i32
    %mul3A_11 = arith.constant 640 : i32
    %mul3A_12 = arith.muli %arg1, %mul3A_11 : i32
    "tpu.region"() ({
      %run_scoped3A_13 = tpu.sem_alloc : memref<!tpu.dma_semaphore, #tpu.memory_space<semaphore_mem>>
      %dma_start3A = arith.constant 0 : i32
      %dma_start3A_14 = tpu.memref_slice %arg5[%arg0, %mul3A_12, %dma_start3A] : memref<2x10240x8xf32, #tpu.memory_space<hbm>> -> memref<1x640x8xf32, #tpu.memory_space<hbm>>
      %dma_start3A_15 = tpu.memref_squeeze %dma_start3A_14 : memref<1x640x8xf32, #tpu.memory_space<hbm>> -> memref<640x8xf32, #tpu.memory_space<hbm>>
      %dma_start3A_16 = arith.constant 0 : i32
      %dma_start3A_17 = tpu.memref_slice %arg8[%mul3A_10, %dma_start3A_16] : memref<10240x8xf32, #tpu.memory_space<vmem_shared>> -> memref<640x8xf32, #tpu.memory_space<vmem_shared>>
      tpu.enqueue_dma source(%dma_start3A_17 : memref<640x8xf32, #tpu.memory_space<vmem_shared>>) target(%dma_start3A_15 : memref<640x8xf32, #tpu.memory_space<hbm>>) target_semaphore(%run_scoped3A_13 : memref<!tpu.dma_semaphore, #tpu.memory_space<semaphore_mem>>)
      %dma_wait3A = arith.constant 0 : i32
      %dma_wait3A_18 = tpu.memref_slice %arg5[%arg0, %mul3A_12, %dma_wait3A] : memref<2x10240x8xf32, #tpu.memory_space<hbm>> -> memref<1x640x8xf32, #tpu.memory_space<hbm>>
      %dma_wait3A_19 = tpu.memref_squeeze %dma_wait3A_18 : memref<1x640x8xf32, #tpu.memory_space<hbm>> -> memref<640x8xf32, #tpu.memory_space<hbm>>
      %dma_wait3A_20 = arith.constant 0 : i32
      %dma_wait3A_21 = tpu.memref_slice %arg8[%mul3A_10, %dma_wait3A_20] : memref<10240x8xf32, #tpu.memory_space<vmem_shared>> -> memref<640x8xf32, #tpu.memory_space<vmem_shared>>
      tpu.wait_dma2 semaphore(%run_scoped3A_13 : memref<!tpu.dma_semaphore, #tpu.memory_space<semaphore_mem>>) src(%dma_wait3A_21 : memref<640x8xf32, #tpu.memory_space<vmem_shared>>) dst(%dma_wait3A_19 : memref<640x8xf32, #tpu.memory_space<hbm>>)
      tpu.yield
    }) : () -> ()
    return
  }
}

module attributes {stable_mosaic.version = 14 : i64} {
  func.func @_tc1a_body(%arg0: i32, %arg1: memref<5000x128xf32, #tpu.memory_space<vmem>>, %arg2: memref<128x128xf32, #tpu.memory_space<vmem>>, %arg3: memref<5000x128xbf16, #tpu.memory_space<vmem>>) attributes {dimension_semantics = [#tpu.dimension_semantics<arbitrary>], iteration_bounds = array<i64: 2>, scalar_prefetch = 0 : i64, scratch_operands = 0 : i64, tpu.core_type = #tpu.core_type<tc>, window_params = [{transform_indices = @transform_0, window_bounds = array<i64: 5000, 128>}, {pipeline_mode = #tpu.pipeline_mode<synchronous>, transform_indices = @transform_1, window_bounds = array<i64: 128, 128>}, {transform_indices = @transform_2, window_bounds = array<i64: 5000, 128>}]} {
    %get3A = arith.constant 0 : index
    %get3A_0 = arith.constant 0 : index
    %get3A_1 = vector.load %arg1[%get3A, %get3A_0] : memref<5000x128xf32, #tpu.memory_space<vmem>>, vector<5000x128xf32>
    %convert_element_type3A = arith.truncf %get3A_1 : vector<5000x128xf32> to vector<5000x128xbf16>
    %get3A_2 = arith.constant 0 : index
    %get3A_3 = arith.constant 0 : index
    %get3A_4 = vector.load %arg2[%get3A_2, %get3A_3] : memref<128x128xf32, #tpu.memory_space<vmem>>, vector<128x128xf32>
    %convert_element_type3A_5 = arith.truncf %get3A_4 : vector<128x128xf32> to vector<128x128xbf16>
    %dot_general3A = arith.constant dense<0.000000e+00> : vector<5000x128xf32>
    %dot_general3A_6 = tpu.matmul %convert_element_type3A, %convert_element_type3A_5, %dot_general3A {dimension_numbers = #tpu.dot_dimension_numbers<[1], [0], [0], [1], [0, 0, 1, 1], [], []>, transpose_lhs_hint = false} : vector<5000x128xbf16>, vector<128x128xbf16>, vector<5000x128xf32> -> vector<5000x128xf32>
    %convert_element_type3A_7 = arith.truncf %dot_general3A_6 : vector<5000x128xf32> to vector<5000x128xbf16>
    %swap3A = arith.constant 0 : index
    %swap3A_8 = arith.constant 0 : index
    %swap3A_9 = vector.load %arg3[%swap3A, %swap3A_8] : memref<5000x128xbf16, #tpu.memory_space<vmem>>, vector<5000x128xbf16>
    tpu.vector_store %arg3[%swap3A, %swap3A_8], %convert_element_type3A_7 {strides = array<i32>} : memref<5000x128xbf16, #tpu.memory_space<vmem>>, vector<5000x128xbf16>,
    return
  }
  func.func @transform_0(%arg0: i32) -> (i32, i32) {
    %c0_i32 = arith.constant 0 : i32
    %c0_i32_0 = arith.constant 0 : i32
    return %arg0, %c0_i32 : i32, i32
  }
  func.func @transform_1(%arg0: i32) -> (i32, i32) {
    %c0_i32 = arith.constant 0 : i32
    %c0_i32_0 = arith.constant 0 : i32
    %c0_i32_1 = arith.constant 0 : i32
    return %c0_i32, %c0_i32_0 : i32, i32
  }
  func.func @transform_2(%arg0: i32) -> (i32, i32) {
    %c0_i32 = arith.constant 0 : i32
    %c0_i32_0 = arith.constant 0 : i32
    return %arg0, %c0_i32 : i32, i32
  }
}

module attributes {stable_mosaic.version = 14 : i64} {
  func.func @_tc1b_body(%arg0: i32, %arg1: memref<5000x128xf32, #tpu.memory_space<vmem>>, %arg2: memref<128x128xf32, #tpu.memory_space<vmem>>, %arg3: memref<1x128xf32, #tpu.memory_space<vmem>>, %arg4: memref<5000x128xf32, #tpu.memory_space<vmem>>) attributes {dimension_semantics = [#tpu.dimension_semantics<arbitrary>], iteration_bounds = array<i64: 2>, scalar_prefetch = 0 : i64, scratch_operands = 0 : i64, tpu.core_type = #tpu.core_type<tc>, window_params = [{transform_indices = @transform_0, window_bounds = array<i64: 5000, 128>}, {pipeline_mode = #tpu.pipeline_mode<synchronous>, transform_indices = @transform_1, window_bounds = array<i64: 128, 128>}, {pipeline_mode = #tpu.pipeline_mode<synchronous>, transform_indices = @transform_2, window_bounds = array<i64: 1, 128>}, {transform_indices = @transform_3, window_bounds = array<i64: 5000, 128>}]} {
    %get3A = arith.constant 0 : index
    %get3A_0 = arith.constant 0 : index
    %get3A_1 = vector.load %arg1[%get3A, %get3A_0] : memref<5000x128xf32, #tpu.memory_space<vmem>>, vector<5000x128xf32>
    %convert_element_type3A = arith.truncf %get3A_1 : vector<5000x128xf32> to vector<5000x128xbf16>
    %get3A_2 = arith.constant 0 : index
    %get3A_3 = arith.constant 0 : index
    %get3A_4 = vector.load %arg2[%get3A_2, %get3A_3] : memref<128x128xf32, #tpu.memory_space<vmem>>, vector<128x128xf32>
    %convert_element_type3A_5 = arith.truncf %get3A_4 : vector<128x128xf32> to vector<128x128xbf16>
    %dot_general3A = arith.constant dense<0.000000e+00> : vector<5000x128xf32>
    %dot_general3A_6 = tpu.matmul %convert_element_type3A, %convert_element_type3A_5, %dot_general3A {dimension_numbers = #tpu.dot_dimension_numbers<[1], [0], [0], [1], [0, 0, 1, 1], [], []>, transpose_lhs_hint = false} : vector<5000x128xbf16>, vector<128x128xbf16>, vector<5000x128xf32> -> vector<5000x128xf32>
    %get3A_7 = arith.constant 0 : index
    %get3A_8 = arith.constant 0 : index
    %get3A_9 = vector.load %arg3[%get3A_7, %get3A_8] : memref<1x128xf32, #tpu.memory_space<vmem>>, vector<1x128xf32>
    %add3A = vector.broadcast %get3A_9 : vector<1x128xf32> to vector<5000x128xf32>
    %add3A_10 = arith.addf %dot_general3A_6, %add3A : vector<5000x128xf32>
    %swap3A = arith.constant 0 : index
    %swap3A_11 = arith.constant 0 : index
    %swap3A_12 = vector.load %arg4[%swap3A, %swap3A_11] : memref<5000x128xf32, #tpu.memory_space<vmem>>, vector<5000x128xf32>
    tpu.vector_store %arg4[%swap3A, %swap3A_11], %add3A_10 {strides = array<i32>} : memref<5000x128xf32, #tpu.memory_space<vmem>>, vector<5000x128xf32>,
    return
  }
  func.func @transform_0(%arg0: i32) -> (i32, i32) {
    %c0_i32 = arith.constant 0 : i32
    %c0_i32_0 = arith.constant 0 : i32
    return %arg0, %c0_i32 : i32, i32
  }
  func.func @transform_1(%arg0: i32) -> (i32, i32) {
    %c0_i32 = arith.constant 0 : i32
    %c0_i32_0 = arith.constant 0 : i32
    %c0_i32_1 = arith.constant 0 : i32
    return %c0_i32, %c0_i32_0 : i32, i32
  }
  func.func @transform_2(%arg0: i32) -> (i32, i32) {
    %c0_i32 = arith.constant 0 : i32
    %c0_i32_0 = arith.constant 0 : i32
    %c0_i32_1 = arith.constant 0 : i32
    return %c0_i32, %c0_i32_0 : i32, i32
  }
  func.func @transform_3(%arg0: i32) -> (i32, i32) {
    %c0_i32 = arith.constant 0 : i32
    %c0_i32_0 = arith.constant 0 : i32
    return %arg0, %c0_i32 : i32, i32
  }
}

module attributes {stable_mosaic.version = 14 : i64} {
  func.func @_tc2a_body(%arg0: i32, %arg1: memref<2x5000x128xbf16, #tpu.memory_space<vmem>>, %arg2: memref<2x5000x8xf32, #tpu.memory_space<vmem>>, %arg3: memref<5000x128xf32, #tpu.memory_space<vmem>>, %arg4: memref<1x128xf32, #tpu.memory_space<vmem>>, %arg5: memref<128x64xf32, #tpu.memory_space<vmem>>, %arg6: memref<5000x128xf32, #tpu.memory_space<vmem>>, %arg7: memref<5000x64xbf16, #tpu.memory_space<vmem>>) attributes {dimension_semantics = [#tpu.dimension_semantics<arbitrary>], iteration_bounds = array<i64: 2>, scalar_prefetch = 0 : i64, scratch_operands = 0 : i64, tpu.core_type = #tpu.core_type<tc>, window_params = [{transform_indices = @transform_0, window_bounds = array<i64: 2, 5000, 128>}, {transform_indices = @transform_1, window_bounds = array<i64: 2, 5000, 8>}, {transform_indices = @transform_2, window_bounds = array<i64: 5000, 128>}, {pipeline_mode = #tpu.pipeline_mode<synchronous>, transform_indices = @transform_3, window_bounds = array<i64: 1, 128>}, {pipeline_mode = #tpu.pipeline_mode<synchronous>, transform_indices = @transform_4, window_bounds = array<i64: 128, 64>}, {transform_indices = @transform_5, window_bounds = array<i64: 5000, 128>}, {transform_indices = @transform_6, window_bounds = array<i64: 5000, 64>}]} {
    %get3A = arith.constant 0 : index
    %get3A_0 = arith.constant 0 : index
    %get3A_1 = arith.constant 0 : index
    %get3A_2 = vector.load %arg1[%get3A, %get3A_0, %get3A_1] : memref<2x5000x128xbf16, #tpu.memory_space<vmem>>, vector<1x5000x128xbf16>
    %get3A_3 = vector.shape_cast %get3A_2 : vector<1x5000x128xbf16> to vector<5000x128xbf16>
    %convert_element_type3A = arith.extf %get3A_3 : vector<5000x128xbf16> to vector<5000x128xf32>
    %get3A_4 = arith.constant 1 : index
    %get3A_5 = arith.constant 0 : index
    %get3A_6 = arith.constant 0 : index
    %get3A_7 = vector.load %arg1[%get3A_4, %get3A_5, %get3A_6] : memref<2x5000x128xbf16, #tpu.memory_space<vmem>>, vector<1x5000x128xbf16>
    %get3A_8 = vector.shape_cast %get3A_7 : vector<1x5000x128xbf16> to vector<5000x128xbf16>
    %convert_element_type3A_9 = arith.extf %get3A_8 : vector<5000x128xbf16> to vector<5000x128xf32>
    %add3A = arith.addf %convert_element_type3A, %convert_element_type3A_9 : vector<5000x128xf32>
    %get3A_10 = arith.constant 0 : index
    %get3A_11 = arith.constant 0 : index
    %get3A_12 = arith.constant 0 : index
    %get3A_13 = vector.load %arg2[%get3A_10, %get3A_11, %get3A_12] : memref<2x5000x8xf32, #tpu.memory_space<vmem>>, vector<1x5000x8xf32>
    %get3A_14 = vector.shape_cast %get3A_13 : vector<1x5000x8xf32> to vector<5000x8xf32>
    %get3A_15 = arith.constant 1 : index
    %get3A_16 = arith.constant 0 : index
    %get3A_17 = arith.constant 0 : index
    %get3A_18 = vector.load %arg2[%get3A_15, %get3A_16, %get3A_17] : memref<2x5000x8xf32, #tpu.memory_space<vmem>>, vector<1x5000x8xf32>
    %get3A_19 = vector.shape_cast %get3A_18 : vector<1x5000x8xf32> to vector<5000x8xf32>
    %add3A_20 = arith.addf %get3A_14, %get3A_19 : vector<5000x8xf32>
    %slice3A = vector.extract_strided_slice %add3A_20 {offsets = [0, 0], sizes = [5000, 1], strides = [1, 1]} : vector<5000x8xf32> to vector<5000x1xf32>
    %max3A = arith.constant 1.000000e+00 : f32
    %max3A_21 = vector.broadcast %max3A : f32 to vector<5000x1xf32>
    %max3A_22 = arith.maximumf %slice3A, %max3A_21 : vector<5000x1xf32>
    %div3A = arith.constant 1.000000e+00 : f32
    %div3A_23 = vector.broadcast %div3A : f32 to vector<5000x1xf32>
    %div3A_24 = arith.divf %div3A_23, %max3A_22 : vector<5000x1xf32>
    %mul3A = vector.broadcast %div3A_24 : vector<5000x1xf32> to vector<5000x128xf32>
    %mul3A_25 = arith.mulf %add3A, %mul3A : vector<5000x128xf32>
    %get3A_26 = arith.constant 0 : index
    %get3A_27 = arith.constant 0 : index
    %get3A_28 = vector.load %arg4[%get3A_26, %get3A_27] : memref<1x128xf32, #tpu.memory_space<vmem>>, vector<1x128xf32>
    %add3A_29 = vector.broadcast %get3A_28 : vector<1x128xf32> to vector<5000x128xf32>
    %add3A_30 = arith.addf %mul3A_25, %add3A_29 : vector<5000x128xf32>
    %get3A_31 = arith.constant 0 : index
    %get3A_32 = arith.constant 0 : index
    %get3A_33 = vector.load %arg3[%get3A_31, %get3A_32] : memref<5000x128xf32, #tpu.memory_space<vmem>>, vector<5000x128xf32>
    %add3A_34 = arith.addf %add3A_30, %get3A_33 : vector<5000x128xf32>
    %max3A_35 = arith.constant 0.000000e+00 : f32
    %max3A_36 = vector.broadcast %max3A_35 : f32 to vector<5000x128xf32>
    %max3A_37 = arith.maximumf %add3A_34, %max3A_36 : vector<5000x128xf32>
    %swap3A = arith.constant 0 : index
    %swap3A_38 = arith.constant 0 : index
    %swap3A_39 = vector.load %arg6[%swap3A, %swap3A_38] : memref<5000x128xf32, #tpu.memory_space<vmem>>, vector<5000x128xf32>
    tpu.vector_store %arg6[%swap3A, %swap3A_38], %max3A_37 {strides = array<i32>} : memref<5000x128xf32, #tpu.memory_space<vmem>>, vector<5000x128xf32>,
    %convert_element_type3A_40 = arith.truncf %max3A_37 : vector<5000x128xf32> to vector<5000x128xbf16>
    %get3A_41 = arith.constant 0 : index
    %get3A_42 = arith.constant 0 : index
    %get3A_43 = vector.load %arg5[%get3A_41, %get3A_42] : memref<128x64xf32, #tpu.memory_space<vmem>>, vector<128x64xf32>
    %convert_element_type3A_44 = arith.truncf %get3A_43 : vector<128x64xf32> to vector<128x64xbf16>
    %dot_general3A = arith.constant dense<0.000000e+00> : vector<5000x64xf32>
    %dot_general3A_45 = tpu.matmul %convert_element_type3A_40, %convert_element_type3A_44, %dot_general3A {dimension_numbers = #tpu.dot_dimension_numbers<[1], [0], [0], [1], [0, 0, 1, 1], [], []>, transpose_lhs_hint = false} : vector<5000x128xbf16>, vector<128x64xbf16>, vector<5000x64xf32> -> vector<5000x64xf32>
    %convert_element_type3A_46 = arith.truncf %dot_general3A_45 : vector<5000x64xf32> to vector<5000x64xbf16>
    %swap3A_47 = arith.constant 0 : index
    %swap3A_48 = arith.constant 0 : index
    %swap3A_49 = vector.load %arg7[%swap3A_47, %swap3A_48] : memref<5000x64xbf16, #tpu.memory_space<vmem>>, vector<5000x64xbf16>
    tpu.vector_store %arg7[%swap3A_47, %swap3A_48], %convert_element_type3A_46 {strides = array<i32>} : memref<5000x64xbf16, #tpu.memory_space<vmem>>, vector<5000x64xbf16>,
    return
  }
  func.func @transform_0(%arg0: i32) -> (i32, i32, i32) {
    %c0_i32 = arith.constant 0 : i32
    %c0_i32_0 = arith.constant 0 : i32
    %c0_i32_1 = arith.constant 0 : i32
    return %c0_i32, %arg0, %c0_i32_0 : i32, i32, i32
  }
  func.func @transform_1(%arg0: i32) -> (i32, i32, i32) {
    %c0_i32 = arith.constant 0 : i32
    %c0_i32_0 = arith.constant 0 : i32
    %c0_i32_1 = arith.constant 0 : i32
    return %c0_i32, %arg0, %c0_i32_0 : i32, i32, i32
  }
  func.func @transform_2(%arg0: i32) -> (i32, i32) {
    %c0_i32 = arith.constant 0 : i32
    %c0_i32_0 = arith.constant 0 : i32
    return %arg0, %c0_i32 : i32, i32
  }
  func.func @transform_3(%arg0: i32) -> (i32, i32) {
    %c0_i32 = arith.constant 0 : i32
    %c0_i32_0 = arith.constant 0 : i32
    %c0_i32_1 = arith.constant 0 : i32
    return %c0_i32, %c0_i32_0 : i32, i32
  }
  func.func @transform_4(%arg0: i32) -> (i32, i32) {
    %c0_i32 = arith.constant 0 : i32
    %c0_i32_0 = arith.constant 0 : i32
    %c0_i32_1 = arith.constant 0 : i32
    return %c0_i32, %c0_i32_0 : i32, i32
  }
  func.func @transform_5(%arg0: i32) -> (i32, i32) {
    %c0_i32 = arith.constant 0 : i32
    %c0_i32_0 = arith.constant 0 : i32
    return %arg0, %c0_i32 : i32, i32
  }
  func.func @transform_6(%arg0: i32) -> (i32, i32) {
    %c0_i32 = arith.constant 0 : i32
    %c0_i32_0 = arith.constant 0 : i32
    return %arg0, %c0_i32 : i32, i32
  }
}

module attributes {stable_mosaic.version = 14 : i64} {
  func.func @_tc2b_body(%arg0: i32, %arg1: memref<5000x128xf32, #tpu.memory_space<vmem>>, %arg2: memref<2x5000x8xf32, #tpu.memory_space<vmem>>, %arg3: memref<128x64xf32, #tpu.memory_space<vmem>>, %arg4: memref<1x64xf32, #tpu.memory_space<vmem>>, %arg5: memref<5000x72xf32, #tpu.memory_space<vmem>>) attributes {dimension_semantics = [#tpu.dimension_semantics<arbitrary>], iteration_bounds = array<i64: 2>, scalar_prefetch = 0 : i64, scratch_operands = 0 : i64, tpu.core_type = #tpu.core_type<tc>, window_params = [{transform_indices = @transform_0, window_bounds = array<i64: 5000, 128>}, {transform_indices = @transform_1, window_bounds = array<i64: 2, 5000, 8>}, {pipeline_mode = #tpu.pipeline_mode<synchronous>, transform_indices = @transform_2, window_bounds = array<i64: 128, 64>}, {pipeline_mode = #tpu.pipeline_mode<synchronous>, transform_indices = @transform_3, window_bounds = array<i64: 1, 64>}, {transform_indices = @transform_4, window_bounds = array<i64: 5000, 72>}]} {
    %get3A = arith.constant 0 : index
    %get3A_0 = arith.constant 0 : index
    %get3A_1 = arith.constant 0 : index
    %get3A_2 = vector.load %arg2[%get3A, %get3A_0, %get3A_1] : memref<2x5000x8xf32, #tpu.memory_space<vmem>>, vector<1x5000x8xf32>
    %get3A_3 = vector.shape_cast %get3A_2 : vector<1x5000x8xf32> to vector<5000x8xf32>
    %get3A_4 = arith.constant 1 : index
    %get3A_5 = arith.constant 0 : index
    %get3A_6 = arith.constant 0 : index
    %get3A_7 = vector.load %arg2[%get3A_4, %get3A_5, %get3A_6] : memref<2x5000x8xf32, #tpu.memory_space<vmem>>, vector<1x5000x8xf32>
    %get3A_8 = vector.shape_cast %get3A_7 : vector<1x5000x8xf32> to vector<5000x8xf32>
    %add3A = arith.addf %get3A_3, %get3A_8 : vector<5000x8xf32>
    %slice3A = vector.extract_strided_slice %add3A {offsets = [0, 0], sizes = [5000, 1], strides = [1, 1]} : vector<5000x8xf32> to vector<5000x1xf32>
    %max3A = arith.constant 1.000000e+00 : f32
    %max3A_9 = vector.broadcast %max3A : f32 to vector<5000x1xf32>
    %max3A_10 = arith.maximumf %slice3A, %max3A_9 : vector<5000x1xf32>
    %div3A = arith.constant 1.000000e+00 : f32
    %div3A_11 = vector.broadcast %div3A : f32 to vector<5000x1xf32>
    %div3A_12 = arith.divf %div3A_11, %max3A_10 : vector<5000x1xf32>
    %get3A_13 = arith.constant 0 : index
    %get3A_14 = arith.constant 0 : index
    %get3A_15 = vector.load %arg1[%get3A_13, %get3A_14] : memref<5000x128xf32, #tpu.memory_space<vmem>>, vector<5000x128xf32>
    %convert_element_type3A = arith.truncf %get3A_15 : vector<5000x128xf32> to vector<5000x128xbf16>
    %get3A_16 = arith.constant 0 : index
    %get3A_17 = arith.constant 0 : index
    %get3A_18 = vector.load %arg3[%get3A_16, %get3A_17] : memref<128x64xf32, #tpu.memory_space<vmem>>, vector<128x64xf32>
    %convert_element_type3A_19 = arith.truncf %get3A_18 : vector<128x64xf32> to vector<128x64xbf16>
    %dot_general3A = arith.constant dense<0.000000e+00> : vector<5000x64xf32>
    %dot_general3A_20 = tpu.matmul %convert_element_type3A, %convert_element_type3A_19, %dot_general3A {dimension_numbers = #tpu.dot_dimension_numbers<[1], [0], [0], [1], [0, 0, 1, 1], [], []>, transpose_lhs_hint = false} : vector<5000x128xbf16>, vector<128x64xbf16>, vector<5000x64xf32> -> vector<5000x64xf32>
    %get3A_21 = arith.constant 0 : index
    %get3A_22 = arith.constant 0 : index
    %get3A_23 = vector.load %arg4[%get3A_21, %get3A_22] : memref<1x64xf32, #tpu.memory_space<vmem>>, vector<1x64xf32>
    %add3A_24 = vector.broadcast %get3A_23 : vector<1x64xf32> to vector<5000x64xf32>
    %add3A_25 = arith.addf %dot_general3A_20, %add3A_24 : vector<5000x64xf32>
    %broadcast_in_dim3A = arith.constant 0.000000e+00 : f32
    %broadcast_in_dim3A_26 = vector.broadcast %broadcast_in_dim3A : f32 to vector<5000x7xf32>
    %concatenate3A = tpu.concatenate %add3A_25, %div3A_12, %broadcast_in_dim3A_26 in 1 : vector<5000x64xf32>, vector<5000x1xf32>, vector<5000x7xf32> -> vector<5000x72xf32>
    %swap3A = arith.constant 0 : index
    %swap3A_27 = arith.constant 0 : index
    %swap3A_28 = vector.load %arg5[%swap3A, %swap3A_27] : memref<5000x72xf32, #tpu.memory_space<vmem>>, vector<5000x72xf32>
    tpu.vector_store %arg5[%swap3A, %swap3A_27], %concatenate3A {strides = array<i32>} : memref<5000x72xf32, #tpu.memory_space<vmem>>, vector<5000x72xf32>,
    return
  }
  func.func @transform_0(%arg0: i32) -> (i32, i32) {
    %c0_i32 = arith.constant 0 : i32
    %c0_i32_0 = arith.constant 0 : i32
    return %arg0, %c0_i32 : i32, i32
  }
  func.func @transform_1(%arg0: i32) -> (i32, i32, i32) {
    %c0_i32 = arith.constant 0 : i32
    %c0_i32_0 = arith.constant 0 : i32
    %c0_i32_1 = arith.constant 0 : i32
    return %c0_i32, %arg0, %c0_i32_0 : i32, i32, i32
  }
  func.func @transform_2(%arg0: i32) -> (i32, i32) {
    %c0_i32 = arith.constant 0 : i32
    %c0_i32_0 = arith.constant 0 : i32
    %c0_i32_1 = arith.constant 0 : i32
    return %c0_i32, %c0_i32_0 : i32, i32
  }
  func.func @transform_3(%arg0: i32) -> (i32, i32) {
    %c0_i32 = arith.constant 0 : i32
    %c0_i32_0 = arith.constant 0 : i32
    %c0_i32_1 = arith.constant 0 : i32
    return %c0_i32, %c0_i32_0 : i32, i32
  }
  func.func @transform_4(%arg0: i32) -> (i32, i32) {
    %c0_i32 = arith.constant 0 : i32
    %c0_i32_0 = arith.constant 0 : i32
    return %arg0, %c0_i32 : i32, i32
  }
}

module attributes {stable_mosaic.version = 14 : i64} {
  func.func @_tc3_body(%arg0: i32, %arg1: memref<2x5000x64xbf16, #tpu.memory_space<vmem>>, %arg2: memref<5000x72xf32, #tpu.memory_space<vmem>>, %arg3: memref<5000x1xi32, #tpu.memory_space<vmem>>, %arg4: memref<5000x1xf32, #tpu.memory_space<vmem>>, %arg5: memref<1x1xf32, #tpu.memory_space<vmem>>, %arg6: memref<1xf32, #tpu.memory_space<smem>>, %arg7: memref<1xf32, #tpu.memory_space<smem>>) attributes {dimension_semantics = [#tpu.dimension_semantics<arbitrary>], iteration_bounds = array<i64: 2>, scalar_prefetch = 0 : i64, scratch_operands = 2 : i64, tpu.core_type = #tpu.core_type<tc>, window_params = [{transform_indices = @transform_0, window_bounds = array<i64: 2, 5000, 64>}, {transform_indices = @transform_1, window_bounds = array<i64: 5000, 72>}, {transform_indices = @transform_2, window_bounds = array<i64: 5000, 1>}, {transform_indices = @transform_3, window_bounds = array<i64: 5000, 1>}, {pipeline_mode = #tpu.pipeline_mode<synchronous>, transform_indices = @transform_4, window_bounds = array<i64: 1, 1>}]} {
    %get3A = arith.constant 0 : index
    %get3A_0 = arith.constant 0 : index
    %get3A_1 = arith.constant 0 : index
    %get3A_2 = vector.load %arg1[%get3A, %get3A_0, %get3A_1] : memref<2x5000x64xbf16, #tpu.memory_space<vmem>>, vector<1x5000x64xbf16>
    %get3A_3 = vector.shape_cast %get3A_2 : vector<1x5000x64xbf16> to vector<5000x64xbf16>
    %convert_element_type3A = arith.extf %get3A_3 : vector<5000x64xbf16> to vector<5000x64xf32>
    %get3A_4 = arith.constant 1 : index
    %get3A_5 = arith.constant 0 : index
    %get3A_6 = arith.constant 0 : index
    %get3A_7 = vector.load %arg1[%get3A_4, %get3A_5, %get3A_6] : memref<2x5000x64xbf16, #tpu.memory_space<vmem>>, vector<1x5000x64xbf16>
    %get3A_8 = vector.shape_cast %get3A_7 : vector<1x5000x64xbf16> to vector<5000x64xbf16>
    %convert_element_type3A_9 = arith.extf %get3A_8 : vector<5000x64xbf16> to vector<5000x64xf32>
    %add3A = arith.addf %convert_element_type3A, %convert_element_type3A_9 : vector<5000x64xf32>
    %get3A_10 = arith.constant 0 : index
    %get3A_11 = arith.constant 0 : index
    %get3A_12 = vector.load %arg2[%get3A_10, %get3A_11] : memref<5000x72xf32, #tpu.memory_space<vmem>>, vector<5000x64xf32>
    %get3A_13 = arith.constant 0 : index
    %get3A_14 = arith.constant 64 : index
    %get3A_15 = vector.load %arg2[%get3A_13, %get3A_14] : memref<5000x72xf32, #tpu.memory_space<vmem>>, vector<5000x1xf32>
    %mul3A = vector.broadcast %get3A_15 : vector<5000x1xf32> to vector<5000x64xf32>
    %mul3A_16 = arith.mulf %add3A, %mul3A : vector<5000x64xf32>
    %add3A_17 = arith.addf %mul3A_16, %get3A_12 : vector<5000x64xf32>
    %reduce_max3A = arith.constant dense<0xFF800000> : vector<5000xf32>
    %reduce_max3A_18 = vector.multi_reduction <maximumf>, %add3A_17, %reduce_max3A [1] : vector<5000x64xf32> to vector<5000xf32>
    %broadcast_in_dim3A = vector.shape_cast %reduce_max3A_18 : vector<5000xf32> to vector<5000x1xf32>
    %sub3A = vector.broadcast %broadcast_in_dim3A : vector<5000x1xf32> to vector<5000x64xf32>
    %sub3A_19 = arith.subf %add3A_17, %sub3A : vector<5000x64xf32>
    %exp3A = math.exp %sub3A_19 : vector<5000x64xf32>
    %reduce_sum3A = arith.constant dense<0.000000e+00> : vector<5000xf32>
    %reduce_sum3A_20 = vector.multi_reduction <add>, %exp3A, %reduce_sum3A [1] : vector<5000x64xf32> to vector<5000xf32>
    %broadcast_in_dim3A_21 = vector.shape_cast %reduce_sum3A_20 : vector<5000xf32> to vector<5000x1xf32>
    %log3A = math.log %broadcast_in_dim3A_21 : vector<5000x1xf32>
    %sub3A_22 = vector.broadcast %broadcast_in_dim3A : vector<5000x1xf32> to vector<5000x64xf32>
    %sub3A_23 = arith.subf %add3A_17, %sub3A_22 : vector<5000x64xf32>
    %sub3A_24 = vector.broadcast %log3A : vector<5000x1xf32> to vector<5000x64xf32>
    %sub3A_25 = arith.subf %sub3A_23, %sub3A_24 : vector<5000x64xf32>
    %iota3A = tpu.iota {dimensions = array<i32: 1>} : vector<5000x64xi32>
    %get3A_26 = arith.constant 0 : index
    %get3A_27 = arith.constant 0 : index
    %get3A_28 = vector.load %arg3[%get3A_26, %get3A_27] : memref<5000x1xi32, #tpu.memory_space<vmem>>, vector<5000x1xi32>
    %eq3A = vector.broadcast %get3A_28 : vector<5000x1xi32> to vector<5000x64xi32>
    %eq3A_29 = arith.cmpi eq, %iota3A, %eq3A : vector<5000x64xi32>
    %convert_element_type3A_30 = arith.extui %eq3A_29 : vector<5000x64xi1> to vector<5000x64xi32>
    %convert_element_type3A_31 = arith.sitofp %convert_element_type3A_30 : vector<5000x64xi32> to vector<5000x64xf32>
    %mul3A_32 = arith.mulf %sub3A_25, %convert_element_type3A_31 : vector<5000x64xf32>
    %reduce_sum3A_33 = arith.constant dense<0.000000e+00> : vector<5000xf32>
    %reduce_sum3A_34 = vector.multi_reduction <add>, %mul3A_32, %reduce_sum3A_33 [1] : vector<5000x64xf32> to vector<5000xf32>
    %broadcast_in_dim3A_35 = vector.shape_cast %reduce_sum3A_34 : vector<5000xf32> to vector<5000x1xf32>
    %get3A_36 = arith.constant 0 : index
    %get3A_37 = arith.constant 0 : index
    %get3A_38 = vector.load %arg4[%get3A_36, %get3A_37] : memref<5000x1xf32, #tpu.memory_space<vmem>>, vector<5000x1xf32>
    %mul3A_39 = arith.mulf %broadcast_in_dim3A_35, %get3A_38 : vector<5000x1xf32>
    %reduce_sum3A_40 = vector.shape_cast %mul3A_39 : vector<5000x1xf32> to vector<1x5000x1xf32>
    %reduce_sum3A_41 = arith.constant dense<0.000000e+00> : vector<1xf32>
    %reduce_sum3A_42 = vector.multi_reduction <add>, %reduce_sum3A_40, %reduce_sum3A_41 [1, 2] : vector<1x5000x1xf32> to vector<1xf32>
    %reduce_sum3A_43 = vector.shape_cast %reduce_sum3A_42 : vector<1xf32> to vector<1x1x1xf32>
    %reduce_sum3A_44 = vector.extract %reduce_sum3A_43[0, 0, 0] : f32 from vector<1x1x1xf32>
    %reduce_sum3A_45 = vector.shape_cast %get3A_38 : vector<5000x1xf32> to vector<1x5000x1xf32>
    %reduce_sum3A_46 = arith.constant dense<0.000000e+00> : vector<1xf32>
    %reduce_sum3A_47 = vector.multi_reduction <add>, %reduce_sum3A_45, %reduce_sum3A_46 [1, 2] : vector<1x5000x1xf32> to vector<1xf32>
    %reduce_sum3A_48 = vector.shape_cast %reduce_sum3A_47 : vector<1xf32> to vector<1x1x1xf32>
    %reduce_sum3A_49 = vector.extract %reduce_sum3A_48[0, 0, 0] : f32 from vector<1x1x1xf32>
    %eq3A_50 = arith.constant 0 : i32
    %eq3A_51 = arith.cmpi eq, %arg0, %eq3A_50 : i32
    %convert_element_type3A_52 = arith.extui %eq3A_51 : i1 to i32
    %cond3A = arith.constant 0 : i32
    %cond3A_53 = arith.cmpi ne, %convert_element_type3A_52, %cond3A : i32
    scf.if %cond3A_53 {
      %swap3A = arith.constant 0 : index
      %swap3A_63 = memref.load %arg6[%swap3A] : memref<1xf32, #tpu.memory_space<smem>>
      memref.store %reduce_sum3A_44, %arg6[%swap3A] : memref<1xf32, #tpu.memory_space<smem>>
      %swap3A_64 = arith.constant 0 : index
      %swap3A_65 = memref.load %arg7[%swap3A_64] : memref<1xf32, #tpu.memory_space<smem>>
      memref.store %reduce_sum3A_49, %arg7[%swap3A_64] : memref<1xf32, #tpu.memory_space<smem>>
    } else {
    }
    %gt3A = arith.constant 0 : i32
    %gt3A_54 = arith.cmpi sgt, %arg0, %gt3A : i32
    %convert_element_type3A_55 = arith.extui %gt3A_54 : i1 to i32
    %cond3A_56 = arith.constant 0 : i32
    %cond3A_57 = arith.cmpi ne, %convert_element_type3A_55, %cond3A_56 : i32
    scf.if %cond3A_57 {
      %get3A_63 = arith.constant 0 : index
      %get3A_64 = memref.load %arg6[%get3A_63] : memref<1xf32, #tpu.memory_space<smem>>
      %add3A_65 = arith.addf %get3A_64, %reduce_sum3A_44 : f32
      %swap3A = arith.constant 0 : index
      %swap3A_66 = memref.load %arg6[%swap3A] : memref<1xf32, #tpu.memory_space<smem>>
      memref.store %add3A_65, %arg6[%swap3A] : memref<1xf32, #tpu.memory_space<smem>>
      %get3A_67 = arith.constant 0 : index
      %get3A_68 = memref.load %arg7[%get3A_67] : memref<1xf32, #tpu.memory_space<smem>>
      %add3A_69 = arith.addf %get3A_68, %reduce_sum3A_49 : f32
      %swap3A_70 = arith.constant 0 : index
      %swap3A_71 = memref.load %arg7[%swap3A_70] : memref<1xf32, #tpu.memory_space<smem>>
      memref.store %add3A_69, %arg7[%swap3A_70] : memref<1xf32, #tpu.memory_space<smem>>
    } else {
    }
    %eq3A_58 = arith.constant 1 : i32
    %eq3A_59 = arith.cmpi eq, %arg0, %eq3A_58 : i32
    %convert_element_type3A_60 = arith.extui %eq3A_59 : i1 to i32
    %cond3A_61 = arith.constant 0 : i32
    %cond3A_62 = arith.cmpi ne, %convert_element_type3A_60, %cond3A_61 : i32
    scf.if %cond3A_62 {
      %get3A_63 = arith.constant 0 : index
      %get3A_64 = memref.load %arg6[%get3A_63] : memref<1xf32, #tpu.memory_space<smem>>
      %neg3A = arith.constant 0.000000e+00 : f32
      %neg3A_65 = arith.subf %neg3A, %get3A_64 : f32
      %get3A_66 = arith.constant 0 : index
      %get3A_67 = memref.load %arg7[%get3A_66] : memref<1xf32, #tpu.memory_space<smem>>
      %max3A = arith.constant 1.000000e+00 : f32
      %max3A_68 = arith.maximumf %get3A_67, %max3A : f32
      %div3A = arith.divf %neg3A_65, %max3A_68 : f32
      %broadcast_in_dim3A_69 = vector.broadcast %div3A : f32 to vector<1x1xf32>
      %swap3A = arith.constant 0 : index
      %swap3A_70 = arith.constant 0 : index
      %swap3A_71 = vector.load %arg5[%swap3A, %swap3A_70] : memref<1x1xf32, #tpu.memory_space<vmem>>, vector<1x1xf32>
      tpu.vector_store %arg5[%swap3A, %swap3A_70], %broadcast_in_dim3A_69 {strides = array<i32>} : memref<1x1xf32, #tpu.memory_space<vmem>>, vector<1x1xf32>,
    } else {
    }
    return
  }
  func.func @transform_0(%arg0: i32) -> (i32, i32, i32) {
    %c0_i32 = arith.constant 0 : i32
    %c0_i32_0 = arith.constant 0 : i32
    %c0_i32_1 = arith.constant 0 : i32
    return %c0_i32, %arg0, %c0_i32_0 : i32, i32, i32
  }
  func.func @transform_1(%arg0: i32) -> (i32, i32) {
    %c0_i32 = arith.constant 0 : i32
    %c0_i32_0 = arith.constant 0 : i32
    return %arg0, %c0_i32 : i32, i32
  }
  func.func @transform_2(%arg0: i32) -> (i32, i32) {
    %c0_i32 = arith.constant 0 : i32
    %c0_i32_0 = arith.constant 0 : i32
    return %arg0, %c0_i32 : i32, i32
  }
  func.func @transform_3(%arg0: i32) -> (i32, i32) {
    %c0_i32 = arith.constant 0 : i32
    %c0_i32_0 = arith.constant 0 : i32
    return %arg0, %c0_i32 : i32, i32
  }
  func.func @transform_4(%arg0: i32) -> (i32, i32) {
    %c0_i32 = arith.constant 0 : i32
    %c0_i32_0 = arith.constant 0 : i32
    %c0_i32_1 = arith.constant 0 : i32
    return %c0_i32, %c0_i32_0 : i32, i32
  }
}

</mosaic_0001>

<sc_bundles>
// kernel: kernel.10.cloned.1.call-start
scs
__scs_entry_jumppad:
0x0: {  	(pc) =	sbr.rel $0x88, $3  }
0x1: {  	(tag) =	ssettag $0x0;
	lr =	simm.s32 $0x1  }
0x2: {  	[smem:$0x3F95] =	sst lr;
	_ =	strace $0xD0000000  }
0x3: {  	_ = 	snop  }
0x4: {  	_ = 	snop  }
0x5: {  	_ = 	snop  }
0x6: {  	_ = 	snop  }
0x7: {  	_ = 	snop  }
__scs_overlays_trampoline_lowered:
0x8: {  	[smem:$0x3FA4] =	sst s0  }
0x9: {  	[smem:$0x3FA5] =	sst s1  }
0xa: {  	[smem:$0x3FA6] =	sst s2  }
0xb: {  	[smem:$0x3FA7] =	sst s3  }
0xc: {  	[smem:$0x3FA8] =	sst s4  }
0xd: {  	[smem:$0x3FA9] =	sst s5  }
0xe: {  	[smem:$0x3FAA] =	sst s6  }
0xf: {  	[smem:$0x3FAB] =	sst s7  }
0x10: {  	[smem:$0x3FAC] =	sst s8  }
0x11: {  	[smem:$0x3FAD] =	sst s9;
	s0 =	simm.s32 @!p0 $0x0  }
0x12: {  	s1 =	sld [smem:$0x3F93];
	s0 =	simm.s32 @p0 $0x1  }
0x13: {  	[smem:$0x3FAE] =	sst s0;
	s0 =	simm.s32 @!p1 $0x0  }
0x14: {  	s2 =	sld [smem:$0x3F92];
	s0 =	simm.s32 @p1 $0x1  }
0x15: {  	[smem:$0x3FAF] =	sst s0;
	s0 =	simm.s32 @!p2 $0x0  }
0x16: {  	s3 =	sld [smem:$0x3FDB];
	s0 =	simm.s32 @p2 $0x1  }
0x17: {  	s4 =	simm.s32 $0x1BF5;
	[smem:$0x3FB1] =	sst s0  }
0x18: {  	s0 =	sld [smem:$0x3F94];
	_ =	swait.ge [sflag:s4], $0x0  }
0x19: {  	s7 =	sld [smem:$0x3F95]  }
0x1a: {  	s8 =	sadd.s32 $0xFFFFE003, lr  }
0x1b: {  	s9 =	sadd.s32 $0xFFFFFEF7, lr;
	s5 =	simm.s32 $0xFFFFFFFF;
	p2 =	slt.u32 s8, $0xFFFFF086  }
0x1c: {  	p1 =	slt.u32 s9, $0xF7A;
	s5 =	simm.s32 @!p2 $0x0  }
0x1d: {  	s5 =	simm.s32 @p1 $0x1;
	p0 =	seq.s32 s7, s2  }
0x1e: {  	s7 =	smul.u32 @!p0 $0xF7A, s2;
	p2 =	seq.s32 @!p0 s5, $0x0  }
0x1f: {  	s9 =	smul.u32 $0xF7A, s1;
	s8 =	simm.s32 @!p0 $0x1BF5;
	p2 =	por !p2, p0  }
0x20: {  	[sflag:s8] =	ssyncset.s32 @!p0 $0xFFFFF086;
	s6 =	sadd.s32 @!p0 s3, s7;
	s7 =	simm.s32 @!p0 $0x108  }
0x21: {  	s3 =	sadd.s32 s3, s9;
	s6 =	sadd.s32 @!p0 $0x88, s6;
	s7 =	simm.s32 @p2 $0x1082  }
0x22: {  	[simem:s7], [sflag:s8] =	dma.local @!p0 [hbm:s6], $0xF7A  }
0x23: {  	s9 =	sor.u32 $0xD0000000, s2;
	s6 =	simm.s32 $0x108;
	_ =	swait.ge @!p0 [sflag:s8], $0x0  }
0x24: {  	s3 =	sadd.s32 $0x88, s3;
	s6 =	simm.s32 @!p1 $0x1082;
	[sflag:s4] =	ssyncset.s32 $0xFFFFF086  }
0x25: {  	[simem:s6], [sflag:s4] =	dma.local [hbm:s3], $0xF7A  }
0x26: {  	[smem:$0x3F95] =	sst s1;
	(tag) =	ssettag s2;
	_ =	strace s9  }
0x27: {  	s1 =	sld [smem:$0x3FA5]  }
0x28: {  	s2 =	sld [smem:$0x3FA6]  }
0x29: {  	s4 =	sld [smem:$0x3FA8]  }
0x2a: {  	p0 =	seq.s32 s5, $0x0;
	s5 =	sld [smem:$0x3FA9]  }
0x2b: {  	s6 =	sld [smem:$0x3FAA]  }
0x2c: {  	s7 =	sld [smem:$0x3FAB]  }
0x2d: {  	s3 =	simm.s32 $0x108;
	s8 =	sld [smem:$0x3FAC]  }
0x2e: {  	s3 =	simm.s32 @!p0 $0x1082;
	s9 =	sld [smem:$0x3FAD]  }
0x2f: {  	lr =	sadd.s32 s0, s3;
	s0 =	sld [smem:$0x3FA4]  }
0x30: {  	s3 =	sld [smem:$0x3FA7]  }
0x31: {  	[smem:$0x3FB0] =	sst s10  }
0x32: {  	s10 =	sld [smem:$0x3FAE];
	_ =	sdelay $0x3  }
0x33: {  	p0 =	seq.s32 s10, $0x1;
	s10 =	sld [smem:$0x3FB0];
	_ =	sdelay $0x3  }
0x34: {  	[smem:$0x3FB0] =	sst s10  }
0x35: {  	s10 =	sld [smem:$0x3FAF];
	_ =	sdelay $0x3  }
0x36: {  	p1 =	seq.s32 s10, $0x1;
	s10 =	sld [smem:$0x3FB0];
	_ =	sdelay $0x3  }
0x37: {  	[smem:$0x3FB0] =	sst s10  }
0x38: {  	s10 =	sld [smem:$0x3FB1]  }
0x39: {  	_ = 	snop;
	(pc) =	sbr.ind lr, $3  }
0x3a: {  	_ = 	snop  }
0x3b: {  	_ = 	snop  }
0x3c: {  	p2 =	seq.s32 s10, $0x1;
	s10 =	sld [smem:$0x3FB0]  }
0x3d: {  	_ =	shalt  }
0x3e: {  	_ =	shalt  }
0x3f: {  	_ =	shalt  }
0x40: {  	_ =	shalt  }
0x41: {  	_ =	shalt  }
0x42: {  	_ =	shalt  }
0x43: {  	_ =	shalt  }
0x44: {  	_ =	shalt  }
0x45: {  	_ =	shalt  }
0x46: {  	_ =	shalt  }
0x47: {  	_ =	shalt  }
0x48: {  	_ =	shalt  }
0x49: {  	_ =	shalt  }
0x4a: {  	_ =	shalt  }
0x4b: {  	_ =	shalt  }
0x4c: {  	_ =	shalt  }
0x4d: {  	_ =	shalt  }
0x4e: {  	_ =	shalt  }
0x4f: {  	_ =	shalt  }
0x50: {  	_ =	shalt  }
0x51: {  	_ =	shalt  }
0x52: {  	_ =	shalt  }
0x53: {  	_ =	shalt  }
0x54: {  	_ =	shalt  }
0x55: {  	_ =	shalt  }
0x56: {  	_ =	shalt  }
0x57: {  	_ =	shalt  }
0x58: {  	_ =	shalt  }
0x59: {  	_ =	shalt  }
0x5a: {  	_ =	shalt  }
0x5b: {  	_ =	shalt  }
0x5c: {  	_ =	shalt  }
0x5d: {  	_ =	shalt  }
0x5e: {  	_ =	shalt  }
0x5f: {  	_ =	shalt  }
0x60: {  	_ =	shalt  }
0x61: {  	_ =	shalt  }
0x62: {  	_ =	shalt  }
0x63: {  	_ =	shalt  }
0x64: {  	_ =	shalt  }
0x65: {  	_ =	shalt  }
0x66: {  	_ =	shalt  }
0x67: {  	_ =	shalt  }
0x68: {  	_ =	shalt  }
0x69: {  	_ =	shalt  }
0x6a: {  	_ =	shalt  }
0x6b: {  	_ =	shalt  }
0x6c: {  	_ =	shalt  }
0x6d: {  	_ =	shalt  }
0x6e: {  	_ =	shalt  }
0x6f: {  	_ =	shalt  }
0x70: {  	_ =	shalt  }
0x71: {  	_ =	shalt  }
0x72: {  	_ =	shalt  }
0x73: {  	_ =	shalt  }
0x74: {  	_ =	shalt  }
0x75: {  	_ =	shalt  }
0x76: {  	_ =	shalt  }
0x77: {  	_ =	shalt  }
0x78: {  	_ =	shalt  }
0x79: {  	_ =	shalt  }
0x7a: {  	_ =	shalt  }
0x7b: {  	_ =	shalt  }
0x7c: {  	_ =	shalt  }
0x7d: {  	_ =	shalt  }
0x7e: {  	_ =	shalt  }
0x7f: {  	_ =	shalt  }
0x80: {  	_ =	shalt  }
0x81: {  	_ =	shalt  }
0x82: {  	_ =	shalt  }
0x83: {  	_ =	shalt  }
0x84: {  	_ =	shalt  }
0x85: {  	_ =	shalt  }
0x86: {  	_ =	shalt  }
0x87: {  	_ =	shalt  }
.Lfunc_end0:
.L_simem_size_0:
called_computation_lowered:
.L_overlay_start_0:
0x88: {  	s2 =	sld [smem:$0x3FD9]  }
0x89: {  	s3 =	sld [smem:$0x3FFE];
	_ =	sdelay $0x1  }
0x8a: {  	s1 =	srdreg.scid  }
0x8b: {  	s0 =	sand.u32 $0x1, s1  }
0x8c: {  	s17 =	sshll.u32 s0, $0xA;
	s2 =	sadd.s32 s3, s2  }
0x8d: {  	s2 =	sadd.s32 s2, s17  }
0x8e: {  	[smem:$0x3FBC] =	sst s2  }
0x8f: {  	_ = 	snop  }
0x90: {  	(tm) =	ssettm $0x1  }
0x91: {  	s18 =	sld [smem:$0x3FFB];
	_ =	sdelay $0x3  }
0x92: {  	_ =	strace s18  }
0x93: {  	s2 =	sld [smem:$0x3FFC];
	_ =	sdelay $0x3  }
0x94: {  	_ =	strace s2  }
0x95: {  	s2 =	sld [smem:$0x3FFD];
	_ =	sdelay $0x3  }
0x96: {  	_ =	strace s2  }
0x97: {  	_ =	strace $0x8FFFFFFF  }
0x98: {  	s19 =	sld [smem:$0x3FDB];
	_ =	sdelay $0x1  }
0x99: {  	s20 =	simm.s32 $_scs_section_size  }
0x9a: {  	s4 =	simm.s32 $_size__tile_overlayer_lowered;
	s5 =	simm.s32 $_tile_overlayer_lowered  }
0x9b: {  	s6 =	simm.s32 $0x1BFF;
	s21 =	sshll.u32 s5, $0x1;
	s3 =	sadd.s32 s20, s19  }
0x9c: {  	s22 =	simm.s32 $0x0;
	s4 =	sshll.u32 s4, $0x1;
	s5 =	sadd.s32 s21, s3  }
0x9d: {  	[timem:s22], [sflag:s6] =	dma.local [hbm:s5], s4  }
0x9e: {  	_ =	swait.ge [sflag:s6], s4  }
0x9f: {  	s4 =	ssub.s32 $0x0, s4;
	[sflag:s6] =	ssyncset.done $0x0  }
0xa0: {  	[sflag:s6] =	ssyncadd.s32 s4;
	_ =	sdelay $0x1  }
0xa1: {  	s23 =	simm.s32 $0x1B8B  }
0xa2: {  	_ =	swait.ge [sflag:s23], $0x1  }
0xa3: {  	[sflag:s23] =	ssyncset.done $0x0  }
0xa4: {  	[sflag:s23] =	ssyncadd.s32 $0xFFFFFFFF  }
0xa5: {  	s4 =	sld [smem:$0x0]  }
0xa6: {  	s5 =	sand.u32 $0xFFFFFFFE, s1  }
0xa7: {  	p0 =	sne.s32 s1, s5  }
0xa8: {  	s5 =	sshll.u32 @p0 s5, $0xE  }
0xa9: {  	s5 =	sadd.s32 @p0 $0x11B8D, s5;
	s6 =	sshll.u32 @p0 s4, $0x11  }
0xaa: {  	s5 =	sor.u32 @p0 s6, s5  }
0xab: {  	[sflag:s5] =	ssyncadd.remote.s32 @p0 $0x1;
	_ =	sdelay $0x1  }
0xac: {  	s5 =	simm.s32 @p0 $0x1B8D  }
0xad: {  	_ =	swait.eq @p0 [sflag:s5], $0x1  }
0xae: {  	[sflag:s5] =	ssyncadd.s32 @p0 $0xFFFFFFFF  }
0xaf: {  	s6 =	sshll.u32 @!p0 s1, $0xE  }
0xb0: {  	s6 =	sor.u32 @!p0 $0x4000, s6;
	s5 =	simm.s32 @!p0 $0x1B8D  }
0xb1: {  	s4 =	sshll.u32 @!p0 s4, $0x11;
	s6 =	sadd.s32 @!p0 $0x11B8D, s6;
	_ =	swait.eq @!p0 [sflag:s5], $0x1  }
0xb2: {  	s4 =	sor.u32 @!p0 s4, s6;
	[sflag:s5] =	ssyncadd.s32 @!p0 $0xFFFFFFFF  }
0xb3: {  	s25 =	simm.s32 $0x1B8E;
	s24 =	sld [smem:$0x3FFE];
	[sflag:s4] =	ssyncadd.remote.s32 @!p0 $0x1  }
0xb4: {  	s26 =	simm.s32 $execute0_lowered;
	[smem:$0x3FD2] =	sst s25  }
0xb5: {  	s5 =	sshll.u32 s26, $0x1;
	_ =	strace $0x80000049;
	[dreg:$0x1] =	wrdreg $0xFFFFFFFF  }
0xb6: {  	s28 =	simm.s32 $_size_execute0_lowered;
	s3 =	sadd.s32 s3, s5;
	[dreg:$0x0] =	wrdreg $0x0  }
0xb7: {  	s5 =	sshll.u32 s28, $0x1;
	[dreg:$0x2] =	wrdreg s3  }
0xb8: {  	[dreg:$0x3] =	wrdreg s5  }
0xb9: {  	[dreg:$0x4] =	wrdreg $0xC0  }
0xba: {  	_ =	task [dreg:s22], $0x5FFFF  }
0xbb: {  	[dreg:$0x1] =	wrdreg $0xFFFFFFFF  }
0xbc: {  	[dreg:$0x0] =	wrdreg $0x60  }
0xbd: {  	[dreg:$0x2] =	wrdreg s24  }
0xbe: {  	[dreg:$0x3] =	wrdreg $0x29900  }
0xbf: {  	[dreg:$0x4] =	wrdreg $0x9  }
0xc0: {  	_ =	task.clear_ibuf [dreg:s22], $0x5FFFF;
	_ =	strace $0x90000049  }
0xc1: {  	s29 =	simm.s32 $0x9;
	_ =	strace $0x8000004B  }
0xc2: {  	_ =	swait.ge [sflag:s29], $0x1  }
0xc3: {  	[sflag:s29] =	ssyncadd.s32 $0xFFFFFFFF  }
0xc4: {  	_ =	strace $0x9000004B  }
0xc5: {  	_ =	sfence  }
0xc6: {  	s30 =	sld [smem:$0x0];
	_ =	sdelay $0x2  }
0xc7: {  	s31 =	sshll.u32 s1, $0xD;
	s1 =	sshrl.u32 s1, $0x2  }
0xc8: {  	s4 =	sand.u32 $0x4000, s31;
	s1 =	sadd.s32 s1, s30  }
0xc9: {  	s0 =	sor.u32 s4, s0;
	s1 =	sshll.u32 s1, $0x11  }
0xca: {  	s0 =	sor.u32 s1, s0  }
0xcb: {  	s0 =	sadd.s32 $0x8F2B, s0  }
0xcc: {  	[sflag:s0] =	ssyncadd.remote.s32 $0x1  }
0xcd: {  	_ =	sfence.sel $0xFFFF  }
0xce: {  	[dreg:$0x0] =	wrdreg $0xFFFFFFFF;
	(pc) =	sbr.abs _section_cstart, $3  }
0xcf: {  	[dreg:$0x1] =	wrdreg $0xFFFFFFFF  }
0xd0: {  	_ =	task.clear_ibuf [dreg:s22], $0x2FFFF;
	_ =	strace $0x9FFFFFFF  }
0xd1: {  	(tm) =	ssettm $0x7FFFFFFF  }
tec
execute0_lowered:
.L_overlay_start_1:
0x0: {  	(tag) =	ssettag $0x1  }
0x1: {  	s6 =	rddreg [dreg:$0x0];
	s0 =	srdreg.scid  }
0x2: {  	s2 =	rddreg [dreg:$0x1];
	s1 =	stileid.u32  }
0x3: {  	s3 =	simm.s32 $0x0;
	s13 =	simm.s32 $0x50;
	s14 =	simm.s32 $0x1  }
0x4: {  	s15 =	simm.s32 $0x2;
	s16 =	simm.s32 $0x3;
	s17 =	simm.s32 $0x4  }
0x5: {  	s18 =	simm.s32 $0x5;
	s7 =	sand.u32 $0x1, s0;
	s0 =	rddreg [dreg:$0x2]  }
0x6: {  	s19 =	simm.s32 $0x0;
	s8 =	smul.u32 $0x1400, s1;
	[smem:$0x7FF] =	sst s3  }
0x7: {  	s5 =	sadd.s32 $0x54200, s6;
	s31 =	sshll.u32 s1, $0x6;
	s4 =	sshll.u32 s7, $0x4  }
0x8: {  	s9 =	smul.u32 $0x14000, s7;
	_ =	strace $0x8000004A;
	s7 =	ssub.s32 $0x2, s7  }
0x9: {  	s4 =	sor.u32 s1, s4;
	s11 =	sshrl.u32 s7, $0x1;
	s12 =	sadd.s32 s8, s2  }
0xa: {  	s10 =	smul.u32 $0x2710, s4;
	s4 =	sadd.s32 $0x54600, s6;
	s9 =	sadd.s32 s8, s9  }
0xb: {  	s11 =	ssub.s32 s7, s11;
	s12 =	sshrl.u32 s12, $0x3;
	s9 =	sshrl.u32 s9, $0x3  }
0xc: {  	s8 =	smax.u32 s11, $0x1;
	s10 =	sshrl.u32 s10, $0x3;
	s9 =	sadd.s32 s9, s6  }
0xd: {  	s11 =	sor.u32 $0x1C06, s31;
	s10 =	sadd.s32 s6, s10;
	s7 =	sadd.s32 $0x54800, s9  }
0xe: {  	s9 =	simm.s32 $0x6;
	s6 =	sadd.s32 $0xD640, s10;
	s10 =	simm.s32 $0x2710  }
.LBB2_1:
0xf: {  	[tilespmem:s3], [sflag:$0x6] =	stream.linear.gather [hbm4b:s6+s3], $0x2710, $0x38;
	[tilespmem:$0x3D90] =	vst v63  }
0x10: {  	_ =	swait.ge [sflag:s9], $0x2710  }
0x11: {  	[sflag:s9] =	ssyncset.done $0x0  }
0x12: {  	[sflag:s9] =	ssyncadd.s32 $0xFFFFD8F0  }
0x13: {  	[tilespmem:s10], [sflag:$0x6] =	stream.linear.gather [hbm4b:s4+s3], $0x280, $0x38;
	[tilespmem:$0x3D90] =	vst v63  }
0x14: {  	_ =	swait.ge [sflag:s9], $0x280  }
0x15: {  	[sflag:s9] =	ssyncset.done $0x0  }
0x16: {  	[sflag:s9] =	ssyncadd.s32 $0xFFFFFD80  }
0x17: {  	[spmem:s12], [sflag:s11] =	dma.local [hbm:s5], $0x280  }
0x18: {  	_ =	swait.ge [sflag:s9], $0x280  }
0x19: {  	[sflag:s9] =	ssyncset.done $0x0  }
0x1a: {  	[sflag:s9] =	ssyncadd.s32 $0xFFFFFD80  }
0x1b: {  	s20 =	simm.s32 $0x0;
	[bflag:$0x0] =	sbarrier.arrive $0xFFFF  }
0x1c: {  	[spmem:s2] =	stream.indirect.scatter.add.f32 [tilespmem:s10], [sflag:$0x1], $0x8, s20, s13, $0xb8;
	[tilespmem:$0x3D90] =	vst v63  }
0x1d: {  	s28 =	simm.s32 $0x50  }
0x1e: {  	[spmem:s2] =	stream.indirect.scatter.add.f32 [tilespmem:s10], [sflag:$0x2], $0x8, s28, s13, $0xb8;
	[tilespmem:$0x3D90] =	vst v63  }
0x1f: {  	s29 =	simm.s32 $0xA0  }
0x20: {  	[spmem:s2] =	stream.indirect.scatter.add.f32 [tilespmem:s10], [sflag:$0x3], $0x8, s29, s13, $0xb8;
	[tilespmem:$0x3D90] =	vst v63  }
0x21: {  	s30 =	simm.s32 $0xF0  }
0x22: {  	[spmem:s2] =	stream.indirect.scatter.add.f32 [tilespmem:s10], [sflag:$0x4], $0x8, s30, s13, $0xb8;
	[tilespmem:$0x3D90] =	vst v63  }
0x23: {  	s31 =	simm.s32 $0x140  }
0x24: {  	[spmem:s2] =	stream.indirect.scatter.add.f32 [tilespmem:s10], [sflag:$0x5], $0x8, s31, s13, $0xb8;
	[tilespmem:$0x3D90] =	vst v63  }
0x25: {  	_ =	swait.ge [sflag:s14], $0x280  }
0x26: {  	[sflag:s14] =	ssyncset.done $0x0  }
0x27: {  	[sflag:s14] =	ssyncadd.s32 $0xFFFFFD80  }
0x28: {  	_ =	swait.ge [sflag:s15], $0x280  }
0x29: {  	[sflag:s15] =	ssyncset.done $0x0  }
0x2a: {  	[sflag:s15] =	ssyncadd.s32 $0xFFFFFD80  }
0x2b: {  	_ =	swait.ge [sflag:s16], $0x280  }
0x2c: {  	[sflag:s16] =	ssyncset.done $0x0  }
0x2d: {  	[sflag:s16] =	ssyncadd.s32 $0xFFFFFD80  }
0x2e: {  	_ =	swait.ge [sflag:s17], $0x280  }
0x2f: {  	[sflag:s17] =	ssyncset.done $0x0  }
0x30: {  	[sflag:s17] =	ssyncadd.s32 $0xFFFFFD80  }
0x31: {  	_ =	swait.ge [sflag:s18], $0x280  }
0x32: {  	s21 =	simm.s32 $0xC80;
	s20 =	simm.s32 $0x640;
	[sflag:s18] =	ssyncset.done $0x0  }
.LBB2_2:
0x33: {  	s22 =	sshra.s32 s20, $0x2  }
0x34: {  	[sflag:s18] =	ssyncadd.s32 $0xFFFFFD80;
	s20 =	smov.u32 s21;
	s23 =	sadd.s32 $0x640, s21  }
0x35: {  	[spmem:s2] =	stream.indirect.scatter.add.f32 [tilespmem:s10], [sflag:$0x1], $0x8, s22, s13, $0xb8;
	[tilespmem:$0x3D90] =	vst v63  }
0x36: {  	p0 =	sne.s32 s21, $0x9600;
	s21 =	sadd.s32 $0x50, s22  }
0x37: {  	[spmem:s2] =	stream.indirect.scatter.add.f32 [tilespmem:s10], [sflag:$0x2], $0x8, s21, s13, $0xb8;
	[tilespmem:$0x3D90] =	vst v63  }
0x38: {  	s21 =	sadd.s32 $0xA0, s22  }
0x39: {  	[spmem:s2] =	stream.indirect.scatter.add.f32 [tilespmem:s10], [sflag:$0x3], $0x8, s21, s13, $0xb8;
	[tilespmem:$0x3D90] =	vst v63  }
0x3a: {  	s21 =	sadd.s32 $0xF0, s22  }
0x3b: {  	[spmem:s2] =	stream.indirect.scatter.add.f32 [tilespmem:s10], [sflag:$0x4], $0x8, s21, s13, $0xb8;
	[tilespmem:$0x3D90] =	vst v63  }
0x3c: {  	s21 =	sadd.s32 $0x140, s22  }
0x3d: {  	[spmem:s2] =	stream.indirect.scatter.add.f32 [tilespmem:s10], [sflag:$0x5], $0x8, s21, s13, $0xb8;
	[tilespmem:$0x3D90] =	vst v63  }
0x3e: {  	_ =	swait.ge [sflag:s14], $0x280  }
0x3f: {  	[sflag:s14] =	ssyncset.done $0x0  }
0x40: {  	[sflag:s14] =	ssyncadd.s32 $0xFFFFFD80  }
0x41: {  	_ =	swait.ge [sflag:s15], $0x280  }
0x42: {  	[sflag:s15] =	ssyncset.done $0x0  }
0x43: {  	[sflag:s15] =	ssyncadd.s32 $0xFFFFFD80  }
0x44: {  	_ =	swait.ge [sflag:s16], $0x280  }
0x45: {  	[sflag:s16] =	ssyncset.done $0x0  }
0x46: {  	[sflag:s16] =	ssyncadd.s32 $0xFFFFFD80  }
.Ltmp0:
0x47: {  	_ =	swait.ge [sflag:s17], $0x280;
	(pc) =	sbr.rel @p0 .LBB2_2-.Ltmp0, $4  }
0x48: {  	[sflag:s17] =	ssyncset.done $0x0  }
0x49: {  	[sflag:s17] =	ssyncadd.s32 $0xFFFFFD80  }
0x4a: {  	_ =	swait.ge [sflag:s18], $0x280  }
0x4b: {  	s21 =	smov.u32 s23;
	[sflag:s18] =	ssyncset.done $0x0  }
0x4c: {  	s20 =	sshra.s32 s20, $0x2;
	[sflag:s18] =	ssyncadd.s32 $0xFFFFFD80  }
0x4d: {  	[spmem:s2] =	stream.indirect.scatter.add.f32 [tilespmem:s10], [sflag:$0x1], $0x8, s20, s13, $0xb8;
	[tilespmem:$0x3D90] =	vst v63  }
0x4e: {  	s21 =	sadd.s32 $0x50, s20  }
0x4f: {  	[spmem:s2] =	stream.indirect.scatter.add.f32 [tilespmem:s10], [sflag:$0x2], $0x8, s21, s13, $0xb8;
	[tilespmem:$0x3D90] =	vst v63  }
0x50: {  	s30 =	sadd.s32 $0xA0, s20  }
0x51: {  	[spmem:s2] =	stream.indirect.scatter.add.f32 [tilespmem:s10], [sflag:$0x3], $0x8, s30, s13, $0xb8;
	[tilespmem:$0x3D90] =	vst v63  }
0x52: {  	s31 =	sadd.s32 $0xF0, s20  }
0x53: {  	[spmem:s2] =	stream.indirect.scatter.add.f32 [tilespmem:s10], [sflag:$0x4], $0x8, s31, s13, $0xb8;
	[tilespmem:$0x3D90] =	vst v63  }
0x54: {  	s20 =	sadd.s32 $0x140, s20  }
0x55: {  	[spmem:s2] =	stream.indirect.scatter.add.f32 [tilespmem:s10], [sflag:$0x5], $0x8, s20, s13, $0xb8;
	[tilespmem:$0x3D90] =	vst v63  }
0x56: {  	_ =	swait.ge [sflag:s14], $0x280  }
0x57: {  	[sflag:s14] =	ssyncset.done $0x0  }
0x58: {  	[sflag:s14] =	ssyncadd.s32 $0xFFFFFD80  }
0x59: {  	_ =	swait.ge [sflag:s15], $0x280  }
0x5a: {  	[sflag:s15] =	ssyncset.done $0x0  }
0x5b: {  	[sflag:s15] =	ssyncadd.s32 $0xFFFFFD80  }
0x5c: {  	_ =	swait.ge [sflag:s16], $0x280  }
0x5d: {  	[sflag:s16] =	ssyncset.done $0x0  }
0x5e: {  	[sflag:s16] =	ssyncadd.s32 $0xFFFFFD80  }
0x5f: {  	_ =	swait.ge [sflag:s17], $0x280  }
0x60: {  	[sflag:s17] =	ssyncset.done $0x0  }
0x61: {  	[sflag:s17] =	ssyncadd.s32 $0xFFFFFD80  }
0x62: {  	_ =	swait.ge [sflag:s18], $0x280  }
0x63: {  	s19 =	sadd.s32 $0x1, s19;
	[sflag:s18] =	ssyncset.done $0x0  }
0x64: {  	p0 =	sne.s32 s19, s8;
	[sflag:s18] =	ssyncadd.s32 $0xFFFFFD80  }
.Ltmp1:
0x65: {  	[bflag:$0x0] =	sbarrier.arrive $0xFFFF;
	(pc) =	sbr.rel @p0 .LBB2_1-.Ltmp1, $4  }
0x66: {  	[hbm:s7], [sflag:s11] =	dma.local [spmem:s12], $0x280  }
0x67: {  	_ =	swait.ge [sflag:s9], $0x280  }
0x68: {  	[sflag:s9] =	ssyncset.done $0x0  }
0x69: {  	[sflag:s9] =	ssyncadd.s32 $0xFFFFFD80  }
0x6a: {  	_ =	sfence.sel $0x180000  }
0x6b: {  	[bflag:$0x0] =	sbarrier.arrive $0xFFFF  }
0x6c: {  	p0 =	sne.s32 s1, $0x0;
	_ =	strace $0x9000004A  }
0x6d: {  	s0 =	sadd.s32 @!p0 $0x100000, s0;
	[bflag:$0x2] =	sbarrier.arrive $0xFFFF  }
0x6e: {  	[sflag:s0] =	ssyncadd.tile.s32 @!p0 $0x1;
	_ =	shalt  }
.Lfunc_end2:
_tile_overlayer_lowered:
.L_overlay_start_2:
0x6f: {  	(tag) =	ssettag $0x2  }
0x70: {  	s0 =	rddreg [dreg:$0x0];
	s2 =	stileid.u32  }
0x71: {  	s1 =	rddreg [dreg:$0x1];
	p0 =	sne.s32 s2, $0x0  }
0x72: {  	s3 =	rddreg [dreg:$0x2];
	[bflag:$0x3] =	sbarrier.arrive $0xFFFF;
	s2 =	simm.s32 @!p0 $0x1C06  }
0x73: {  	[timem:s3], [sflag:s2] =	dma.local @!p0 [hbm:s0], s1  }
0x74: {  	s0 =	simm.s32 @!p0 $0x6  }
0x75: {  	_ =	swait.ge @!p0 [sflag:s0], s1  }
0x76: {  	s1 =	ssub.s32 @!p0 $0x0, s1;
	[sflag:s0] =	ssyncset.done @!p0 $0x0  }
0x77: {  	[sflag:s0] =	ssyncadd.s32 @!p0 s1  }
0x78: {  	[bflag:$0x3] =	sbarrier.arrive $0xFFFF  }
0x79: {  	_ =	shalt  }

// kernel: kernel.13.cloned.1.call-start
scs
__scs_entry_jumppad:
0x0: {  	(pc) =	sbr.rel $0x88, $3  }
0x1: {  	(tag) =	ssettag $0x0;
	lr =	simm.s32 $0x1  }
0x2: {  	[smem:$0x3F95] =	sst lr;
	_ =	strace $0xD0000000  }
0x3: {  	_ = 	snop  }
0x4: {  	_ = 	snop  }
0x5: {  	_ = 	snop  }
0x6: {  	_ = 	snop  }
0x7: {  	_ = 	snop  }
__scs_overlays_trampoline_lowered:
0x8: {  	[smem:$0x3FA4] =	sst s0  }
0x9: {  	[smem:$0x3FA5] =	sst s1  }
0xa: {  	[smem:$0x3FA6] =	sst s2  }
0xb: {  	[smem:$0x3FA7] =	sst s3  }
0xc: {  	[smem:$0x3FA8] =	sst s4  }
0xd: {  	[smem:$0x3FA9] =	sst s5  }
0xe: {  	[smem:$0x3FAA] =	sst s6  }
0xf: {  	[smem:$0x3FAB] =	sst s7  }
0x10: {  	[smem:$0x3FAC] =	sst s8  }
0x11: {  	[smem:$0x3FAD] =	sst s9;
	s0 =	simm.s32 @!p0 $0x0  }
0x12: {  	s1 =	sld [smem:$0x3F93];
	s0 =	simm.s32 @p0 $0x1  }
0x13: {  	[smem:$0x3FAE] =	sst s0;
	s0 =	simm.s32 @!p1 $0x0  }
0x14: {  	s2 =	sld [smem:$0x3F92];
	s0 =	simm.s32 @p1 $0x1  }
0x15: {  	[smem:$0x3FAF] =	sst s0;
	s0 =	simm.s32 @!p2 $0x0  }
0x16: {  	s3 =	sld [smem:$0x3FDB];
	s0 =	simm.s32 @p2 $0x1  }
0x17: {  	s4 =	simm.s32 $0x1BF5;
	[smem:$0x3FB1] =	sst s0  }
0x18: {  	s0 =	sld [smem:$0x3F94];
	_ =	swait.ge [sflag:s4], $0x0  }
0x19: {  	s7 =	sld [smem:$0x3F95]  }
0x1a: {  	s8 =	sadd.s32 $0xFFFFE003, lr  }
0x1b: {  	s9 =	sadd.s32 $0xFFFFFEF7, lr;
	s5 =	simm.s32 $0xFFFFFFFF;
	p2 =	slt.u32 s8, $0xFFFFF086  }
0x1c: {  	p1 =	slt.u32 s9, $0xF7A;
	s5 =	simm.s32 @!p2 $0x0  }
0x1d: {  	s5 =	simm.s32 @p1 $0x1;
	p0 =	seq.s32 s7, s2  }
0x1e: {  	s7 =	smul.u32 @!p0 $0xF7A, s2;
	p2 =	seq.s32 @!p0 s5, $0x0  }
0x1f: {  	s9 =	smul.u32 $0xF7A, s1;
	s8 =	simm.s32 @!p0 $0x1BF5;
	p2 =	por !p2, p0  }
0x20: {  	[sflag:s8] =	ssyncset.s32 @!p0 $0xFFFFF086;
	s6 =	sadd.s32 @!p0 s3, s7;
	s7 =	simm.s32 @!p0 $0x108  }
0x21: {  	s3 =	sadd.s32 s3, s9;
	s6 =	sadd.s32 @!p0 $0x88, s6;
	s7 =	simm.s32 @p2 $0x1082  }
0x22: {  	[simem:s7], [sflag:s8] =	dma.local @!p0 [hbm:s6], $0xF7A  }
0x23: {  	s9 =	sor.u32 $0xD0000000, s2;
	s6 =	simm.s32 $0x108;
	_ =	swait.ge @!p0 [sflag:s8], $0x0  }
0x24: {  	s3 =	sadd.s32 $0x88, s3;
	s6 =	simm.s32 @!p1 $0x1082;
	[sflag:s4] =	ssyncset.s32 $0xFFFFF086  }
0x25: {  	[simem:s6], [sflag:s4] =	dma.local [hbm:s3], $0xF7A  }
0x26: {  	[smem:$0x3F95] =	sst s1;
	(tag) =	ssettag s2;
	_ =	strace s9  }
0x27: {  	s1 =	sld [smem:$0x3FA5]  }
0x28: {  	s2 =	sld [smem:$0x3FA6]  }
0x29: {  	s4 =	sld [smem:$0x3FA8]  }
0x2a: {  	p0 =	seq.s32 s5, $0x0;
	s5 =	sld [smem:$0x3FA9]  }
0x2b: {  	s6 =	sld [smem:$0x3FAA]  }
0x2c: {  	s7 =	sld [smem:$0x3FAB]  }
0x2d: {  	s3 =	simm.s32 $0x108;
	s8 =	sld [smem:$0x3FAC]  }
0x2e: {  	s3 =	simm.s32 @!p0 $0x1082;
	s9 =	sld [smem:$0x3FAD]  }
0x2f: {  	lr =	sadd.s32 s0, s3;
	s0 =	sld [smem:$0x3FA4]  }
0x30: {  	s3 =	sld [smem:$0x3FA7]  }
0x31: {  	[smem:$0x3FB0] =	sst s10  }
0x32: {  	s10 =	sld [smem:$0x3FAE];
	_ =	sdelay $0x3  }
0x33: {  	p0 =	seq.s32 s10, $0x1;
	s10 =	sld [smem:$0x3FB0];
	_ =	sdelay $0x3  }
0x34: {  	[smem:$0x3FB0] =	sst s10  }
0x35: {  	s10 =	sld [smem:$0x3FAF];
	_ =	sdelay $0x3  }
0x36: {  	p1 =	seq.s32 s10, $0x1;
	s10 =	sld [smem:$0x3FB0];
	_ =	sdelay $0x3  }
0x37: {  	[smem:$0x3FB0] =	sst s10  }
0x38: {  	s10 =	sld [smem:$0x3FB1]  }
0x39: {  	_ = 	snop;
	(pc) =	sbr.ind lr, $3  }
0x3a: {  	_ = 	snop  }
0x3b: {  	_ = 	snop  }
0x3c: {  	p2 =	seq.s32 s10, $0x1;
	s10 =	sld [smem:$0x3FB0]  }
0x3d: {  	_ =	shalt  }
0x3e: {  	_ =	shalt  }
0x3f: {  	_ =	shalt  }
0x40: {  	_ =	shalt  }
0x41: {  	_ =	shalt  }
0x42: {  	_ =	shalt  }
0x43: {  	_ =	shalt  }
0x44: {  	_ =	shalt  }
0x45: {  	_ =	shalt  }
0x46: {  	_ =	shalt  }
0x47: {  	_ =	shalt  }
0x48: {  	_ =	shalt  }
0x49: {  	_ =	shalt  }
0x4a: {  	_ =	shalt  }
0x4b: {  	_ =	shalt  }
0x4c: {  	_ =	shalt  }
0x4d: {  	_ =	shalt  }
0x4e: {  	_ =	shalt  }
0x4f: {  	_ =	shalt  }
0x50: {  	_ =	shalt  }
0x51: {  	_ =	shalt  }
0x52: {  	_ =	shalt  }
0x53: {  	_ =	shalt  }
0x54: {  	_ =	shalt  }
0x55: {  	_ =	shalt  }
0x56: {  	_ =	shalt  }
0x57: {  	_ =	shalt  }
0x58: {  	_ =	shalt  }
0x59: {  	_ =	shalt  }
0x5a: {  	_ =	shalt  }
0x5b: {  	_ =	shalt  }
0x5c: {  	_ =	shalt  }
0x5d: {  	_ =	shalt  }
0x5e: {  	_ =	shalt  }
0x5f: {  	_ =	shalt  }
0x60: {  	_ =	shalt  }
0x61: {  	_ =	shalt  }
0x62: {  	_ =	shalt  }
0x63: {  	_ =	shalt  }
0x64: {  	_ =	shalt  }
0x65: {  	_ =	shalt  }
0x66: {  	_ =	shalt  }
0x67: {  	_ =	shalt  }
0x68: {  	_ =	shalt  }
0x69: {  	_ =	shalt  }
0x6a: {  	_ =	shalt  }
0x6b: {  	_ =	shalt  }
0x6c: {  	_ =	shalt  }
0x6d: {  	_ =	shalt  }
0x6e: {  	_ =	shalt  }
0x6f: {  	_ =	shalt  }
0x70: {  	_ =	shalt  }
0x71: {  	_ =	shalt  }
0x72: {  	_ =	shalt  }
0x73: {  	_ =	shalt  }
0x74: {  	_ =	shalt  }
0x75: {  	_ =	shalt  }
0x76: {  	_ =	shalt  }
0x77: {  	_ =	shalt  }
0x78: {  	_ =	shalt  }
0x79: {  	_ =	shalt  }
0x7a: {  	_ =	shalt  }
0x7b: {  	_ =	shalt  }
0x7c: {  	_ =	shalt  }
0x7d: {  	_ =	shalt  }
0x7e: {  	_ =	shalt  }
0x7f: {  	_ =	shalt  }
0x80: {  	_ =	shalt  }
0x81: {  	_ =	shalt  }
0x82: {  	_ =	shalt  }
0x83: {  	_ =	shalt  }
0x84: {  	_ =	shalt  }
0x85: {  	_ =	shalt  }
0x86: {  	_ =	shalt  }
0x87: {  	_ =	shalt  }
.Lfunc_end0:
.L_simem_size_0:
called_computation.1_lowered:
.L_overlay_start_0:
0x88: {  	s2 =	sld [smem:$0x3FD9]  }
0x89: {  	s3 =	sld [smem:$0x3FFE];
	_ =	sdelay $0x1  }
0x8a: {  	s1 =	srdreg.scid  }
0x8b: {  	s0 =	sand.u32 $0x1, s1  }
0x8c: {  	s16 =	sshll.u32 s0, $0xA;
	s2 =	sadd.s32 s3, s2  }
0x8d: {  	s2 =	sadd.s32 s2, s16  }
0x8e: {  	[smem:$0x3FBC] =	sst s2  }
0x8f: {  	_ = 	snop  }
0x90: {  	(tm) =	ssettm $0x1  }
0x91: {  	s17 =	sld [smem:$0x3FFB];
	_ =	sdelay $0x3  }
0x92: {  	_ =	strace s17  }
0x93: {  	s2 =	sld [smem:$0x3FFC];
	_ =	sdelay $0x3  }
0x94: {  	_ =	strace s2  }
0x95: {  	s2 =	sld [smem:$0x3FFD];
	_ =	sdelay $0x3  }
0x96: {  	_ =	strace s2  }
0x97: {  	_ =	strace $0x8FFFFFFF  }
0x98: {  	s18 =	sld [smem:$0x3FDB];
	_ =	sdelay $0x1  }
0x99: {  	s19 =	simm.s32 $_scs_section_size  }
0x9a: {  	s4 =	simm.s32 $_size__tile_overlayer_lowered;
	s5 =	simm.s32 $_tile_overlayer_lowered  }
0x9b: {  	s22 =	simm.s32 $0x1BFF;
	s21 =	sshll.u32 s5, $0x1;
	s2 =	sadd.s32 s19, s18  }
0x9c: {  	s6 =	simm.s32 $0x0;
	s20 =	sshll.u32 s4, $0x1;
	s4 =	sadd.s32 s21, s2  }
0x9d: {  	[timem:s6], [sflag:s22] =	dma.local [hbm:s4], s20  }
0x9e: {  	_ =	swait.ge [sflag:s22], s20  }
0x9f: {  	s3 =	ssub.s32 $0x0, s20;
	[sflag:s22] =	ssyncset.done $0x0  }
0xa0: {  	[sflag:s22] =	ssyncadd.s32 s3;
	_ =	sdelay $0x1  }
0xa1: {  	s23 =	simm.s32 $0x1B8B  }
0xa2: {  	_ =	swait.ge [sflag:s23], $0x1  }
0xa3: {  	[sflag:s23] =	ssyncset.done $0x0  }
0xa4: {  	s25 =	simm.s32 $0x1B8E;
	s24 =	sld [smem:$0x3FFE];
	[sflag:s23] =	ssyncadd.s32 $0xFFFFFFFF  }
0xa5: {  	s26 =	simm.s32 $execute0_lowered;
	[smem:$0x3FD2] =	sst s25  }
0xa6: {  	s4 =	sshll.u32 s26, $0x1;
	_ =	strace $0x80000046;
	[dreg:$0x1] =	wrdreg $0xFFFFFFFF  }
0xa7: {  	s28 =	simm.s32 $_size_execute0_lowered;
	s2 =	sadd.s32 s2, s4;
	[dreg:$0x0] =	wrdreg $0x0  }
0xa8: {  	s4 =	sshll.u32 s28, $0x1;
	[dreg:$0x2] =	wrdreg s2  }
0xa9: {  	[dreg:$0x3] =	wrdreg s4  }
0xaa: {  	[dreg:$0x4] =	wrdreg $0xC0  }
0xab: {  	_ =	task [dreg:s6], $0x5FFFF  }
0xac: {  	[dreg:$0x1] =	wrdreg $0xFFFFFFFF  }
0xad: {  	[dreg:$0x0] =	wrdreg $0x60  }
0xae: {  	[dreg:$0x2] =	wrdreg s24  }
0xaf: {  	[dreg:$0x3] =	wrdreg $0xB2200  }
0xb0: {  	[dreg:$0x4] =	wrdreg $0xA  }
0xb1: {  	_ =	task.clear_ibuf [dreg:s6], $0x5FFFF;
	_ =	strace $0x90000046  }
0xb2: {  	s29 =	simm.s32 $0xA;
	_ =	strace $0x80000048  }
0xb3: {  	_ =	swait.ge [sflag:s29], $0x1  }
0xb4: {  	[sflag:s29] =	ssyncadd.s32 $0xFFFFFFFF  }
0xb5: {  	_ =	strace $0x90000048  }
0xb6: {  	_ =	sfence  }
0xb7: {  	s30 =	sld [smem:$0x0];
	_ =	sdelay $0x2  }
0xb8: {  	s31 =	sshll.u32 s1, $0xD;
	s1 =	sshrl.u32 s1, $0x2  }
0xb9: {  	s3 =	sand.u32 $0x4000, s31;
	s1 =	sadd.s32 s1, s30  }
0xba: {  	s0 =	sor.u32 s3, s0;
	s1 =	sshll.u32 s1, $0x11  }
0xbb: {  	s0 =	sor.u32 s1, s0  }
0xbc: {  	s0 =	sadd.s32 $0x8F2B, s0  }
0xbd: {  	[sflag:s0] =	ssyncadd.remote.s32 $0x1  }
0xbe: {  	_ =	sfence.sel $0xFFFF  }
0xbf: {  	[dreg:$0x0] =	wrdreg $0xFFFFFFFF;
	(pc) =	sbr.abs _section_cstart, $3  }
0xc0: {  	[dreg:$0x1] =	wrdreg $0xFFFFFFFF  }
0xc1: {  	_ =	task.clear_ibuf [dreg:s6], $0x2FFFF;
	_ =	strace $0x9FFFFFFF  }
0xc2: {  	(tm) =	ssettm $0x7FFFFFFF  }
0xc3: {  	_ =	shalt  }
tec
execute0_lowered:
.L_overlay_start_1:
0x0: {  	(tag) =	ssettag $0x1  }
0x1: {  	s0 =	srdreg.scid;
	s6 =	rddreg [dreg:$0x0]  }
0x2: {  	s11 =	stileid.u32;
	s2 =	rddreg [dreg:$0x1];
	s3 =	simm.s32 $0x0  }
0x3: {  	s14 =	simm.s32 $0x50;
	s15 =	simm.s32 $0x4E20;
	s16 =	simm.s32 $0x6220  }
0x4: {  	s18 =	simm.s32 $0x7620;
	s20 =	simm.s32 $0x8A20;
	s22 =	simm.s32 $0x9E20  }
0x5: {  	s23 =	simm.s32 $0x1;
	s24 =	simm.s32 $0x2;
	s28 =	simm.s32 $0x5  }
0x6: {  	s29 =	simm.s32 $0x6;
	s30 =	simm.s32 $0x7;
	s31 =	simm.s32 $0x8  }
0x7: {  	s17 =	simm.s32 $0x0;
	s0 =	sand.u32 $0x1, s0;
	s8 =	smul.u32 $0x14000, s11  }
0x8: {  	[smem:$0x7FF] =	sst s3;
	s4 =	sadd.s32 $0x18800, s6;
	s26 =	sshll.u32 s11, $0x6  }
0x9: {  	s1 =	sshll.u32 s0, $0x4;
	s5 =	smul.u32 $0x140000, s0;
	_ =	strace $0x80000047  }
0xa: {  	s0 =	ssub.s32 $0x2, s0;
	s12 =	sor.u32 $0x1C0B, s26;
	s26 =	simm.s32 $0x4  }
0xb: {  	s1 =	sor.u32 s11, s1;
	s9 =	sshrl.u32 s0, $0x1;
	s25 =	sshrl.u32 s8, $0x1  }
0xc: {  	s1 =	smul.u32 $0x2710, s1;
	s5 =	sadd.s32 s8, s5;
	s0 =	ssub.s32 s0, s9  }
0xd: {  	s7 =	sshrl.u32 s5, $0x4;
	s5 =	sadd.s32 $0x17400, s6;
	s9 =	smax.u32 s0, $0x1  }
0xe: {  	s0 =	simm.s32 $0xA;
	s1 =	sshrl.u32 s1, $0x3;
	s10 =	sadd.s32 s7, s6  }
0xf: {  	s1 =	sadd.s32 s1, s6;
	s8 =	sadd.s32 $0x2C200, s10;
	s10 =	simm.s32 $0xB  }
0x10: {  	s6 =	sadd.s32 $0x3A00, s1;
	s7 =	sadd.s32 $0xD640, s1;
	s1 =	sadd.s32 s25, s2  }
0x11: {  	s25 =	simm.s32 $0x3;
	s13 =	sshrl.u32 s1, $0x3;
	s1 =	simm.s32 $0x9  }
.LBB2_1:
0x12: {  	[tilespmem:s3], [sflag:$0xB] =	stream.linear.gather [hbm4b:s6+s3], $0x2710, $0x38;
	[tilespmem:$0x15220] =	vst v63  }
0x13: {  	_ =	swait.ge [sflag:s10], $0x2710  }
0x14: {  	[sflag:s10] =	ssyncset.done $0x0  }
0x15: {  	s11 =	simm.s32 $0x2710;
	[sflag:s10] =	ssyncadd.s32 $0xFFFFD8F0  }
0x16: {  	[tilespmem:s11], [sflag:$0xB] =	stream.linear.gather [hbm4b:s7+s3], $0x2710, $0x38;
	[tilespmem:$0x15220] =	vst v63  }
0x17: {  	_ =	swait.ge [sflag:s10], $0x2710  }
0x18: {  	[sflag:s10] =	ssyncset.done $0x0  }
0x19: {  	[sflag:s10] =	ssyncadd.s32 $0xFFFFD8F0  }
0x1a: {  	[spmem:s13], [sflag:s12] =	dma.local [hbm:s5], $0x1400  }
0x1b: {  	_ =	swait.ge [sflag:s10], $0x1400  }
0x1c: {  	[sflag:s10] =	ssyncset.done $0x0  }
0x1d: {  	[sflag:s10] =	ssyncadd.s32 $0xFFFFEC00  }
0x1e: {  	[bflag:$0x0] =	sbarrier.arrive $0xFFFF  }
0x1f: {  	[tilespmem:s15], [sflag:$0x1] =	stream.indirect.gather [hbm4b:s4+s14], $0x40, s3, s14, $0xb8;
	[tilespmem:$0x15220] =	vst v63  }
0x20: {  	_ = 	snop  }
0x21: {  	[tilespmem:s16], [sflag:$0x2] =	stream.indirect.gather [hbm4b:s4+s14], $0x40, s14, s14, $0xb8;
	[tilespmem:$0x15220] =	vst v63  }
0x22: {  	s21 =	simm.s32 $0xA0  }
0x23: {  	[tilespmem:s18], [sflag:$0x3] =	stream.indirect.gather [hbm4b:s4+s14], $0x40, s21, s14, $0xb8;
	[tilespmem:$0x15220] =	vst v63  }
0x24: {  	s19 =	simm.s32 $0xF0  }
0x25: {  	[tilespmem:s20], [sflag:$0x4] =	stream.indirect.gather [hbm4b:s4+s14], $0x40, s19, s14, $0xb8;
	[tilespmem:$0x15220] =	vst v63  }
0x26: {  	s21 =	simm.s32 $0x140  }
0x27: {  	[tilespmem:s22], [sflag:$0x5] =	stream.indirect.gather [hbm4b:s4+s14], $0x40, s21, s14, $0xb8;
	[tilespmem:$0x15220] =	vst v63  }
0x28: {  	_ =	swait.ge [sflag:s23], $0x1400  }
0x29: {  	[sflag:s23] =	ssyncset.done $0x0  }
0x2a: {  	s19 =	simm.s32 $0x2710;
	[sflag:s23] =	ssyncadd.s32 $0xFFFFEC00  }
0x2b: {  	[spmem:s2] =	stream.indirect.scatter.add.bf16 [tilespmem:s15], [sflag:$0x6], $0x40, s19, s14, $0xb8;
	[tilespmem:$0x15220] =	vst v63  }
0x2c: {  	_ =	swait.ge [sflag:s24], $0x1400  }
0x2d: {  	[sflag:s24] =	ssyncset.done $0x0  }
0x2e: {  	s11 =	simm.s32 $0x2760;
	[sflag:s24] =	ssyncadd.s32 $0xFFFFEC00  }
0x2f: {  	[spmem:s2] =	stream.indirect.scatter.add.bf16 [tilespmem:s16], [sflag:$0x7], $0x40, s11, s14, $0xb8;
	[tilespmem:$0x15220] =	vst v63  }
0x30: {  	_ =	swait.ge [sflag:s25], $0x1400  }
0x31: {  	[sflag:s25] =	ssyncset.done $0x0  }
0x32: {  	s21 =	simm.s32 $0x27B0;
	[sflag:s25] =	ssyncadd.s32 $0xFFFFEC00  }
0x33: {  	[spmem:s2] =	stream.indirect.scatter.add.bf16 [tilespmem:s18], [sflag:$0x8], $0x40, s21, s14, $0xb8;
	[tilespmem:$0x15220] =	vst v63  }
0x34: {  	_ =	swait.ge [sflag:s26], $0x1400  }
0x35: {  	[sflag:s26] =	ssyncset.done $0x0  }
0x36: {  	s11 =	simm.s32 $0x2800;
	[sflag:s26] =	ssyncadd.s32 $0xFFFFEC00  }
0x37: {  	[spmem:s2] =	stream.indirect.scatter.add.bf16 [tilespmem:s20], [sflag:$0x9], $0x40, s11, s14, $0xb8;
	[tilespmem:$0x15220] =	vst v63  }
0x38: {  	_ =	swait.ge [sflag:s28], $0x1400  }
0x39: {  	[sflag:s28] =	ssyncset.done $0x0  }
0x3a: {  	s21 =	simm.s32 $0x2850;
	[sflag:s28] =	ssyncadd.s32 $0xFFFFEC00  }
0x3b: {  	[spmem:s2] =	stream.indirect.scatter.add.bf16 [tilespmem:s22], [sflag:$0xA], $0x40, s21, s14, $0xb8;
	[tilespmem:$0x15220] =	vst v63  }
0x3c: {  	_ =	swait.ge [sflag:s29], $0x1400  }
0x3d: {  	[sflag:s29] =	ssyncset.done $0x0  }
0x3e: {  	s11 =	simm.s32 $0x190;
	[sflag:s29] =	ssyncadd.s32 $0xFFFFEC00  }
0x3f: {  	[tilespmem:s15], [sflag:$0x1] =	stream.indirect.gather [hbm4b:s4+s14], $0x40, s11, s14, $0xb8;
	[tilespmem:$0x15220] =	vst v63  }
0x40: {  	_ =	swait.ge [sflag:s30], $0x1400  }
0x41: {  	[sflag:s30] =	ssyncset.done $0x0  }
0x42: {  	s21 =	simm.s32 $0x1E0;
	[sflag:s30] =	ssyncadd.s32 $0xFFFFEC00  }
0x43: {  	[tilespmem:s16], [sflag:$0x2] =	stream.indirect.gather [hbm4b:s4+s14], $0x40, s21, s14, $0xb8;
	[tilespmem:$0x15220] =	vst v63  }
0x44: {  	_ =	swait.ge [sflag:s31], $0x1400  }
0x45: {  	[sflag:s31] =	ssyncset.done $0x0  }
0x46: {  	s11 =	simm.s32 $0x230;
	[sflag:s31] =	ssyncadd.s32 $0xFFFFEC00  }
0x47: {  	[tilespmem:s18], [sflag:$0x3] =	stream.indirect.gather [hbm4b:s4+s14], $0x40, s11, s14, $0xb8;
	[tilespmem:$0x15220] =	vst v63  }
0x48: {  	_ =	swait.ge [sflag:s1], $0x1400  }
0x49: {  	[sflag:s1] =	ssyncset.done $0x0  }
0x4a: {  	s21 =	simm.s32 $0x280;
	[sflag:s1] =	ssyncadd.s32 $0xFFFFEC00  }
0x4b: {  	[tilespmem:s20], [sflag:$0x4] =	stream.indirect.gather [hbm4b:s4+s14], $0x40, s21, s14, $0xb8;
	[tilespmem:$0x15220] =	vst v63  }
0x4c: {  	_ =	swait.ge [sflag:s0], $0x1400  }
0x4d: {  	[sflag:s0] =	ssyncset.done $0x0  }
0x4e: {  	s19 =	simm.s32 $0x640;
	s21 =	simm.s32 $0x2D0;
	[sflag:s0] =	ssyncadd.s32 $0xFFFFEC00  }
.LBB2_2:
0x4f: {  	[tilespmem:s22], [sflag:$0x5] =	stream.indirect.gather [hbm4b:s4+s14], $0x40, s21, s14, $0xb8;
	[tilespmem:$0x15220] =	vst v63  }
0x50: {  	s21 =	smov.u32 s19  }
0x51: {  	p0 =	sne.s32 s19, $0x8FC0;
	s19 =	sadd.s32 $0x640, s19;
	_ =	swait.ge [sflag:s23], $0x1400  }
0x52: {  	s21 =	sshra.s32 s21, $0x2;
	[sflag:s23] =	ssyncset.done $0x0  }
0x53: {  	s11 =	sadd.s32 $0x2710, s21;
	[sflag:s23] =	ssyncadd.s32 $0xFFFFEC00  }
0x54: {  	[spmem:s2] =	stream.indirect.scatter.add.bf16 [tilespmem:s15], [sflag:$0x6], $0x40, s11, s14, $0xb8;
	[tilespmem:$0x15220] =	vst v63  }
0x55: {  	_ =	swait.ge [sflag:s24], $0x1400  }
0x56: {  	[sflag:s24] =	ssyncset.done $0x0  }
0x57: {  	s11 =	sadd.s32 $0x2760, s21;
	[sflag:s24] =	ssyncadd.s32 $0xFFFFEC00  }
0x58: {  	[spmem:s2] =	stream.indirect.scatter.add.bf16 [tilespmem:s16], [sflag:$0x7], $0x40, s11, s14, $0xb8;
	[tilespmem:$0x15220] =	vst v63  }
0x59: {  	_ =	swait.ge [sflag:s25], $0x1400  }
0x5a: {  	[sflag:s25] =	ssyncset.done $0x0  }
0x5b: {  	s11 =	sadd.s32 $0x27B0, s21;
	[sflag:s25] =	ssyncadd.s32 $0xFFFFEC00  }
0x5c: {  	[spmem:s2] =	stream.indirect.scatter.add.bf16 [tilespmem:s18], [sflag:$0x8], $0x40, s11, s14, $0xb8;
	[tilespmem:$0x15220] =	vst v63  }
0x5d: {  	_ =	swait.ge [sflag:s26], $0x1400  }
0x5e: {  	[sflag:s26] =	ssyncset.done $0x0  }
0x5f: {  	s11 =	sadd.s32 $0x2800, s21;
	[sflag:s26] =	ssyncadd.s32 $0xFFFFEC00  }
0x60: {  	[spmem:s2] =	stream.indirect.scatter.add.bf16 [tilespmem:s20], [sflag:$0x9], $0x40, s11, s14, $0xb8;
	[tilespmem:$0x15220] =	vst v63  }
0x61: {  	_ =	swait.ge [sflag:s28], $0x1400  }
0x62: {  	[sflag:s28] =	ssyncset.done $0x0  }
0x63: {  	s11 =	sadd.s32 $0x2850, s21;
	[sflag:s28] =	ssyncadd.s32 $0xFFFFEC00  }
0x64: {  	[spmem:s2] =	stream.indirect.scatter.add.bf16 [tilespmem:s22], [sflag:$0xA], $0x40, s11, s14, $0xb8;
	[tilespmem:$0x15220] =	vst v63  }
0x65: {  	_ =	swait.ge [sflag:s29], $0x1400  }
0x66: {  	[sflag:s29] =	ssyncset.done $0x0  }
0x67: {  	s11 =	sadd.s32 $0x190, s21;
	[sflag:s29] =	ssyncadd.s32 $0xFFFFEC00  }
0x68: {  	[tilespmem:s15], [sflag:$0x1] =	stream.indirect.gather [hbm4b:s4+s14], $0x40, s11, s14, $0xb8;
	[tilespmem:$0x15220] =	vst v63  }
0x69: {  	_ =	swait.ge [sflag:s30], $0x1400  }
0x6a: {  	[sflag:s30] =	ssyncset.done $0x0  }
0x6b: {  	s11 =	sadd.s32 $0x1E0, s21;
	[sflag:s30] =	ssyncadd.s32 $0xFFFFEC00  }
0x6c: {  	[tilespmem:s16], [sflag:$0x2] =	stream.indirect.gather [hbm4b:s4+s14], $0x40, s11, s14, $0xb8;
	[tilespmem:$0x15220] =	vst v63  }
0x6d: {  	_ =	swait.ge [sflag:s31], $0x1400  }
0x6e: {  	[sflag:s31] =	ssyncset.done $0x0  }
0x6f: {  	s11 =	sadd.s32 $0x230, s21;
	[sflag:s31] =	ssyncadd.s32 $0xFFFFEC00  }
0x70: {  	[tilespmem:s18], [sflag:$0x3] =	stream.indirect.gather [hbm4b:s4+s14], $0x40, s11, s14, $0xb8;
	[tilespmem:$0x15220] =	vst v63  }
0x71: {  	_ =	swait.ge [sflag:s1], $0x1400  }
0x72: {  	[sflag:s1] =	ssyncset.done $0x0  }
.Ltmp0:
0x73: {  	s11 =	sadd.s32 $0x280, s21;
	[sflag:s1] =	ssyncadd.s32 $0xFFFFEC00;
	(pc) =	sbr.rel @p0 .LBB2_2-.Ltmp0, $4  }
0x74: {  	[tilespmem:s20], [sflag:$0x4] =	stream.indirect.gather [hbm4b:s4+s14], $0x40, s11, s14, $0xb8;
	[tilespmem:$0x15220] =	vst v63  }
0x75: {  	_ =	swait.ge [sflag:s0], $0x1400  }
0x76: {  	[sflag:s0] =	ssyncset.done $0x0  }
0x77: {  	s21 =	sadd.s32 $0x2D0, s21;
	[sflag:s0] =	ssyncadd.s32 $0xFFFFEC00  }
0x78: {  	[tilespmem:s22], [sflag:$0x5] =	stream.indirect.gather [hbm4b:s4+s14], $0x40, s21, s14, $0xb8;
	[tilespmem:$0x15220] =	vst v63  }
0x79: {  	_ =	swait.ge [sflag:s23], $0x1400  }
0x7a: {  	[sflag:s23] =	ssyncset.done $0x0  }
0x7b: {  	s11 =	simm.s32 $0x4C90;
	[sflag:s23] =	ssyncadd.s32 $0xFFFFEC00  }
0x7c: {  	[spmem:s2] =	stream.indirect.scatter.add.bf16 [tilespmem:s15], [sflag:$0x6], $0x40, s11, s14, $0xb8;
	[tilespmem:$0x15220] =	vst v63  }
0x7d: {  	_ =	swait.ge [sflag:s24], $0x1400  }
0x7e: {  	[sflag:s24] =	ssyncset.done $0x0  }
0x7f: {  	s19 =	simm.s32 $0x4CE0;
	[sflag:s24] =	ssyncadd.s32 $0xFFFFEC00  }
0x80: {  	[spmem:s2] =	stream.indirect.scatter.add.bf16 [tilespmem:s16], [sflag:$0x7], $0x40, s19, s14, $0xb8;
	[tilespmem:$0x15220] =	vst v63  }
0x81: {  	_ =	swait.ge [sflag:s25], $0x1400  }
0x82: {  	[sflag:s25] =	ssyncset.done $0x0  }
0x83: {  	s21 =	simm.s32 $0x4D30;
	[sflag:s25] =	ssyncadd.s32 $0xFFFFEC00  }
0x84: {  	[spmem:s2] =	stream.indirect.scatter.add.bf16 [tilespmem:s18], [sflag:$0x8], $0x40, s21, s14, $0xb8;
	[tilespmem:$0x15220] =	vst v63  }
0x85: {  	_ =	swait.ge [sflag:s26], $0x1400  }
0x86: {  	[sflag:s26] =	ssyncset.done $0x0  }
0x87: {  	s19 =	simm.s32 $0x4D80;
	[sflag:s26] =	ssyncadd.s32 $0xFFFFEC00  }
0x88: {  	[spmem:s2] =	stream.indirect.scatter.add.bf16 [tilespmem:s20], [sflag:$0x9], $0x40, s19, s14, $0xb8;
	[tilespmem:$0x15220] =	vst v63  }
0x89: {  	_ =	swait.ge [sflag:s28], $0x1400  }
0x8a: {  	[sflag:s28] =	ssyncset.done $0x0  }
0x8b: {  	s21 =	simm.s32 $0x4DD0;
	[sflag:s28] =	ssyncadd.s32 $0xFFFFEC00  }
0x8c: {  	[spmem:s2] =	stream.indirect.scatter.add.bf16 [tilespmem:s22], [sflag:$0xA], $0x40, s21, s14, $0xb8;
	[tilespmem:$0x15220] =	vst v63  }
0x8d: {  	_ =	swait.ge [sflag:s29], $0x1400  }
0x8e: {  	[sflag:s29] =	ssyncset.done $0x0  }
0x8f: {  	[sflag:s29] =	ssyncadd.s32 $0xFFFFEC00  }
0x90: {  	_ =	swait.ge [sflag:s30], $0x1400  }
0x91: {  	[sflag:s30] =	ssyncset.done $0x0  }
0x92: {  	[sflag:s30] =	ssyncadd.s32 $0xFFFFEC00  }
0x93: {  	_ =	swait.ge [sflag:s31], $0x1400  }
0x94: {  	[sflag:s31] =	ssyncset.done $0x0  }
0x95: {  	[sflag:s31] =	ssyncadd.s32 $0xFFFFEC00  }
0x96: {  	_ =	swait.ge [sflag:s1], $0x1400  }
0x97: {  	[sflag:s1] =	ssyncset.done $0x0  }
0x98: {  	[sflag:s1] =	ssyncadd.s32 $0xFFFFEC00  }
0x99: {  	_ =	swait.ge [sflag:s0], $0x1400  }
0x9a: {  	s17 =	sadd.s32 $0x1, s17;
	[sflag:s0] =	ssyncset.done $0x0  }
0x9b: {  	p0 =	sne.s32 s17, s9;
	[sflag:s0] =	ssyncadd.s32 $0xFFFFEC00  }
.Ltmp1:
0x9c: {  	[bflag:$0x0] =	sbarrier.arrive $0xFFFF;
	(pc) =	sbr.rel @p0 .LBB2_1-.Ltmp1, $4  }
0x9d: {  	[hbm:s8], [sflag:s12] =	dma.local [spmem:s13], $0x1400  }
0x9e: {  	_ =	swait.ge [sflag:s10], $0x1400  }
0x9f: {  	[sflag:s10] =	ssyncset.done $0x0  }
0xa0: {  	[sflag:s10] =	ssyncadd.s32 $0xFFFFEC00  }
0xa1: {  	_ =	sfence.sel $0x180000  }
0xa2: {  	[bflag:$0x0] =	sbarrier.arrive $0xFFFF  }
0xa3: {  	_ =	strace $0x90000047  }
0xa4: {  	s0 =	stileid.u32;
	[bflag:$0x2] =	sbarrier.arrive $0xFFFF  }
0xa5: {  	p0 =	sne.s32 s0, $0x0;
	s0 =	rddreg [dreg:$0x2]  }
0xa6: {  	s0 =	sadd.s32 @!p0 $0x100000, s0  }
0xa7: {  	[sflag:s0] =	ssyncadd.tile.s32 @!p0 $0x1;
	_ =	shalt  }
.Lfunc_end2:
_tile_overlayer_lowered:
.L_overlay_start_2:
0xa8: {  	(tag) =	ssettag $0x2  }
0xa9: {  	s0 =	rddreg [dreg:$0x0];
	s2 =	stileid.u32  }
0xaa: {  	s1 =	rddreg [dreg:$0x1];
	p0 =	sne.s32 s2, $0x0  }
0xab: {  	s3 =	rddreg [dreg:$0x2];
	[bflag:$0x3] =	sbarrier.arrive $0xFFFF;
	s2 =	simm.s32 @!p0 $0x1C0B  }
0xac: {  	[timem:s3], [sflag:s2] =	dma.local @!p0 [hbm:s0], s1  }
0xad: {  	s0 =	simm.s32 @!p0 $0xB  }
0xae: {  	_ =	swait.ge @!p0 [sflag:s0], s1  }
0xaf: {  	s1 =	ssub.s32 @!p0 $0x0, s1;
	[sflag:s0] =	ssyncset.done @!p0 $0x0  }
0xb0: {  	[sflag:s0] =	ssyncadd.s32 @!p0 s1  }
0xb1: {  	[bflag:$0x3] =	sbarrier.arrive $0xFFFF  }
0xb2: {  	_ =	shalt  }

// kernel: kernel.16.cloned.1.call-start
scs
__scs_entry_jumppad:
0x0: {  	(pc) =	sbr.rel $0x88, $3  }
0x1: {  	(tag) =	ssettag $0x0;
	lr =	simm.s32 $0x1  }
0x2: {  	[smem:$0x3F95] =	sst lr;
	_ =	strace $0xD0000000  }
0x3: {  	_ = 	snop  }
0x4: {  	_ = 	snop  }
0x5: {  	_ = 	snop  }
0x6: {  	_ = 	snop  }
0x7: {  	_ = 	snop  }
__scs_overlays_trampoline_lowered:
0x8: {  	[smem:$0x3FA4] =	sst s0  }
0x9: {  	[smem:$0x3FA5] =	sst s1  }
0xa: {  	[smem:$0x3FA6] =	sst s2  }
0xb: {  	[smem:$0x3FA7] =	sst s3  }
0xc: {  	[smem:$0x3FA8] =	sst s4  }
0xd: {  	[smem:$0x3FA9] =	sst s5  }
0xe: {  	[smem:$0x3FAA] =	sst s6  }
0xf: {  	[smem:$0x3FAB] =	sst s7  }
0x10: {  	[smem:$0x3FAC] =	sst s8  }
0x11: {  	[smem:$0x3FAD] =	sst s9;
	s0 =	simm.s32 @!p0 $0x0  }
0x12: {  	s1 =	sld [smem:$0x3F93];
	s0 =	simm.s32 @p0 $0x1  }
0x13: {  	[smem:$0x3FAE] =	sst s0;
	s0 =	simm.s32 @!p1 $0x0  }
0x14: {  	s2 =	sld [smem:$0x3F92];
	s0 =	simm.s32 @p1 $0x1  }
0x15: {  	[smem:$0x3FAF] =	sst s0;
	s0 =	simm.s32 @!p2 $0x0  }
0x16: {  	s3 =	sld [smem:$0x3FDB];
	s0 =	simm.s32 @p2 $0x1  }
0x17: {  	s4 =	simm.s32 $0x1BF5;
	[smem:$0x3FB1] =	sst s0  }
0x18: {  	s0 =	sld [smem:$0x3F94];
	_ =	swait.ge [sflag:s4], $0x0  }
0x19: {  	s7 =	sld [smem:$0x3F95]  }
0x1a: {  	s8 =	sadd.s32 $0xFFFFE003, lr  }
0x1b: {  	s9 =	sadd.s32 $0xFFFFFEF7, lr;
	s5 =	simm.s32 $0xFFFFFFFF;
	p2 =	slt.u32 s8, $0xFFFFF086  }
0x1c: {  	p1 =	slt.u32 s9, $0xF7A;
	s5 =	simm.s32 @!p2 $0x0  }
0x1d: {  	s5 =	simm.s32 @p1 $0x1;
	p0 =	seq.s32 s7, s2  }
0x1e: {  	s7 =	smul.u32 @!p0 $0xF7A, s2;
	p2 =	seq.s32 @!p0 s5, $0x0  }
0x1f: {  	s9 =	smul.u32 $0xF7A, s1;
	s8 =	simm.s32 @!p0 $0x1BF5;
	p2 =	por !p2, p0  }
0x20: {  	[sflag:s8] =	ssyncset.s32 @!p0 $0xFFFFF086;
	s6 =	sadd.s32 @!p0 s3, s7;
	s7 =	simm.s32 @!p0 $0x108  }
0x21: {  	s3 =	sadd.s32 s3, s9;
	s6 =	sadd.s32 @!p0 $0x88, s6;
	s7 =	simm.s32 @p2 $0x1082  }
0x22: {  	[simem:s7], [sflag:s8] =	dma.local @!p0 [hbm:s6], $0xF7A  }
0x23: {  	s9 =	sor.u32 $0xD0000000, s2;
	s6 =	simm.s32 $0x108;
	_ =	swait.ge @!p0 [sflag:s8], $0x0  }
0x24: {  	s3 =	sadd.s32 $0x88, s3;
	s6 =	simm.s32 @!p1 $0x1082;
	[sflag:s4] =	ssyncset.s32 $0xFFFFF086  }
0x25: {  	[simem:s6], [sflag:s4] =	dma.local [hbm:s3], $0xF7A  }
0x26: {  	[smem:$0x3F95] =	sst s1;
	(tag) =	ssettag s2;
	_ =	strace s9  }
0x27: {  	s1 =	sld [smem:$0x3FA5]  }
0x28: {  	s2 =	sld [smem:$0x3FA6]  }
0x29: {  	s4 =	sld [smem:$0x3FA8]  }
0x2a: {  	p0 =	seq.s32 s5, $0x0;
	s5 =	sld [smem:$0x3FA9]  }
0x2b: {  	s6 =	sld [smem:$0x3FAA]  }
0x2c: {  	s7 =	sld [smem:$0x3FAB]  }
0x2d: {  	s3 =	simm.s32 $0x108;
	s8 =	sld [smem:$0x3FAC]  }
0x2e: {  	s3 =	simm.s32 @!p0 $0x1082;
	s9 =	sld [smem:$0x3FAD]  }
0x2f: {  	lr =	sadd.s32 s0, s3;
	s0 =	sld [smem:$0x3FA4]  }
0x30: {  	s3 =	sld [smem:$0x3FA7]  }
0x31: {  	[smem:$0x3FB0] =	sst s10  }
0x32: {  	s10 =	sld [smem:$0x3FAE];
	_ =	sdelay $0x3  }
0x33: {  	p0 =	seq.s32 s10, $0x1;
	s10 =	sld [smem:$0x3FB0];
	_ =	sdelay $0x3  }
0x34: {  	[smem:$0x3FB0] =	sst s10  }
0x35: {  	s10 =	sld [smem:$0x3FAF];
	_ =	sdelay $0x3  }
0x36: {  	p1 =	seq.s32 s10, $0x1;
	s10 =	sld [smem:$0x3FB0];
	_ =	sdelay $0x3  }
0x37: {  	[smem:$0x3FB0] =	sst s10  }
0x38: {  	s10 =	sld [smem:$0x3FB1]  }
0x39: {  	_ = 	snop;
	(pc) =	sbr.ind lr, $3  }
0x3a: {  	_ = 	snop  }
0x3b: {  	_ = 	snop  }
0x3c: {  	p2 =	seq.s32 s10, $0x1;
	s10 =	sld [smem:$0x3FB0]  }
0x3d: {  	_ =	shalt  }
0x3e: {  	_ =	shalt  }
0x3f: {  	_ =	shalt  }
0x40: {  	_ =	shalt  }
0x41: {  	_ =	shalt  }
0x42: {  	_ =	shalt  }
0x43: {  	_ =	shalt  }
0x44: {  	_ =	shalt  }
0x45: {  	_ =	shalt  }
0x46: {  	_ =	shalt  }
0x47: {  	_ =	shalt  }
0x48: {  	_ =	shalt  }
0x49: {  	_ =	shalt  }
0x4a: {  	_ =	shalt  }
0x4b: {  	_ =	shalt  }
0x4c: {  	_ =	shalt  }
0x4d: {  	_ =	shalt  }
0x4e: {  	_ =	shalt  }
0x4f: {  	_ =	shalt  }
0x50: {  	_ =	shalt  }
0x51: {  	_ =	shalt  }
0x52: {  	_ =	shalt  }
0x53: {  	_ =	shalt  }
0x54: {  	_ =	shalt  }
0x55: {  	_ =	shalt  }
0x56: {  	_ =	shalt  }
0x57: {  	_ =	shalt  }
0x58: {  	_ =	shalt  }
0x59: {  	_ =	shalt  }
0x5a: {  	_ =	shalt  }
0x5b: {  	_ =	shalt  }
0x5c: {  	_ =	shalt  }
0x5d: {  	_ =	shalt  }
0x5e: {  	_ =	shalt  }
0x5f: {  	_ =	shalt  }
0x60: {  	_ =	shalt  }
0x61: {  	_ =	shalt  }
0x62: {  	_ =	shalt  }
0x63: {  	_ =	shalt  }
0x64: {  	_ =	shalt  }
0x65: {  	_ =	shalt  }
0x66: {  	_ =	shalt  }
0x67: {  	_ =	shalt  }
0x68: {  	_ =	shalt  }
0x69: {  	_ =	shalt  }
0x6a: {  	_ =	shalt  }
0x6b: {  	_ =	shalt  }
0x6c: {  	_ =	shalt  }
0x6d: {  	_ =	shalt  }
0x6e: {  	_ =	shalt  }
0x6f: {  	_ =	shalt  }
0x70: {  	_ =	shalt  }
0x71: {  	_ =	shalt  }
0x72: {  	_ =	shalt  }
0x73: {  	_ =	shalt  }
0x74: {  	_ =	shalt  }
0x75: {  	_ =	shalt  }
0x76: {  	_ =	shalt  }
0x77: {  	_ =	shalt  }
0x78: {  	_ =	shalt  }
0x79: {  	_ =	shalt  }
0x7a: {  	_ =	shalt  }
0x7b: {  	_ =	shalt  }
0x7c: {  	_ =	shalt  }
0x7d: {  	_ =	shalt  }
0x7e: {  	_ =	shalt  }
0x7f: {  	_ =	shalt  }
0x80: {  	_ =	shalt  }
0x81: {  	_ =	shalt  }
0x82: {  	_ =	shalt  }
0x83: {  	_ =	shalt  }
0x84: {  	_ =	shalt  }
0x85: {  	_ =	shalt  }
0x86: {  	_ =	shalt  }
0x87: {  	_ =	shalt  }
.Lfunc_end0:
.L_simem_size_0:
called_computation.2_lowered:
.L_overlay_start_0:
0x88: {  	s2 =	sld [smem:$0x3FD9]  }
0x89: {  	s3 =	sld [smem:$0x3FFE];
	_ =	sdelay $0x1  }
0x8a: {  	s1 =	srdreg.scid  }
0x8b: {  	s0 =	sand.u32 $0x1, s1  }
0x8c: {  	s16 =	sshll.u32 s0, $0xA;
	s2 =	sadd.s32 s3, s2  }
0x8d: {  	s2 =	sadd.s32 s2, s16  }
0x8e: {  	[smem:$0x3FBC] =	sst s2  }
0x8f: {  	_ = 	snop  }
0x90: {  	(tm) =	ssettm $0x1  }
0x91: {  	s17 =	sld [smem:$0x3FFB];
	_ =	sdelay $0x3  }
0x92: {  	_ =	strace s17  }
0x93: {  	s2 =	sld [smem:$0x3FFC];
	_ =	sdelay $0x3  }
0x94: {  	_ =	strace s2  }
0x95: {  	s2 =	sld [smem:$0x3FFD];
	_ =	sdelay $0x3  }
0x96: {  	_ =	strace s2  }
0x97: {  	_ =	strace $0x8FFFFFFF  }
0x98: {  	s18 =	sld [smem:$0x3FDB];
	_ =	sdelay $0x1  }
0x99: {  	s19 =	simm.s32 $_scs_section_size  }
0x9a: {  	s4 =	simm.s32 $_size__tile_overlayer_lowered;
	s5 =	simm.s32 $_tile_overlayer_lowered  }
0x9b: {  	s22 =	simm.s32 $0x1BFF;
	s21 =	sshll.u32 s5, $0x1;
	s2 =	sadd.s32 s19, s18  }
0x9c: {  	s6 =	simm.s32 $0x0;
	s20 =	sshll.u32 s4, $0x1;
	s4 =	sadd.s32 s21, s2  }
0x9d: {  	[timem:s6], [sflag:s22] =	dma.local [hbm:s4], s20  }
0x9e: {  	_ =	swait.ge [sflag:s22], s20  }
0x9f: {  	s3 =	ssub.s32 $0x0, s20;
	[sflag:s22] =	ssyncset.done $0x0  }
0xa0: {  	[sflag:s22] =	ssyncadd.s32 s3;
	_ =	sdelay $0x1  }
0xa1: {  	s23 =	simm.s32 $0x1B8B  }
0xa2: {  	_ =	swait.ge [sflag:s23], $0x1  }
0xa3: {  	[sflag:s23] =	ssyncset.done $0x0  }
0xa4: {  	s25 =	simm.s32 $0x1B8E;
	s24 =	sld [smem:$0x3FFE];
	[sflag:s23] =	ssyncadd.s32 $0xFFFFFFFF  }
0xa5: {  	s26 =	simm.s32 $execute0_lowered;
	[smem:$0x3FD2] =	sst s25  }
0xa6: {  	s4 =	sshll.u32 s26, $0x1;
	_ =	strace $0x8000004C;
	[dreg:$0x1] =	wrdreg $0xFFFFFFFF  }
0xa7: {  	s28 =	simm.s32 $_size_execute0_lowered;
	s2 =	sadd.s32 s2, s4;
	[dreg:$0x0] =	wrdreg $0x0  }
0xa8: {  	s4 =	sshll.u32 s28, $0x1;
	[dreg:$0x2] =	wrdreg s2  }
0xa9: {  	[dreg:$0x3] =	wrdreg s4  }
0xaa: {  	[dreg:$0x4] =	wrdreg $0xC0  }
0xab: {  	_ =	task [dreg:s6], $0x5FFFF  }
0xac: {  	[dreg:$0x1] =	wrdreg $0xFFFFFFFF  }
0xad: {  	[dreg:$0x0] =	wrdreg $0x60  }
0xae: {  	[dreg:$0x2] =	wrdreg s24  }
0xaf: {  	[dreg:$0x3] =	wrdreg $0x80200  }
0xb0: {  	[dreg:$0x4] =	wrdreg $0x9  }
0xb1: {  	_ =	task.clear_ibuf [dreg:s6], $0x5FFFF;
	_ =	strace $0x9000004C  }
0xb2: {  	s29 =	simm.s32 $0x9;
	_ =	strace $0x8000004E  }
0xb3: {  	_ =	swait.ge [sflag:s29], $0x1  }
0xb4: {  	[sflag:s29] =	ssyncadd.s32 $0xFFFFFFFF  }
0xb5: {  	_ =	strace $0x9000004E  }
0xb6: {  	_ =	sfence  }
0xb7: {  	s30 =	sld [smem:$0x0];
	_ =	sdelay $0x2  }
0xb8: {  	s31 =	sshll.u32 s1, $0xD;
	s1 =	sshrl.u32 s1, $0x2  }
0xb9: {  	s3 =	sand.u32 $0x4000, s31;
	s1 =	sadd.s32 s1, s30  }
0xba: {  	s0 =	sor.u32 s3, s0;
	s1 =	sshll.u32 s1, $0x11  }
0xbb: {  	s0 =	sor.u32 s1, s0  }
0xbc: {  	s0 =	sadd.s32 $0x8F2B, s0  }
0xbd: {  	[sflag:s0] =	ssyncadd.remote.s32 $0x1  }
0xbe: {  	_ =	sfence.sel $0xFFFF  }
0xbf: {  	[dreg:$0x0] =	wrdreg $0xFFFFFFFF;
	(pc) =	sbr.abs _section_cstart, $3  }
0xc0: {  	[dreg:$0x1] =	wrdreg $0xFFFFFFFF  }
0xc1: {  	_ =	task.clear_ibuf [dreg:s6], $0x2FFFF;
	_ =	strace $0x9FFFFFFF  }
0xc2: {  	(tm) =	ssettm $0x7FFFFFFF  }
0xc3: {  	_ =	shalt  }
tec
execute0_lowered:
.L_overlay_start_1:
0x0: {  	(tag) =	ssettag $0x1  }
0x1: {  	s0 =	srdreg.scid;
	s6 =	rddreg [dreg:$0x0]  }
0x2: {  	s11 =	stileid.u32;
	s2 =	rddreg [dreg:$0x1];
	s3 =	simm.s32 $0x0  }
0x3: {  	s14 =	simm.s32 $0x50;
	s15 =	simm.s32 $0x4E20;
	s16 =	simm.s32 $0x5820  }
0x4: {  	s18 =	simm.s32 $0x6220;
	s20 =	simm.s32 $0x6C20;
	s22 =	simm.s32 $0x7620  }
0x5: {  	s23 =	simm.s32 $0x1;
	s24 =	simm.s32 $0x2;
	s28 =	simm.s32 $0x5  }
0x6: {  	s29 =	simm.s32 $0x6;
	s30 =	simm.s32 $0x7;
	s31 =	simm.s32 $0x8  }
0x7: {  	s17 =	simm.s32 $0x0;
	s0 =	sand.u32 $0x1, s0;
	s8 =	smul.u32 $0xA000, s11  }
0x8: {  	[smem:$0x7FF] =	sst s3;
	s4 =	sadd.s32 $0x3E600, s6;
	s26 =	sshll.u32 s11, $0x6  }
0x9: {  	s1 =	sshll.u32 s0, $0x4;
	s5 =	smul.u32 $0xA0000, s0;
	_ =	strace $0x8000004D  }
0xa: {  	s0 =	ssub.s32 $0x2, s0;
	s12 =	sor.u32 $0x1C0B, s26;
	s26 =	simm.s32 $0x4  }
0xb: {  	s1 =	sor.u32 s11, s1;
	s9 =	sshrl.u32 s0, $0x1;
	s25 =	sshrl.u32 s8, $0x1  }
0xc: {  	s1 =	smul.u32 $0x2710, s1;
	s5 =	sadd.s32 s8, s5;
	s0 =	ssub.s32 s0, s9  }
0xd: {  	s7 =	sshrl.u32 s5, $0x4;
	s5 =	sadd.s32 $0x59800, s6;
	s9 =	smax.u32 s0, $0x1  }
0xe: {  	s0 =	simm.s32 $0xA;
	s1 =	sshrl.u32 s1, $0x3;
	s10 =	sadd.s32 s7, s6  }
0xf: {  	s1 =	sadd.s32 s1, s6;
	s8 =	sadd.s32 $0xAA200, s10;
	s10 =	simm.s32 $0xB  }
0x10: {  	s6 =	sadd.s32 $0x3A00, s1;
	s7 =	sadd.s32 $0xD640, s1;
	s1 =	sadd.s32 s25, s2  }
0x11: {  	s25 =	simm.s32 $0x3;
	s13 =	sshrl.u32 s1, $0x3;
	s1 =	simm.s32 $0x9  }
.LBB2_1:
0x12: {  	[tilespmem:s3], [sflag:$0xB] =	stream.linear.gather [hbm4b:s6+s3], $0x2710, $0x38;
	[tilespmem:$0xD020] =	vst v63  }
0x13: {  	_ =	swait.ge [sflag:s10], $0x2710  }
0x14: {  	[sflag:s10] =	ssyncset.done $0x0  }
0x15: {  	s11 =	simm.s32 $0x2710;
	[sflag:s10] =	ssyncadd.s32 $0xFFFFD8F0  }
0x16: {  	[tilespmem:s11], [sflag:$0xB] =	stream.linear.gather [hbm4b:s7+s3], $0x2710, $0x38;
	[tilespmem:$0xD020] =	vst v63  }
0x17: {  	_ =	swait.ge [sflag:s10], $0x2710  }
0x18: {  	[sflag:s10] =	ssyncset.done $0x0  }
0x19: {  	[sflag:s10] =	ssyncadd.s32 $0xFFFFD8F0  }
0x1a: {  	[spmem:s13], [sflag:s12] =	dma.local [hbm:s5], $0xA00  }
0x1b: {  	_ =	swait.ge [sflag:s10], $0xA00  }
0x1c: {  	[sflag:s10] =	ssyncset.done $0x0  }
0x1d: {  	[sflag:s10] =	ssyncadd.s32 $0xFFFFF600  }
0x1e: {  	[bflag:$0x0] =	sbarrier.arrive $0xFFFF  }
0x1f: {  	[tilespmem:s15], [sflag:$0x1] =	stream.indirect.gather [hbm4b:s4+s14], $0x20, s3, s14, $0xb8;
	[tilespmem:$0xD020] =	vst v63  }
0x20: {  	_ = 	snop  }
0x21: {  	[tilespmem:s16], [sflag:$0x2] =	stream.indirect.gather [hbm4b:s4+s14], $0x20, s14, s14, $0xb8;
	[tilespmem:$0xD020] =	vst v63  }
0x22: {  	s21 =	simm.s32 $0xA0  }
0x23: {  	[tilespmem:s18], [sflag:$0x3] =	stream.indirect.gather [hbm4b:s4+s14], $0x20, s21, s14, $0xb8;
	[tilespmem:$0xD020] =	vst v63  }
0x24: {  	s19 =	simm.s32 $0xF0  }
0x25: {  	[tilespmem:s20], [sflag:$0x4] =	stream.indirect.gather [hbm4b:s4+s14], $0x20, s19, s14, $0xb8;
	[tilespmem:$0xD020] =	vst v63  }
0x26: {  	s21 =	simm.s32 $0x140  }
0x27: {  	[tilespmem:s22], [sflag:$0x5] =	stream.indirect.gather [hbm4b:s4+s14], $0x20, s21, s14, $0xb8;
	[tilespmem:$0xD020] =	vst v63  }
0x28: {  	_ =	swait.ge [sflag:s23], $0xA00  }
0x29: {  	[sflag:s23] =	ssyncset.done $0x0  }
0x2a: {  	s19 =	simm.s32 $0x2710;
	[sflag:s23] =	ssyncadd.s32 $0xFFFFF600  }
0x2b: {  	[spmem:s2] =	stream.indirect.scatter.add.bf16 [tilespmem:s15], [sflag:$0x6], $0x20, s19, s14, $0xb8;
	[tilespmem:$0xD020] =	vst v63  }
0x2c: {  	_ =	swait.ge [sflag:s24], $0xA00  }
0x2d: {  	[sflag:s24] =	ssyncset.done $0x0  }
0x2e: {  	s11 =	simm.s32 $0x2760;
	[sflag:s24] =	ssyncadd.s32 $0xFFFFF600  }
0x2f: {  	[spmem:s2] =	stream.indirect.scatter.add.bf16 [tilespmem:s16], [sflag:$0x7], $0x20, s11, s14, $0xb8;
	[tilespmem:$0xD020] =	vst v63  }
0x30: {  	_ =	swait.ge [sflag:s25], $0xA00  }
0x31: {  	[sflag:s25] =	ssyncset.done $0x0  }
0x32: {  	s21 =	simm.s32 $0x27B0;
	[sflag:s25] =	ssyncadd.s32 $0xFFFFF600  }
0x33: {  	[spmem:s2] =	stream.indirect.scatter.add.bf16 [tilespmem:s18], [sflag:$0x8], $0x20, s21, s14, $0xb8;
	[tilespmem:$0xD020] =	vst v63  }
0x34: {  	_ =	swait.ge [sflag:s26], $0xA00  }
0x35: {  	[sflag:s26] =	ssyncset.done $0x0  }
0x36: {  	s11 =	simm.s32 $0x2800;
	[sflag:s26] =	ssyncadd.s32 $0xFFFFF600  }
0x37: {  	[spmem:s2] =	stream.indirect.scatter.add.bf16 [tilespmem:s20], [sflag:$0x9], $0x20, s11, s14, $0xb8;
	[tilespmem:$0xD020] =	vst v63  }
0x38: {  	_ =	swait.ge [sflag:s28], $0xA00  }
0x39: {  	[sflag:s28] =	ssyncset.done $0x0  }
0x3a: {  	s21 =	simm.s32 $0x2850;
	[sflag:s28] =	ssyncadd.s32 $0xFFFFF600  }
0x3b: {  	[spmem:s2] =	stream.indirect.scatter.add.bf16 [tilespmem:s22], [sflag:$0xA], $0x20, s21, s14, $0xb8;
	[tilespmem:$0xD020] =	vst v63  }
0x3c: {  	_ =	swait.ge [sflag:s29], $0xA00  }
0x3d: {  	[sflag:s29] =	ssyncset.done $0x0  }
0x3e: {  	s11 =	simm.s32 $0x190;
	[sflag:s29] =	ssyncadd.s32 $0xFFFFF600  }
0x3f: {  	[tilespmem:s15], [sflag:$0x1] =	stream.indirect.gather [hbm4b:s4+s14], $0x20, s11, s14, $0xb8;
	[tilespmem:$0xD020] =	vst v63  }
0x40: {  	_ =	swait.ge [sflag:s30], $0xA00  }
0x41: {  	[sflag:s30] =	ssyncset.done $0x0  }
0x42: {  	s21 =	simm.s32 $0x1E0;
	[sflag:s30] =	ssyncadd.s32 $0xFFFFF600  }
0x43: {  	[tilespmem:s16], [sflag:$0x2] =	stream.indirect.gather [hbm4b:s4+s14], $0x20, s21, s14, $0xb8;
	[tilespmem:$0xD020] =	vst v63  }
0x44: {  	_ =	swait.ge [sflag:s31], $0xA00  }
0x45: {  	[sflag:s31] =	ssyncset.done $0x0  }
0x46: {  	s11 =	simm.s32 $0x230;
	[sflag:s31] =	ssyncadd.s32 $0xFFFFF600  }
0x47: {  	[tilespmem:s18], [sflag:$0x3] =	stream.indirect.gather [hbm4b:s4+s14], $0x20, s11, s14, $0xb8;
	[tilespmem:$0xD020] =	vst v63  }
0x48: {  	_ =	swait.ge [sflag:s1], $0xA00  }
0x49: {  	[sflag:s1] =	ssyncset.done $0x0  }
0x4a: {  	s21 =	simm.s32 $0x280;
	[sflag:s1] =	ssyncadd.s32 $0xFFFFF600  }
0x4b: {  	[tilespmem:s20], [sflag:$0x4] =	stream.indirect.gather [hbm4b:s4+s14], $0x20, s21, s14, $0xb8;
	[tilespmem:$0xD020] =	vst v63  }
0x4c: {  	_ =	swait.ge [sflag:s0], $0xA00  }
0x4d: {  	[sflag:s0] =	ssyncset.done $0x0  }
0x4e: {  	s19 =	simm.s32 $0x640;
	s21 =	simm.s32 $0x2D0;
	[sflag:s0] =	ssyncadd.s32 $0xFFFFF600  }
.LBB2_2:
0x4f: {  	[tilespmem:s22], [sflag:$0x5] =	stream.indirect.gather [hbm4b:s4+s14], $0x20, s21, s14, $0xb8;
	[tilespmem:$0xD020] =	vst v63  }
0x50: {  	s21 =	smov.u32 s19  }
0x51: {  	p0 =	sne.s32 s19, $0x8FC0;
	s19 =	sadd.s32 $0x640, s19;
	_ =	swait.ge [sflag:s23], $0xA00  }
0x52: {  	s21 =	sshra.s32 s21, $0x2;
	[sflag:s23] =	ssyncset.done $0x0  }
0x53: {  	s11 =	sadd.s32 $0x2710, s21;
	[sflag:s23] =	ssyncadd.s32 $0xFFFFF600  }
0x54: {  	[spmem:s2] =	stream.indirect.scatter.add.bf16 [tilespmem:s15], [sflag:$0x6], $0x20, s11, s14, $0xb8;
	[tilespmem:$0xD020] =	vst v63  }
0x55: {  	_ =	swait.ge [sflag:s24], $0xA00  }
0x56: {  	[sflag:s24] =	ssyncset.done $0x0  }
0x57: {  	s11 =	sadd.s32 $0x2760, s21;
	[sflag:s24] =	ssyncadd.s32 $0xFFFFF600  }
0x58: {  	[spmem:s2] =	stream.indirect.scatter.add.bf16 [tilespmem:s16], [sflag:$0x7], $0x20, s11, s14, $0xb8;
	[tilespmem:$0xD020] =	vst v63  }
0x59: {  	_ =	swait.ge [sflag:s25], $0xA00  }
0x5a: {  	[sflag:s25] =	ssyncset.done $0x0  }
0x5b: {  	s11 =	sadd.s32 $0x27B0, s21;
	[sflag:s25] =	ssyncadd.s32 $0xFFFFF600  }
0x5c: {  	[spmem:s2] =	stream.indirect.scatter.add.bf16 [tilespmem:s18], [sflag:$0x8], $0x20, s11, s14, $0xb8;
	[tilespmem:$0xD020] =	vst v63  }
0x5d: {  	_ =	swait.ge [sflag:s26], $0xA00  }
0x5e: {  	[sflag:s26] =	ssyncset.done $0x0  }
0x5f: {  	s11 =	sadd.s32 $0x2800, s21;
	[sflag:s26] =	ssyncadd.s32 $0xFFFFF600  }
0x60: {  	[spmem:s2] =	stream.indirect.scatter.add.bf16 [tilespmem:s20], [sflag:$0x9], $0x20, s11, s14, $0xb8;
	[tilespmem:$0xD020] =	vst v63  }
0x61: {  	_ =	swait.ge [sflag:s28], $0xA00  }
0x62: {  	[sflag:s28] =	ssyncset.done $0x0  }
0x63: {  	s11 =	sadd.s32 $0x2850, s21;
	[sflag:s28] =	ssyncadd.s32 $0xFFFFF600  }
0x64: {  	[spmem:s2] =	stream.indirect.scatter.add.bf16 [tilespmem:s22], [sflag:$0xA], $0x20, s11, s14, $0xb8;
	[tilespmem:$0xD020] =	vst v63  }
0x65: {  	_ =	swait.ge [sflag:s29], $0xA00  }
0x66: {  	[sflag:s29] =	ssyncset.done $0x0  }
0x67: {  	s11 =	sadd.s32 $0x190, s21;
	[sflag:s29] =	ssyncadd.s32 $0xFFFFF600  }
0x68: {  	[tilespmem:s15], [sflag:$0x1] =	stream.indirect.gather [hbm4b:s4+s14], $0x20, s11, s14, $0xb8;
	[tilespmem:$0xD020] =	vst v63  }
0x69: {  	_ =	swait.ge [sflag:s30], $0xA00  }
0x6a: {  	[sflag:s30] =	ssyncset.done $0x0  }
0x6b: {  	s11 =	sadd.s32 $0x1E0, s21;
	[sflag:s30] =	ssyncadd.s32 $0xFFFFF600  }
0x6c: {  	[tilespmem:s16], [sflag:$0x2] =	stream.indirect.gather [hbm4b:s4+s14], $0x20, s11, s14, $0xb8;
	[tilespmem:$0xD020] =	vst v63  }
0x6d: {  	_ =	swait.ge [sflag:s31], $0xA00  }
0x6e: {  	[sflag:s31] =	ssyncset.done $0x0  }
0x6f: {  	s11 =	sadd.s32 $0x230, s21;
	[sflag:s31] =	ssyncadd.s32 $0xFFFFF600  }
0x70: {  	[tilespmem:s18], [sflag:$0x3] =	stream.indirect.gather [hbm4b:s4+s14], $0x20, s11, s14, $0xb8;
	[tilespmem:$0xD020] =	vst v63  }
0x71: {  	_ =	swait.ge [sflag:s1], $0xA00  }
0x72: {  	[sflag:s1] =	ssyncset.done $0x0  }
.Ltmp0:
0x73: {  	s11 =	sadd.s32 $0x280, s21;
	[sflag:s1] =	ssyncadd.s32 $0xFFFFF600;
	(pc) =	sbr.rel @p0 .LBB2_2-.Ltmp0, $4  }
0x74: {  	[tilespmem:s20], [sflag:$0x4] =	stream.indirect.gather [hbm4b:s4+s14], $0x20, s11, s14, $0xb8;
	[tilespmem:$0xD020] =	vst v63  }
0x75: {  	_ =	swait.ge [sflag:s0], $0xA00  }
0x76: {  	[sflag:s0] =	ssyncset.done $0x0  }
0x77: {  	s21 =	sadd.s32 $0x2D0, s21;
	[sflag:s0] =	ssyncadd.s32 $0xFFFFF600  }
0x78: {  	[tilespmem:s22], [sflag:$0x5] =	stream.indirect.gather [hbm4b:s4+s14], $0x20, s21, s14, $0xb8;
	[tilespmem:$0xD020] =	vst v63  }
0x79: {  	_ =	swait.ge [sflag:s23], $0xA00  }
0x7a: {  	[sflag:s23] =	ssyncset.done $0x0  }
0x7b: {  	s11 =	simm.s32 $0x4C90;
	[sflag:s23] =	ssyncadd.s32 $0xFFFFF600  }
0x7c: {  	[spmem:s2] =	stream.indirect.scatter.add.bf16 [tilespmem:s15], [sflag:$0x6], $0x20, s11, s14, $0xb8;
	[tilespmem:$0xD020] =	vst v63  }
0x7d: {  	_ =	swait.ge [sflag:s24], $0xA00  }
0x7e: {  	[sflag:s24] =	ssyncset.done $0x0  }
0x7f: {  	s19 =	simm.s32 $0x4CE0;
	[sflag:s24] =	ssyncadd.s32 $0xFFFFF600  }
0x80: {  	[spmem:s2] =	stream.indirect.scatter.add.bf16 [tilespmem:s16], [sflag:$0x7], $0x20, s19, s14, $0xb8;
	[tilespmem:$0xD020] =	vst v63  }
0x81: {  	_ =	swait.ge [sflag:s25], $0xA00  }
0x82: {  	[sflag:s25] =	ssyncset.done $0x0  }
0x83: {  	s21 =	simm.s32 $0x4D30;
	[sflag:s25] =	ssyncadd.s32 $0xFFFFF600  }
0x84: {  	[spmem:s2] =	stream.indirect.scatter.add.bf16 [tilespmem:s18], [sflag:$0x8], $0x20, s21, s14, $0xb8;
	[tilespmem:$0xD020] =	vst v63  }
0x85: {  	_ =	swait.ge [sflag:s26], $0xA00  }
0x86: {  	[sflag:s26] =	ssyncset.done $0x0  }
0x87: {  	s19 =	simm.s32 $0x4D80;
	[sflag:s26] =	ssyncadd.s32 $0xFFFFF600  }
0x88: {  	[spmem:s2] =	stream.indirect.scatter.add.bf16 [tilespmem:s20], [sflag:$0x9], $0x20, s19, s14, $0xb8;
	[tilespmem:$0xD020] =	vst v63  }
0x89: {  	_ =	swait.ge [sflag:s28], $0xA00  }
0x8a: {  	[sflag:s28] =	ssyncset.done $0x0  }
0x8b: {  	s21 =	simm.s32 $0x4DD0;
	[sflag:s28] =	ssyncadd.s32 $0xFFFFF600  }
0x8c: {  	[spmem:s2] =	stream.indirect.scatter.add.bf16 [tilespmem:s22], [sflag:$0xA], $0x20, s21, s14, $0xb8;
	[tilespmem:$0xD020] =	vst v63  }
0x8d: {  	_ =	swait.ge [sflag:s29], $0xA00  }
0x8e: {  	[sflag:s29] =	ssyncset.done $0x0  }
0x8f: {  	[sflag:s29] =	ssyncadd.s32 $0xFFFFF600  }
0x90: {  	_ =	swait.ge [sflag:s30], $0xA00  }
0x91: {  	[sflag:s30] =	ssyncset.done $0x0  }
0x92: {  	[sflag:s30] =	ssyncadd.s32 $0xFFFFF600  }
0x93: {  	_ =	swait.ge [sflag:s31], $0xA00  }
0x94: {  	[sflag:s31] =	ssyncset.done $0x0  }
0x95: {  	[sflag:s31] =	ssyncadd.s32 $0xFFFFF600  }
0x96: {  	_ =	swait.ge [sflag:s1], $0xA00  }
0x97: {  	[sflag:s1] =	ssyncset.done $0x0  }
0x98: {  	[sflag:s1] =	ssyncadd.s32 $0xFFFFF600  }
0x99: {  	_ =	swait.ge [sflag:s0], $0xA00  }
0x9a: {  	s17 =	sadd.s32 $0x1, s17;
	[sflag:s0] =	ssyncset.done $0x0  }
0x9b: {  	p0 =	sne.s32 s17, s9;
	[sflag:s0] =	ssyncadd.s32 $0xFFFFF600  }
.Ltmp1:
0x9c: {  	[bflag:$0x0] =	sbarrier.arrive $0xFFFF;
	(pc) =	sbr.rel @p0 .LBB2_1-.Ltmp1, $4  }
0x9d: {  	[hbm:s8], [sflag:s12] =	dma.local [spmem:s13], $0xA00  }
0x9e: {  	_ =	swait.ge [sflag:s10], $0xA00  }
0x9f: {  	[sflag:s10] =	ssyncset.done $0x0  }
0xa0: {  	[sflag:s10] =	ssyncadd.s32 $0xFFFFF600  }
0xa1: {  	_ =	sfence.sel $0x180000  }
0xa2: {  	[bflag:$0x0] =	sbarrier.arrive $0xFFFF  }
0xa3: {  	_ =	strace $0x9000004D  }
0xa4: {  	s0 =	stileid.u32;
	[bflag:$0x2] =	sbarrier.arrive $0xFFFF  }
0xa5: {  	p0 =	sne.s32 s0, $0x0;
	s0 =	rddreg [dreg:$0x2]  }
0xa6: {  	s0 =	sadd.s32 @!p0 $0x100000, s0  }
0xa7: {  	[sflag:s0] =	ssyncadd.tile.s32 @!p0 $0x1;
	_ =	shalt  }
.Lfunc_end2:
_tile_overlayer_lowered:
.L_overlay_start_2:
0xa8: {  	(tag) =	ssettag $0x2  }
0xa9: {  	s0 =	rddreg [dreg:$0x0];
	s2 =	stileid.u32  }
0xaa: {  	s1 =	rddreg [dreg:$0x1];
	p0 =	sne.s32 s2, $0x0  }
0xab: {  	s3 =	rddreg [dreg:$0x2];
	[bflag:$0x3] =	sbarrier.arrive $0xFFFF;
	s2 =	simm.s32 @!p0 $0x1C0B  }
0xac: {  	[timem:s3], [sflag:s2] =	dma.local @!p0 [hbm:s0], s1  }
0xad: {  	s0 =	simm.s32 @!p0 $0xB  }
0xae: {  	_ =	swait.ge @!p0 [sflag:s0], s1  }
0xaf: {  	s1 =	ssub.s32 @!p0 $0x0, s1;
	[sflag:s0] =	ssyncset.done @!p0 $0x0  }
0xb0: {  	[sflag:s0] =	ssyncadd.s32 @!p0 s1  }
0xb1: {  	[bflag:$0x3] =	sbarrier.arrive $0xFFFF  }
0xb2: {  	_ =	shalt  }

</sc_bundles>
